<compile_context>
chip_gen: v7x
topology: tpu7x:2x2x1
jax: 0.10.2.dev20260603
libtpu: 0.0.44.dev20260713+nightly
codegen_flags: <defaults>
</compile_context>

<pallas_src>
import functools

import jax
import jax.numpy as jnp
from jax import lax
from jax.experimental import pallas as pl
from jax.experimental.pallas import tpu as pltpu
from jax.experimental.pallas import tpu_sc as plsc

EPS = 1e-5
NC = 2
NS = 16
NW = NC * NS
CH = 128


def _sc_mesh():
    return plsc.VectorSubcoreMesh(
        core_axis_name="c", subcore_axis_name="s", num_cores=NC, num_subcores=NS
    )


def _softplus(x):
    return jnp.maximum(x, 0.0) + jnp.log1p(jnp.exp(-jnp.abs(x)))


def _sigmoid(x):
    return 1.0 / (1.0 + jnp.exp(-x))


def _sc_gather(node_fea, idx1, idx2, cnt_init, eoff, esz):
    n, d = node_fea.shape
    e = esz
    epw = e // NW
    chg = 64
    npair, rest = divmod(epw, 2 * chg)
    nch1, tail = divmod(rest, chg)
    rpt = (-(-n // NS) + 7) // 8 * 8
    n_pad = NS * rpt

    ones = jnp.ones((chg, d), jnp.float32)

    scratch = []
    for _ in range(2):
        scratch += [
            pltpu.VMEM((chg,), jnp.int32),
            pltpu.VMEM((chg,), jnp.int32),
            pltpu.VMEM((chg, d), jnp.float32),
            pltpu.VMEM((chg, d), jnp.float32),
            pltpu.SemaphoreType.DMA,
            pltpu.SemaphoreType.DMA,
        ]
    scratch += [
        pltpu.VMEM((chg, d), jnp.float32),
        pltpu.VMEM_SHARED((n_pad, d), jnp.float32),
    ]
    if tail:
        scratch += [
            pltpu.VMEM((tail,), jnp.int32),
            pltpu.VMEM((tail,), jnp.int32),
            pltpu.VMEM((tail, d), jnp.float32),
            pltpu.VMEM((tail, d), jnp.float32),
        ]

    @functools.partial(
        pl.kernel,
        out_type=[
            jax.ShapeDtypeStruct((e, d), jnp.float32),
            jax.ShapeDtypeStruct((e, d), jnp.float32),
            jax.ShapeDtypeStruct((NC, n_pad, d), jnp.float32),
        ],
        mesh=_sc_mesh(),
        scratch_types=scratch,
    )
    def gather_kernel(node_hbm, idx1_hbm, idx2_hbm, cinit_hbm, ones_hbm,
                      g1_hbm, g2_hbm, pcnt_hbm,
                      i1a, i2a, r1a, r2a, s1a, s2a,
                      i1b, i2b, r1b, r2b, s1b, s2b,
                      o_v, scnt, *tails):
        cid = lax.axis_index("c")
        sid = lax.axis_index("s")
        wid = sid * NC + cid
        base = wid * epw

        pltpu.sync_copy(cinit_hbm.at[cid, pl.ds(sid * rpt, rpt)],
                        scnt.at[pl.ds(sid * rpt, rpt)])
        pltpu.sync_copy(ones_hbm, o_v)
        plsc.subcore_barrier()

        def fire(off, cnt, ia, ib, ra, rb, sa, sb, oo):
            pltpu.sync_copy(idx1_hbm.at[pl.ds(eoff + off, cnt)], ia)
            pltpu.sync_copy(idx2_hbm.at[pl.ds(eoff + off, cnt)], ib)
            c1 = pltpu.async_copy(node_hbm.at[ia], ra, sa)
            c2 = pltpu.async_copy(node_hbm.at[ib], rb, sb)
            pltpu.sync_copy(oo, scnt.at[ia], add=True)
            return c1, c2

        def drain(off, cnt, ra, rb, c1, c2):
            c1.wait()
            pltpu.sync_copy(ra, g1_hbm.at[pl.ds(off, cnt)])
            c2.wait()
            pltpu.sync_copy(rb, g2_hbm.at[pl.ds(off, cnt)])

        def pair(j, carry):
            offa = base + (2 * j) * chg
            offb = offa + chg
            ca1, ca2 = fire(offa, chg, i1a, i2a, r1a, r2a, s1a, s2a, o_v)
            cb1, cb2 = fire(offb, chg, i1b, i2b, r1b, r2b, s1b, s2b, o_v)
            drain(offa, chg, r1a, r2a, ca1, ca2)
            drain(offb, chg, r1b, r2b, cb1, cb2)
            return carry

        lax.fori_loop(0, npair, pair, 0)
        off = base + npair * 2 * chg
        if nch1:
            c1, c2 = fire(off, chg, i1a, i2a, r1a, r2a, s1a, s2a, o_v)
            drain(off, chg, r1a, r2a, c1, c2)
            off += chg
        if tail:
            i1t, i2t, r1t, r2t = tails
            c1, c2 = fire(off, tail, i1t, i2t, r1t, r2t, s1a, s2a,
                          o_v.at[pl.ds(0, tail)])
            drain(off, tail, r1t, r2t, c1, c2)
        plsc.subcore_barrier()

        pltpu.sync_copy(scnt.at[pl.ds(sid * rpt, rpt)],
                        pcnt_hbm.at[cid, pl.ds(sid * rpt, rpt)])

    return gather_kernel(node_fea, idx1, idx2, cnt_init, ones)


def _sc_scatter(msg, idx1, n, sum_init, eoff):
    e, d = msg.shape
    epw = e // NW
    npair, rest = divmod(epw, 2 * CH)
    nch1, tail = divmod(rest, CH)
    rpt = (-(-n // NS) + 7) // 8 * 8
    n_pad = NS * rpt

    scratch = [
        pltpu.VMEM((CH,), jnp.int32),
        pltpu.VMEM((CH, d), jnp.float32),
        pltpu.SemaphoreType.DMA,
        pltpu.VMEM((CH,), jnp.int32),
        pltpu.VMEM((CH, d), jnp.float32),
        pltpu.SemaphoreType.DMA,
        pltpu.VMEM_SHARED((n_pad, d), jnp.float32),
    ]
    if tail:
        scratch += [
            pltpu.VMEM((tail,), jnp.int32),
            pltpu.VMEM((tail, d), jnp.float32),
        ]

    @functools.partial(
        pl.kernel,
        out_type=[
            jax.ShapeDtypeStruct((NC, n_pad, d), jnp.float32),
        ],
        mesh=_sc_mesh(),
        scratch_types=scratch,
    )
    def scatter_kernel(msg_hbm, idx_hbm, sinit_hbm, psum_hbm,
                       i_a, m_a, s_a, i_b, m_b, s_b, ssum, *tails):
        cid = lax.axis_index("c")
        sid = lax.axis_index("s")
        wid = sid * NC + cid
        base = wid * epw

        pltpu.sync_copy(sinit_hbm.at[cid, pl.ds(sid * rpt, rpt)],
                        ssum.at[pl.ds(sid * rpt, rpt)])
        plsc.subcore_barrier()

        def fire(off, cnt, iv, mv, sem):
            pltpu.sync_copy(idx_hbm.at[pl.ds(eoff + off, cnt)], iv)
            return pltpu.async_copy(msg_hbm.at[pl.ds(off, cnt)], mv, sem)

        def drain(cm, iv, mv):
            cm.wait()
            pltpu.sync_copy(mv, ssum.at[iv], add=True)

        def pair(j, carry):
            offa = base + (2 * j) * CH
            ca = fire(offa, CH, i_a, m_a, s_a)
            cb = fire(offa + CH, CH, i_b, m_b, s_b)
            drain(ca, i_a, m_a)
            drain(cb, i_b, m_b)
            return carry

        lax.fori_loop(0, npair, pair, 0)
        off = base + npair * 2 * CH
        if nch1:
            drain(fire(off, CH, i_a, m_a, s_a), i_a, m_a)
            off += CH
        if tail:
            it_v, mt_v = tails
            drain(fire(off, tail, it_v, mt_v, s_a), it_v, mt_v)
        plsc.subcore_barrier()

        pltpu.sync_copy(ssum.at[pl.ds(sid * rpt, rpt)],
                        psum_hbm.at[cid, pl.ds(sid * rpt, rpt)])

    (psum,) = scatter_kernel(msg, idx1, sum_init)
    return psum


def _tc_stats(g1, g2, edge_t, wa, wb, we, b2d, tb, eoffb):
    e2, d = g1.shape
    d2 = b2d.shape[1]
    de = edge_t.shape[0]
    grid = (e2 // tb,)

    def body(g1_ref, g2_ref, et_ref, wa_ref, wb_ref, we_ref, b_ref,
             out_ref, z_ref):
        i = pl.program_id(0)
        z = (
            jnp.dot(g1_ref[...].astype(jnp.bfloat16), wa_ref[...],
                    preferred_element_type=jnp.float32)
            + jnp.dot(g2_ref[...].astype(jnp.bfloat16), wb_ref[...],
                      preferred_element_type=jnp.float32)
            + lax.dot_general(et_ref[...].astype(jnp.bfloat16), we_ref[...],
                              (((0,), (0,)), ((), ())),
                              preferred_element_type=jnp.float32)
            + b_ref[...]
        )
        z_ref[...] = z.astype(jnp.bfloat16)

        @pl.when(i == 0)
        def _():
            out_ref[...] = jnp.zeros_like(out_ref)

        out_ref[0:1, :] += jnp.sum(z, axis=0, keepdims=True)
        out_ref[1:2, :] += jnp.sum(z * z, axis=0, keepdims=True)

    return pl.pallas_call(
        body,
        grid=grid,
        in_specs=[
            pl.BlockSpec((tb, d), lambda i: (i, 0)),
            pl.BlockSpec((tb, d), lambda i: (i, 0)),
            pl.BlockSpec((de, tb), lambda i: (0, i + eoffb)),
            pl.BlockSpec((d, d2), lambda i: (0, 0)),
            pl.BlockSpec((d, d2), lambda i: (0, 0)),
            pl.BlockSpec((de, d2), lambda i: (0, 0)),
            pl.BlockSpec((1, d2), lambda i: (0, 0)),
        ],
        out_specs=[
            pl.BlockSpec((2, d2), lambda i: (0, 0)),
            pl.BlockSpec((tb, d2), lambda i: (i, 0)),
        ],
        out_shape=[
            jax.ShapeDtypeStruct((2, d2), jnp.float32),
            jax.ShapeDtypeStruct((e2, d2), jnp.bfloat16),
        ],
    )(g1, g2, edge_t, wa, wb, we, b2d)


def _tc_msg(z, aff, d, tb):
    e, d2 = z.shape
    grid = (e // tb,)

    def body(z_ref, a_ref, out_ref):
        u = z_ref[...].astype(jnp.float32) * a_ref[0:1, :] + a_ref[1:2, :]
        gate = _sigmoid(u[:, :d])
        conv = _softplus(u[:, d:])
        out_ref[...] = gate * conv

    return pl.pallas_call(
        body,
        grid=grid,
        in_specs=[
            pl.BlockSpec((tb, d2), lambda i: (i, 0)),
            pl.BlockSpec((2, d2), lambda i: (0, 0)),
        ],
        out_specs=pl.BlockSpec((tb, d), lambda i: (i, 0)),
        out_shape=jax.ShapeDtypeStruct((e, d), jnp.float32),
    )(z, aff)


def _tc_final(node_fea, psum, pcnt, g2d, b2d, tn):
    n, d = node_fea.shape
    nt = n // tn
    nf = float(n)

    def body(node_ref, s_ref, c_ref, g_ref, b_ref, out_ref, acc1, acc2):
        p = pl.program_id(0)
        t = pl.program_id(1)
        s = s_ref[0] + s_ref[1]
        cnt = c_ref[0, :, 0:1] + c_ref[1, :, 0:1]
        agg = s / jnp.maximum(cnt, 1.0)

        @pl.when((p == 0) & (t == 0))
        def _():
            acc1[...] = jnp.zeros_like(acc1)
            acc2[...] = jnp.zeros_like(acc2)

        @pl.when(p == 0)
        def _():
            acc1[...] += jnp.sum(agg, axis=0, keepdims=True)
            acc2[...] += jnp.sum(agg * agg, axis=0, keepdims=True)
            out_ref[...] = agg

        @pl.when(p == 1)
        def _():
            mu = acc1[...] / nf
            var = acc2[...] / nf - mu * mu
            inv = 1.0 / jnp.sqrt(var + EPS)
            bn = (agg - mu) * inv * g_ref[...] + b_ref[...]
            out_ref[...] = _softplus(node_ref[...] + bn)

    return pl.pallas_call(
        body,
        grid=(2, nt),
        in_specs=[
            pl.BlockSpec((tn, d), lambda p, t: (t, 0)),
            pl.BlockSpec((NC, tn, d), lambda p, t: (0, t, 0)),
            pl.BlockSpec((NC, tn, d), lambda p, t: (0, t, 0)),
            pl.BlockSpec((1, d), lambda p, t: (0, 0)),
            pl.BlockSpec((1, d), lambda p, t: (0, 0)),
        ],
        out_specs=pl.BlockSpec((tn, d), lambda p, t: (t, 0)),
        out_shape=jax.ShapeDtypeStruct((n, d), jnp.float32),
        scratch_shapes=[
            pltpu.VMEM((1, d), jnp.float32),
            pltpu.VMEM((1, d), jnp.float32),
        ],
    )(node_fea, psum, pcnt, g2d, b2d)


def kernel(node_fea, idx1, idx2, edge_fea, W_full, b_full, gamma1, beta1,
           gamma2, beta2):
    n, d = node_fea.shape
    e = idx1.shape[0]
    d2 = 2 * d
    rpt = (-(-n // NS) + 7) // 8 * 8
    n_pad = NS * rpt

    wa = W_full[:, :d].T.astype(jnp.bfloat16)
    wb = W_full[:, d:2 * d].T.astype(jnp.bfloat16)
    we = W_full[:, 2 * d:].T.astype(jnp.bfloat16)
    b2d = b_full.reshape(1, d2)
    zpart = jnp.zeros((NC, n_pad, d), jnp.float32)

    tb = 1280
    h = e // 2
    edge_t = edge_fea.T

    g1a, g2a, pca = _sc_gather(node_fea, idx1, idx2, zpart, 0, h)
    g1b, g2b, pcnt = _sc_gather(node_fea, idx1, idx2, pca, h, h)

    s12a, za = _tc_stats(g1a, g2a, edge_t, wa, wb, we, b2d, tb, 0)
    s12b, zb = _tc_stats(g1b, g2b, edge_t, wa, wb, we, b2d, tb, h // tb)
    s12 = s12a + s12b
    mean = s12[0] / e
    var = s12[1] / e - mean * mean
    a = gamma1 / jnp.sqrt(var + EPS)
    c = beta1 - mean * a
    aff = jnp.stack([a, c])

    ma = _tc_msg(za, aff, d, tb=1600)
    mb = _tc_msg(zb, aff, d, tb=1600)

    psa = _sc_scatter(ma, idx1, n, zpart, 0)
    psum = _sc_scatter(mb, idx1, n, psa, h)

    out = _tc_final(node_fea, psum, pcnt, gamma2.reshape(1, d),
                    beta2.reshape(1, d), tn=2000)
    return out

# --- scband reference (transcript-rebuilt; emitter-appended) ---
"""Pipeline reference for scband-conv-layer-15161234555426 (READ-ONLY COPY).

The authoritative reference and input builder live on the scoring server;
editing this copy changes nothing except your own understanding.
"""

import jax, jax.numpy as jnp
import numpy as np

N = 10000
E = 320000
D = 128
DE = 16
EPS = 1e-5


def setup_inputs(seed: int = 0):
    key = jax.random.key(seed)
    ks = jax.random.split(key, 10)
    node_fea = jax.random.normal(ks[0], (N, D), dtype=jnp.float32)
    idx1 = jax.random.randint(ks[1], (E,), 0, N, dtype=jnp.int32)
    idx2 = jax.random.randint(ks[2], (E,), 0, N, dtype=jnp.int32)
    edge_fea = jax.random.normal(ks[3], (E, DE), dtype=jnp.float32)
    # Learned parameters: fc_full is Linear(2*D + DE -> 2*D), bn1 over 2*D, bn2 over D
    fan_in = 2 * D + DE
    bound = 1.0 / np.sqrt(fan_in)
    W_full = jax.random.uniform(ks[4], (2 * D, fan_in), minval=-bound, maxval=bound, dtype=jnp.float32)
    b_full = jax.random.uniform(ks[5], (2 * D,), minval=-bound, maxval=bound, dtype=jnp.float32)
    gamma1 = jnp.ones((2 * D,), dtype=jnp.float32)
    beta1 = jnp.zeros((2 * D,), dtype=jnp.float32)
    gamma2 = jnp.ones((D,), dtype=jnp.float32)
    beta2 = jnp.zeros((D,), dtype=jnp.float32)
    return {
        "node_fea": node_fea,
        "idx1": idx1,
        "idx2": idx2,
        "edge_fea": edge_fea,
        "W_full": W_full,
        "b_full": b_full,
        "gamma1": gamma1,
        "beta1": beta1,
        "gamma2": gamma2,
        "beta2": beta2,
    }


def _batchnorm(x, gamma, beta):
    mu = jnp.mean(x, axis=0)
    var = jnp.var(x, axis=0)
    return (x - mu) / jnp.sqrt(var + EPS) * gamma + beta


def reference(node_fea, idx1, idx2, edge_fea, W_full, b_full, gamma1, beta1, gamma2, beta2):
    n = node_fea.shape[0]
    node1 = jnp.take(node_fea, idx1, axis=0)
    node2 = jnp.take(node_fea, idx2, axis=0)
    z12 = jnp.concatenate([node1, node2, edge_fea], axis=1)
    z12 = z12 @ W_full.T + b_full
    z12 = _batchnorm(z12, gamma1, beta1)
    gate, conv_fea = jnp.split(z12, 2, axis=1)
    gate = jax.nn.sigmoid(gate)
    conv_fea = jax.nn.softplus(conv_fea)
    msg = gate * conv_fea
    sums = jax.ops.segment_sum(msg, idx1, num_segments=n)
    counts = jax.ops.segment_sum(jnp.ones((idx1.shape[0],), dtype=msg.dtype), idx1, num_segments=n)
    agg = sums / jnp.clip(counts, 1.0)[:, None]
    node_new = _batchnorm(agg, gamma2, beta2)
    return jax.nn.softplus(node_fea + node_new)

if __name__ == "__main__":
    import jax
    _d = setup_inputs()
    print(jax.jit(kernel)(*tuple(_d.values())))

</pallas_src>

<mosaic_0001>
#map = affine_map<(d0, d1) -> (0, 0)>
#map1 = affine_map<(d0, d1) -> (0)>
#map2 = affine_map<(d0, d1) -> (0, 0, 0)>
module attributes {stable_mosaic.version = 14 : i64} {
  func.func @gather_kernel(%arg0: i32, %arg1: i32, %arg2: memref<10000x128xf32, #tpu.memory_space<hbm>>, %arg3: memref<320000xi32, #tpu.memory_space<hbm>>, %arg4: memref<320000xi32, #tpu.memory_space<hbm>>, %arg5: memref<2x10112x128xf32, #tpu.memory_space<hbm>>, %arg6: memref<64x128xf32, #tpu.memory_space<hbm>>, %arg7: memref<160000x128xf32, #tpu.memory_space<hbm>>, %arg8: memref<160000x128xf32, #tpu.memory_space<hbm>>, %arg9: memref<2x10112x128xf32, #tpu.memory_space<hbm>>, %arg10: memref<64xi32, #tpu.memory_space<vmem>>, %arg11: memref<64xi32, #tpu.memory_space<vmem>>, %arg12: memref<64x128xf32, #tpu.memory_space<vmem>>, %arg13: memref<64x128xf32, #tpu.memory_space<vmem>>, %arg14: memref<!tpu.dma_semaphore, #tpu.memory_space<semaphore_mem>>, %arg15: memref<!tpu.dma_semaphore, #tpu.memory_space<semaphore_mem>>, %arg16: memref<64xi32, #tpu.memory_space<vmem>>, %arg17: memref<64xi32, #tpu.memory_space<vmem>>, %arg18: memref<64x128xf32, #tpu.memory_space<vmem>>, %arg19: memref<64x128xf32, #tpu.memory_space<vmem>>, %arg20: memref<!tpu.dma_semaphore, #tpu.memory_space<semaphore_mem>>, %arg21: memref<!tpu.dma_semaphore, #tpu.memory_space<semaphore_mem>>, %arg22: memref<64x128xf32, #tpu.memory_space<vmem>>, %arg23: memref<10112x128xf32, #tpu.memory_space<vmem_shared>>, %arg24: memref<8xi32, #tpu.memory_space<vmem>>, %arg25: memref<8xi32, #tpu.memory_space<vmem>>, %arg26: memref<8x128xf32, #tpu.memory_space<vmem>>, %arg27: memref<8x128xf32, #tpu.memory_space<vmem>>) attributes {dimension_semantics = [#tpu.dimension_semantics<core_parallel>, #tpu.dimension_semantics<subcore_parallel>], iteration_bounds = array<i64: 2, 16>, scalar_prefetch = 0 : i64, scratch_operands = 18 : i64, tpu.core_type = #tpu.core_type<sc_vector_subcore>, window_params = [{transform_indices = #map}, {transform_indices = #map1}, {transform_indices = #map1}, {transform_indices = #map2}, {transform_indices = #map}, {transform_indices = #map}, {transform_indices = #map}, {transform_indices = #map2}]} {
    %mul3A = arith.constant 2 : i32
    %mul3A_0 = arith.muli %arg1, %mul3A : i32
    %add3A = arith.addi %mul3A_0, %arg0 : i32
    %mul3A_1 = arith.constant 5000 : i32
    %mul3A_2 = arith.muli %add3A, %mul3A_1 : i32
    %mul3A_3 = arith.constant 632 : i32
    %mul3A_4 = arith.muli %arg1, %mul3A_3 : i32
    %mul3A_5 = arith.constant 632 : i32
    %mul3A_6 = arith.muli %arg1, %mul3A_5 : i32
    "tpu.region"() ({
      %run_scoped3A = tpu.sem_alloc : memref<!tpu.dma_semaphore, #tpu.memory_space<semaphore_mem>>
      %dma_start3A_33 = arith.constant 0 : i32
      %dma_start3A_34 = tpu.memref_slice %arg23[%mul3A_6, %dma_start3A_33] : memref<10112x128xf32, #tpu.memory_space<vmem_shared>> -> memref<632x128xf32, #tpu.memory_space<vmem_shared>>
      %dma_start3A_35 = arith.constant 0 : i32
      %dma_start3A_36 = tpu.memref_slice %arg5[%arg0, %mul3A_4, %dma_start3A_35] : memref<2x10112x128xf32, #tpu.memory_space<hbm>> -> memref<1x632x128xf32, #tpu.memory_space<hbm>>
      %dma_start3A_37 = tpu.memref_squeeze %dma_start3A_36 : memref<1x632x128xf32, #tpu.memory_space<hbm>> -> memref<632x128xf32, #tpu.memory_space<hbm>>
      tpu.enqueue_dma source(%dma_start3A_37 : memref<632x128xf32, #tpu.memory_space<hbm>>) target(%dma_start3A_34 : memref<632x128xf32, #tpu.memory_space<vmem_shared>>) target_semaphore(%run_scoped3A : memref<!tpu.dma_semaphore, #tpu.memory_space<semaphore_mem>>)
      %dma_wait3A_38 = arith.constant 0 : i32
      %dma_wait3A_39 = tpu.memref_slice %arg23[%mul3A_6, %dma_wait3A_38] : memref<10112x128xf32, #tpu.memory_space<vmem_shared>> -> memref<632x128xf32, #tpu.memory_space<vmem_shared>>
      %dma_wait3A_40 = arith.constant 0 : i32
      %dma_wait3A_41 = tpu.memref_slice %arg5[%arg0, %mul3A_4, %dma_wait3A_40] : memref<2x10112x128xf32, #tpu.memory_space<hbm>> -> memref<1x632x128xf32, #tpu.memory_space<hbm>>
      %dma_wait3A_42 = tpu.memref_squeeze %dma_wait3A_41 : memref<1x632x128xf32, #tpu.memory_space<hbm>> -> memref<632x128xf32, #tpu.memory_space<hbm>>
      tpu.wait_dma2 semaphore(%run_scoped3A : memref<!tpu.dma_semaphore, #tpu.memory_space<semaphore_mem>>) src(%dma_wait3A_42 : memref<632x128xf32, #tpu.memory_space<hbm>>) dst(%dma_wait3A_39 : memref<632x128xf32, #tpu.memory_space<vmem_shared>>)
      tpu.yield
    }) : () -> ()
    "tpu.region"() ({
      %run_scoped3A = tpu.sem_alloc : memref<!tpu.dma_semaphore, #tpu.memory_space<semaphore_mem>>
      tpu.enqueue_dma source(%arg6 : memref<64x128xf32, #tpu.memory_space<hbm>>) target(%arg22 : memref<64x128xf32, #tpu.memory_space<vmem>>) target_semaphore(%run_scoped3A : memref<!tpu.dma_semaphore, #tpu.memory_space<semaphore_mem>>)
      tpu.wait_dma2 semaphore(%run_scoped3A : memref<!tpu.dma_semaphore, #tpu.memory_space<semaphore_mem>>) src(%arg6 : memref<64x128xf32, #tpu.memory_space<hbm>>) dst(%arg22 : memref<64x128xf32, #tpu.memory_space<vmem>>)
      tpu.yield
    }) : () -> ()
    %barrier3A = arith.constant 0 : index
    tpu.barrier barrier_id(%barrier3A)
    %scan3A = arith.constant 0 : i32
    %scan3A_7 = arith.constant 0 : i32
    %scan3A_8 = arith.constant 39 : i32
    %scan3A_9 = arith.addi %scan3A_7, %scan3A_8 : i32
    %scan3A_10 = arith.constant 1 : i32
    scf.for %scan3A_33 = %scan3A_7 to %scan3A_9 step %scan3A_10  : i32 {
      %mul3A_34 = arith.constant 2 : i32
      %mul3A_35 = arith.muli %mul3A_34, %scan3A_33 : i32
      %mul3A_36 = arith.constant 64 : i32
      %mul3A_37 = arith.muli %mul3A_35, %mul3A_36 : i32
      %add3A_38 = arith.addi %mul3A_2, %mul3A_37 : i32
      %add3A_39 = arith.constant 64 : i32
      %add3A_40 = arith.addi %add3A_38, %add3A_39 : i32
      %add3A_41 = arith.constant 0 : i32
      %add3A_42 = arith.addi %add3A_41, %add3A_38 : i32
      "tpu.region"() ({
        %run_scoped3A = tpu.sem_alloc : memref<!tpu.dma_semaphore, #tpu.memory_space<semaphore_mem>>
        %dma_start3A_73 = tpu.memref_slice %arg3[%add3A_42] : memref<320000xi32, #tpu.memory_space<hbm>> -> memref<64xi32, #tpu.memory_space<hbm>>
        %dma_start3A_74 = tpu.memref_slice %arg3[%add3A_42] : memref<320000xi32, #tpu.memory_space<hbm>> -> memref<64xi32, #tpu.memory_space<hbm>>
        tpu.enqueue_dma source(%dma_start3A_74 : memref<64xi32, #tpu.memory_space<hbm>>) target(%arg10 : memref<64xi32, #tpu.memory_space<vmem>>) target_semaphore(%run_scoped3A : memref<!tpu.dma_semaphore, #tpu.memory_space<semaphore_mem>>)
        %dma_wait3A_75 = tpu.memref_slice %arg3[%add3A_42] : memref<320000xi32, #tpu.memory_space<hbm>> -> memref<64xi32, #tpu.memory_space<hbm>>
        %dma_wait3A_76 = tpu.memref_slice %arg3[%add3A_42] : memref<320000xi32, #tpu.memory_space<hbm>> -> memref<64xi32, #tpu.memory_space<hbm>>
        tpu.wait_dma2 semaphore(%run_scoped3A : memref<!tpu.dma_semaphore, #tpu.memory_space<semaphore_mem>>) src(%dma_wait3A_76 : memref<64xi32, #tpu.memory_space<hbm>>) dst(%arg10 : memref<64xi32, #tpu.memory_space<vmem>>)
        tpu.yield
      }) : () -> ()
      %add3A_43 = arith.constant 0 : i32
      %add3A_44 = arith.addi %add3A_43, %add3A_38 : i32
      "tpu.region"() ({
        %run_scoped3A = tpu.sem_alloc : memref<!tpu.dma_semaphore, #tpu.memory_space<semaphore_mem>>
        %dma_start3A_73 = tpu.memref_slice %arg4[%add3A_44] : memref<320000xi32, #tpu.memory_space<hbm>> -> memref<64xi32, #tpu.memory_space<hbm>>
        %dma_start3A_74 = tpu.memref_slice %arg4[%add3A_44] : memref<320000xi32, #tpu.memory_space<hbm>> -> memref<64xi32, #tpu.memory_space<hbm>>
        tpu.enqueue_dma source(%dma_start3A_74 : memref<64xi32, #tpu.memory_space<hbm>>) target(%arg11 : memref<64xi32, #tpu.memory_space<vmem>>) target_semaphore(%run_scoped3A : memref<!tpu.dma_semaphore, #tpu.memory_space<semaphore_mem>>)
        %dma_wait3A_75 = tpu.memref_slice %arg4[%add3A_44] : memref<320000xi32, #tpu.memory_space<hbm>> -> memref<64xi32, #tpu.memory_space<hbm>>
        %dma_wait3A_76 = tpu.memref_slice %arg4[%add3A_44] : memref<320000xi32, #tpu.memory_space<hbm>> -> memref<64xi32, #tpu.memory_space<hbm>>
        tpu.wait_dma2 semaphore(%run_scoped3A : memref<!tpu.dma_semaphore, #tpu.memory_space<semaphore_mem>>) src(%dma_wait3A_76 : memref<64xi32, #tpu.memory_space<hbm>>) dst(%arg11 : memref<64xi32, #tpu.memory_space<vmem>>)
        tpu.yield
      }) : () -> ()
      %dma_start3A_45 = arith.constant 0 : i32
      %dma_start3A_46 = arith.constant 0 : i32
      %dma_start3A_47 = tpu.memref_slice %arg2[%dma_start3A_45, %dma_start3A_46] : memref<10000x128xf32, #tpu.memory_space<hbm>> -> memref<10000x128xf32, #tpu.memory_space<hbm>>
      tpu.enqueue_indirect_dma source(%dma_start3A_47 : memref<10000x128xf32, #tpu.memory_space<hbm>>) target(%arg12 : memref<64x128xf32, #tpu.memory_space<vmem>>) offsets(%arg10 : memref<64xi32, #tpu.memory_space<vmem>>) semaphore(%arg14 : memref<!tpu.dma_semaphore, #tpu.memory_space<semaphore_mem>>)
      %dma_start3A_48 = arith.constant 0 : i32
      %dma_start3A_49 = arith.constant 0 : i32
      %dma_start3A_50 = tpu.memref_slice %arg2[%dma_start3A_48, %dma_start3A_49] : memref<10000x128xf32, #tpu.memory_space<hbm>> -> memref<10000x128xf32, #tpu.memory_space<hbm>>
      tpu.enqueue_indirect_dma source(%dma_start3A_50 : memref<10000x128xf32, #tpu.memory_space<hbm>>) target(%arg13 : memref<64x128xf32, #tpu.memory_space<vmem>>) offsets(%arg11 : memref<64xi32, #tpu.memory_space<vmem>>) semaphore(%arg15 : memref<!tpu.dma_semaphore, #tpu.memory_space<semaphore_mem>>)
      "tpu.region"() ({
        %run_scoped3A = tpu.sem_alloc : memref<!tpu.dma_semaphore, #tpu.memory_space<semaphore_mem>>
        %dma_start3A_73 = arith.constant 0 : i32
        %dma_start3A_74 = arith.constant 0 : i32
        %dma_start3A_75 = tpu.memref_slice %arg23[%dma_start3A_73, %dma_start3A_74] : memref<10112x128xf32, #tpu.memory_space<vmem_shared>> -> memref<10112x128xf32, #tpu.memory_space<vmem_shared>>
        tpu.enqueue_indirect_dma source(%arg22 : memref<64x128xf32, #tpu.memory_space<vmem>>) target(%dma_start3A_75 : memref<10112x128xf32, #tpu.memory_space<vmem_shared>>) offsets(%arg10 : memref<64xi32, #tpu.memory_space<vmem>>) semaphore(%run_scoped3A : memref<!tpu.dma_semaphore, #tpu.memory_space<semaphore_mem>>) {add = true}
        %dma_wait3A_76 = arith.constant 0 : i32
        %dma_wait3A_77 = arith.constant 0 : i32
        %dma_wait3A_78 = tpu.memref_slice %arg23[%dma_wait3A_76, %dma_wait3A_77] : memref<10112x128xf32, #tpu.memory_space<vmem_shared>> -> memref<10112x128xf32, #tpu.memory_space<vmem_shared>>
        tpu.wait_indirect_dma semaphore(%run_scoped3A : memref<!tpu.dma_semaphore, #tpu.memory_space<semaphore_mem>>) src(%arg22 : memref<64x128xf32, #tpu.memory_space<vmem>>) dst(%dma_wait3A_78 : memref<10112x128xf32, #tpu.memory_space<vmem_shared>>)
        tpu.yield
      }) : () -> ()
      %add3A_51 = arith.constant 0 : i32
      %add3A_52 = arith.addi %add3A_51, %add3A_40 : i32
      "tpu.region"() ({
        %run_scoped3A = tpu.sem_alloc : memref<!tpu.dma_semaphore, #tpu.memory_space<semaphore_mem>>
        %dma_start3A_73 = tpu.memref_slice %arg3[%add3A_52] : memref<320000xi32, #tpu.memory_space<hbm>> -> memref<64xi32, #tpu.memory_space<hbm>>
        %dma_start3A_74 = tpu.memref_slice %arg3[%add3A_52] : memref<320000xi32, #tpu.memory_space<hbm>> -> memref<64xi32, #tpu.memory_space<hbm>>
        tpu.enqueue_dma source(%dma_start3A_74 : memref<64xi32, #tpu.memory_space<hbm>>) target(%arg16 : memref<64xi32, #tpu.memory_space<vmem>>) target_semaphore(%run_scoped3A : memref<!tpu.dma_semaphore, #tpu.memory_space<semaphore_mem>>)
        %dma_wait3A_75 = tpu.memref_slice %arg3[%add3A_52] : memref<320000xi32, #tpu.memory_space<hbm>> -> memref<64xi32, #tpu.memory_space<hbm>>
        %dma_wait3A_76 = tpu.memref_slice %arg3[%add3A_52] : memref<320000xi32, #tpu.memory_space<hbm>> -> memref<64xi32, #tpu.memory_space<hbm>>
        tpu.wait_dma2 semaphore(%run_scoped3A : memref<!tpu.dma_semaphore, #tpu.memory_space<semaphore_mem>>) src(%dma_wait3A_76 : memref<64xi32, #tpu.memory_space<hbm>>) dst(%arg16 : memref<64xi32, #tpu.memory_space<vmem>>)
        tpu.yield
      }) : () -> ()
      %add3A_53 = arith.constant 0 : i32
      %add3A_54 = arith.addi %add3A_53, %add3A_40 : i32
      "tpu.region"() ({
        %run_scoped3A = tpu.sem_alloc : memref<!tpu.dma_semaphore, #tpu.memory_space<semaphore_mem>>
        %dma_start3A_73 = tpu.memref_slice %arg4[%add3A_54] : memref<320000xi32, #tpu.memory_space<hbm>> -> memref<64xi32, #tpu.memory_space<hbm>>
        %dma_start3A_74 = tpu.memref_slice %arg4[%add3A_54] : memref<320000xi32, #tpu.memory_space<hbm>> -> memref<64xi32, #tpu.memory_space<hbm>>
        tpu.enqueue_dma source(%dma_start3A_74 : memref<64xi32, #tpu.memory_space<hbm>>) target(%arg17 : memref<64xi32, #tpu.memory_space<vmem>>) target_semaphore(%run_scoped3A : memref<!tpu.dma_semaphore, #tpu.memory_space<semaphore_mem>>)
        %dma_wait3A_75 = tpu.memref_slice %arg4[%add3A_54] : memref<320000xi32, #tpu.memory_space<hbm>> -> memref<64xi32, #tpu.memory_space<hbm>>
        %dma_wait3A_76 = tpu.memref_slice %arg4[%add3A_54] : memref<320000xi32, #tpu.memory_space<hbm>> -> memref<64xi32, #tpu.memory_space<hbm>>
        tpu.wait_dma2 semaphore(%run_scoped3A : memref<!tpu.dma_semaphore, #tpu.memory_space<semaphore_mem>>) src(%dma_wait3A_76 : memref<64xi32, #tpu.memory_space<hbm>>) dst(%arg17 : memref<64xi32, #tpu.memory_space<vmem>>)
        tpu.yield
      }) : () -> ()
      %dma_start3A_55 = arith.constant 0 : i32
      %dma_start3A_56 = arith.constant 0 : i32
      %dma_start3A_57 = tpu.memref_slice %arg2[%dma_start3A_55, %dma_start3A_56] : memref<10000x128xf32, #tpu.memory_space<hbm>> -> memref<10000x128xf32, #tpu.memory_space<hbm>>
      tpu.enqueue_indirect_dma source(%dma_start3A_57 : memref<10000x128xf32, #tpu.memory_space<hbm>>) target(%arg18 : memref<64x128xf32, #tpu.memory_space<vmem>>) offsets(%arg16 : memref<64xi32, #tpu.memory_space<vmem>>) semaphore(%arg20 : memref<!tpu.dma_semaphore, #tpu.memory_space<semaphore_mem>>)
      %dma_start3A_58 = arith.constant 0 : i32
      %dma_start3A_59 = arith.constant 0 : i32
      %dma_start3A_60 = tpu.memref_slice %arg2[%dma_start3A_58, %dma_start3A_59] : memref<10000x128xf32, #tpu.memory_space<hbm>> -> memref<10000x128xf32, #tpu.memory_space<hbm>>
      tpu.enqueue_indirect_dma source(%dma_start3A_60 : memref<10000x128xf32, #tpu.memory_space<hbm>>) target(%arg19 : memref<64x128xf32, #tpu.memory_space<vmem>>) offsets(%arg17 : memref<64xi32, #tpu.memory_space<vmem>>) semaphore(%arg21 : memref<!tpu.dma_semaphore, #tpu.memory_space<semaphore_mem>>)
      "tpu.region"() ({
        %run_scoped3A = tpu.sem_alloc : memref<!tpu.dma_semaphore, #tpu.memory_space<semaphore_mem>>
        %dma_start3A_73 = arith.constant 0 : i32
        %dma_start3A_74 = arith.constant 0 : i32
        %dma_start3A_75 = tpu.memref_slice %arg23[%dma_start3A_73, %dma_start3A_74] : memref<10112x128xf32, #tpu.memory_space<vmem_shared>> -> memref<10112x128xf32, #tpu.memory_space<vmem_shared>>
        tpu.enqueue_indirect_dma source(%arg22 : memref<64x128xf32, #tpu.memory_space<vmem>>) target(%dma_start3A_75 : memref<10112x128xf32, #tpu.memory_space<vmem_shared>>) offsets(%arg16 : memref<64xi32, #tpu.memory_space<vmem>>) semaphore(%run_scoped3A : memref<!tpu.dma_semaphore, #tpu.memory_space<semaphore_mem>>) {add = true}
        %dma_wait3A_76 = arith.constant 0 : i32
        %dma_wait3A_77 = arith.constant 0 : i32
        %dma_wait3A_78 = tpu.memref_slice %arg23[%dma_wait3A_76, %dma_wait3A_77] : memref<10112x128xf32, #tpu.memory_space<vmem_shared>> -> memref<10112x128xf32, #tpu.memory_space<vmem_shared>>
        tpu.wait_indirect_dma semaphore(%run_scoped3A : memref<!tpu.dma_semaphore, #tpu.memory_space<semaphore_mem>>) src(%arg22 : memref<64x128xf32, #tpu.memory_space<vmem>>) dst(%dma_wait3A_78 : memref<10112x128xf32, #tpu.memory_space<vmem_shared>>)
        tpu.yield
      }) : () -> ()
      %dma_wait3A_61 = arith.constant 0 : i32
      %dma_wait3A_62 = arith.constant 0 : i32
      %dma_wait3A_63 = tpu.memref_slice %arg2[%dma_wait3A_61, %dma_wait3A_62] : memref<10000x128xf32, #tpu.memory_space<hbm>> -> memref<10000x128xf32, #tpu.memory_space<hbm>>
      tpu.wait_indirect_dma semaphore(%arg14 : memref<!tpu.dma_semaphore, #tpu.memory_space<semaphore_mem>>) src(%dma_wait3A_63 : memref<10000x128xf32, #tpu.memory_space<hbm>>) dst(%arg12 : memref<64x128xf32, #tpu.memory_space<vmem>>)
      "tpu.region"() ({
        %run_scoped3A = tpu.sem_alloc : memref<!tpu.dma_semaphore, #tpu.memory_space<semaphore_mem>>
        %dma_start3A_73 = arith.constant 0 : i32
        %dma_start3A_74 = tpu.memref_slice %arg7[%add3A_38, %dma_start3A_73] : memref<160000x128xf32, #tpu.memory_space<hbm>> -> memref<64x128xf32, #tpu.memory_space<hbm>>
        %dma_start3A_75 = arith.constant 0 : i32
        %dma_start3A_76 = tpu.memref_slice %arg7[%add3A_38, %dma_start3A_75] : memref<160000x128xf32, #tpu.memory_space<hbm>> -> memref<64x128xf32, #tpu.memory_space<hbm>>
        tpu.enqueue_dma source(%arg12 : memref<64x128xf32, #tpu.memory_space<vmem>>) target(%dma_start3A_76 : memref<64x128xf32, #tpu.memory_space<hbm>>) target_semaphore(%run_scoped3A : memref<!tpu.dma_semaphore, #tpu.memory_space<semaphore_mem>>)
        %dma_wait3A_77 = arith.constant 0 : i32
        %dma_wait3A_78 = tpu.memref_slice %arg7[%add3A_38, %dma_wait3A_77] : memref<160000x128xf32, #tpu.memory_space<hbm>> -> memref<64x128xf32, #tpu.memory_space<hbm>>
        %dma_wait3A_79 = arith.constant 0 : i32
        %dma_wait3A_80 = tpu.memref_slice %arg7[%add3A_38, %dma_wait3A_79] : memref<160000x128xf32, #tpu.memory_space<hbm>> -> memref<64x128xf32, #tpu.memory_space<hbm>>
        tpu.wait_dma2 semaphore(%run_scoped3A : memref<!tpu.dma_semaphore, #tpu.memory_space<semaphore_mem>>) src(%arg12 : memref<64x128xf32, #tpu.memory_space<vmem>>) dst(%dma_wait3A_80 : memref<64x128xf32, #tpu.memory_space<hbm>>)
        tpu.yield
      }) : () -> ()
      %dma_wait3A_64 = arith.constant 0 : i32
      %dma_wait3A_65 = arith.constant 0 : i32
      %dma_wait3A_66 = tpu.memref_slice %arg2[%dma_wait3A_64, %dma_wait3A_65] : memref<10000x128xf32, #tpu.memory_space<hbm>> -> memref<10000x128xf32, #tpu.memory_space<hbm>>
      tpu.wait_indirect_dma semaphore(%arg15 : memref<!tpu.dma_semaphore, #tpu.memory_space<semaphore_mem>>) src(%dma_wait3A_66 : memref<10000x128xf32, #tpu.memory_space<hbm>>) dst(%arg13 : memref<64x128xf32, #tpu.memory_space<vmem>>)
      "tpu.region"() ({
        %run_scoped3A = tpu.sem_alloc : memref<!tpu.dma_semaphore, #tpu.memory_space<semaphore_mem>>
        %dma_start3A_73 = arith.constant 0 : i32
        %dma_start3A_74 = tpu.memref_slice %arg8[%add3A_38, %dma_start3A_73] : memref<160000x128xf32, #tpu.memory_space<hbm>> -> memref<64x128xf32, #tpu.memory_space<hbm>>
        %dma_start3A_75 = arith.constant 0 : i32
        %dma_start3A_76 = tpu.memref_slice %arg8[%add3A_38, %dma_start3A_75] : memref<160000x128xf32, #tpu.memory_space<hbm>> -> memref<64x128xf32, #tpu.memory_space<hbm>>
        tpu.enqueue_dma source(%arg13 : memref<64x128xf32, #tpu.memory_space<vmem>>) target(%dma_start3A_76 : memref<64x128xf32, #tpu.memory_space<hbm>>) target_semaphore(%run_scoped3A : memref<!tpu.dma_semaphore, #tpu.memory_space<semaphore_mem>>)
        %dma_wait3A_77 = arith.constant 0 : i32
        %dma_wait3A_78 = tpu.memref_slice %arg8[%add3A_38, %dma_wait3A_77] : memref<160000x128xf32, #tpu.memory_space<hbm>> -> memref<64x128xf32, #tpu.memory_space<hbm>>
        %dma_wait3A_79 = arith.constant 0 : i32
        %dma_wait3A_80 = tpu.memref_slice %arg8[%add3A_38, %dma_wait3A_79] : memref<160000x128xf32, #tpu.memory_space<hbm>> -> memref<64x128xf32, #tpu.memory_space<hbm>>
        tpu.wait_dma2 semaphore(%run_scoped3A : memref<!tpu.dma_semaphore, #tpu.memory_space<semaphore_mem>>) src(%arg13 : memref<64x128xf32, #tpu.memory_space<vmem>>) dst(%dma_wait3A_80 : memref<64x128xf32, #tpu.memory_space<hbm>>)
        tpu.yield
      }) : () -> ()
      %dma_wait3A_67 = arith.constant 0 : i32
      %dma_wait3A_68 = arith.constant 0 : i32
      %dma_wait3A_69 = tpu.memref_slice %arg2[%dma_wait3A_67, %dma_wait3A_68] : memref<10000x128xf32, #tpu.memory_space<hbm>> -> memref<10000x128xf32, #tpu.memory_space<hbm>>
      tpu.wait_indirect_dma semaphore(%arg20 : memref<!tpu.dma_semaphore, #tpu.memory_space<semaphore_mem>>) src(%dma_wait3A_69 : memref<10000x128xf32, #tpu.memory_space<hbm>>) dst(%arg18 : memref<64x128xf32, #tpu.memory_space<vmem>>)
      "tpu.region"() ({
        %run_scoped3A = tpu.sem_alloc : memref<!tpu.dma_semaphore, #tpu.memory_space<semaphore_mem>>
        %dma_start3A_73 = arith.constant 0 : i32
        %dma_start3A_74 = tpu.memref_slice %arg7[%add3A_40, %dma_start3A_73] : memref<160000x128xf32, #tpu.memory_space<hbm>> -> memref<64x128xf32, #tpu.memory_space<hbm>>
        %dma_start3A_75 = arith.constant 0 : i32
        %dma_start3A_76 = tpu.memref_slice %arg7[%add3A_40, %dma_start3A_75] : memref<160000x128xf32, #tpu.memory_space<hbm>> -> memref<64x128xf32, #tpu.memory_space<hbm>>
        tpu.enqueue_dma source(%arg18 : memref<64x128xf32, #tpu.memory_space<vmem>>) target(%dma_start3A_76 : memref<64x128xf32, #tpu.memory_space<hbm>>) target_semaphore(%run_scoped3A : memref<!tpu.dma_semaphore, #tpu.memory_space<semaphore_mem>>)
        %dma_wait3A_77 = arith.constant 0 : i32
        %dma_wait3A_78 = tpu.memref_slice %arg7[%add3A_40, %dma_wait3A_77] : memref<160000x128xf32, #tpu.memory_space<hbm>> -> memref<64x128xf32, #tpu.memory_space<hbm>>
        %dma_wait3A_79 = arith.constant 0 : i32
        %dma_wait3A_80 = tpu.memref_slice %arg7[%add3A_40, %dma_wait3A_79] : memref<160000x128xf32, #tpu.memory_space<hbm>> -> memref<64x128xf32, #tpu.memory_space<hbm>>
        tpu.wait_dma2 semaphore(%run_scoped3A : memref<!tpu.dma_semaphore, #tpu.memory_space<semaphore_mem>>) src(%arg18 : memref<64x128xf32, #tpu.memory_space<vmem>>) dst(%dma_wait3A_80 : memref<64x128xf32, #tpu.memory_space<hbm>>)
        tpu.yield
      }) : () -> ()
      %dma_wait3A_70 = arith.constant 0 : i32
      %dma_wait3A_71 = arith.constant 0 : i32
      %dma_wait3A_72 = tpu.memref_slice %arg2[%dma_wait3A_70, %dma_wait3A_71] : memref<10000x128xf32, #tpu.memory_space<hbm>> -> memref<10000x128xf32, #tpu.memory_space<hbm>>
      tpu.wait_indirect_dma semaphore(%arg21 : memref<!tpu.dma_semaphore, #tpu.memory_space<semaphore_mem>>) src(%dma_wait3A_72 : memref<10000x128xf32, #tpu.memory_space<hbm>>) dst(%arg19 : memref<64x128xf32, #tpu.memory_space<vmem>>)
      "tpu.region"() ({
        %run_scoped3A = tpu.sem_alloc : memref<!tpu.dma_semaphore, #tpu.memory_space<semaphore_mem>>
        %dma_start3A_73 = arith.constant 0 : i32
        %dma_start3A_74 = tpu.memref_slice %arg8[%add3A_40, %dma_start3A_73] : memref<160000x128xf32, #tpu.memory_space<hbm>> -> memref<64x128xf32, #tpu.memory_space<hbm>>
        %dma_start3A_75 = arith.constant 0 : i32
        %dma_start3A_76 = tpu.memref_slice %arg8[%add3A_40, %dma_start3A_75] : memref<160000x128xf32, #tpu.memory_space<hbm>> -> memref<64x128xf32, #tpu.memory_space<hbm>>
        tpu.enqueue_dma source(%arg19 : memref<64x128xf32, #tpu.memory_space<vmem>>) target(%dma_start3A_76 : memref<64x128xf32, #tpu.memory_space<hbm>>) target_semaphore(%run_scoped3A : memref<!tpu.dma_semaphore, #tpu.memory_space<semaphore_mem>>)
        %dma_wait3A_77 = arith.constant 0 : i32
        %dma_wait3A_78 = tpu.memref_slice %arg8[%add3A_40, %dma_wait3A_77] : memref<160000x128xf32, #tpu.memory_space<hbm>> -> memref<64x128xf32, #tpu.memory_space<hbm>>
        %dma_wait3A_79 = arith.constant 0 : i32
        %dma_wait3A_80 = tpu.memref_slice %arg8[%add3A_40, %dma_wait3A_79] : memref<160000x128xf32, #tpu.memory_space<hbm>> -> memref<64x128xf32, #tpu.memory_space<hbm>>
        tpu.wait_dma2 semaphore(%run_scoped3A : memref<!tpu.dma_semaphore, #tpu.memory_space<semaphore_mem>>) src(%arg19 : memref<64x128xf32, #tpu.memory_space<vmem>>) dst(%dma_wait3A_80 : memref<64x128xf32, #tpu.memory_space<hbm>>)
        tpu.yield
      }) : () -> ()
    }
    %scan3A_11 = arith.constant 39 : i32
    %add3A_12 = arith.constant 4992 : i32
    %add3A_13 = arith.addi %mul3A_2, %add3A_12 : i32
    %add3A_14 = arith.constant 0 : i32
    %add3A_15 = arith.addi %add3A_14, %add3A_13 : i32
    "tpu.region"() ({
      %run_scoped3A = tpu.sem_alloc : memref<!tpu.dma_semaphore, #tpu.memory_space<semaphore_mem>>
      %dma_start3A_33 = tpu.memref_slice %arg3[%add3A_15] : memref<320000xi32, #tpu.memory_space<hbm>> -> memref<8xi32, #tpu.memory_space<hbm>>
      %dma_start3A_34 = tpu.memref_slice %arg3[%add3A_15] : memref<320000xi32, #tpu.memory_space<hbm>> -> memref<8xi32, #tpu.memory_space<hbm>>
      tpu.enqueue_dma source(%dma_start3A_34 : memref<8xi32, #tpu.memory_space<hbm>>) target(%arg24 : memref<8xi32, #tpu.memory_space<vmem>>) target_semaphore(%run_scoped3A : memref<!tpu.dma_semaphore, #tpu.memory_space<semaphore_mem>>)
      %dma_wait3A_35 = tpu.memref_slice %arg3[%add3A_15] : memref<320000xi32, #tpu.memory_space<hbm>> -> memref<8xi32, #tpu.memory_space<hbm>>
      %dma_wait3A_36 = tpu.memref_slice %arg3[%add3A_15] : memref<320000xi32, #tpu.memory_space<hbm>> -> memref<8xi32, #tpu.memory_space<hbm>>
      tpu.wait_dma2 semaphore(%run_scoped3A : memref<!tpu.dma_semaphore, #tpu.memory_space<semaphore_mem>>) src(%dma_wait3A_36 : memref<8xi32, #tpu.memory_space<hbm>>) dst(%arg24 : memref<8xi32, #tpu.memory_space<vmem>>)
      tpu.yield
    }) : () -> ()
    %add3A_16 = arith.constant 0 : i32
    %add3A_17 = arith.addi %add3A_16, %add3A_13 : i32
    "tpu.region"() ({
      %run_scoped3A = tpu.sem_alloc : memref<!tpu.dma_semaphore, #tpu.memory_space<semaphore_mem>>
      %dma_start3A_33 = tpu.memref_slice %arg4[%add3A_17] : memref<320000xi32, #tpu.memory_space<hbm>> -> memref<8xi32, #tpu.memory_space<hbm>>
      %dma_start3A_34 = tpu.memref_slice %arg4[%add3A_17] : memref<320000xi32, #tpu.memory_space<hbm>> -> memref<8xi32, #tpu.memory_space<hbm>>
      tpu.enqueue_dma source(%dma_start3A_34 : memref<8xi32, #tpu.memory_space<hbm>>) target(%arg25 : memref<8xi32, #tpu.memory_space<vmem>>) target_semaphore(%run_scoped3A : memref<!tpu.dma_semaphore, #tpu.memory_space<semaphore_mem>>)
      %dma_wait3A_35 = tpu.memref_slice %arg4[%add3A_17] : memref<320000xi32, #tpu.memory_space<hbm>> -> memref<8xi32, #tpu.memory_space<hbm>>
      %dma_wait3A_36 = tpu.memref_slice %arg4[%add3A_17] : memref<320000xi32, #tpu.memory_space<hbm>> -> memref<8xi32, #tpu.memory_space<hbm>>
      tpu.wait_dma2 semaphore(%run_scoped3A : memref<!tpu.dma_semaphore, #tpu.memory_space<semaphore_mem>>) src(%dma_wait3A_36 : memref<8xi32, #tpu.memory_space<hbm>>) dst(%arg25 : memref<8xi32, #tpu.memory_space<vmem>>)
      tpu.yield
    }) : () -> ()
    %dma_start3A = arith.constant 0 : i32
    %dma_start3A_18 = arith.constant 0 : i32
    %dma_start3A_19 = tpu.memref_slice %arg2[%dma_start3A, %dma_start3A_18] : memref<10000x128xf32, #tpu.memory_space<hbm>> -> memref<10000x128xf32, #tpu.memory_space<hbm>>
    tpu.enqueue_indirect_dma source(%dma_start3A_19 : memref<10000x128xf32, #tpu.memory_space<hbm>>) target(%arg26 : memref<8x128xf32, #tpu.memory_space<vmem>>) offsets(%arg24 : memref<8xi32, #tpu.memory_space<vmem>>) semaphore(%arg14 : memref<!tpu.dma_semaphore, #tpu.memory_space<semaphore_mem>>)
    %dma_start3A_20 = arith.constant 0 : i32
    %dma_start3A_21 = arith.constant 0 : i32
    %dma_start3A_22 = tpu.memref_slice %arg2[%dma_start3A_20, %dma_start3A_21] : memref<10000x128xf32, #tpu.memory_space<hbm>> -> memref<10000x128xf32, #tpu.memory_space<hbm>>
    tpu.enqueue_indirect_dma source(%dma_start3A_22 : memref<10000x128xf32, #tpu.memory_space<hbm>>) target(%arg27 : memref<8x128xf32, #tpu.memory_space<vmem>>) offsets(%arg25 : memref<8xi32, #tpu.memory_space<vmem>>) semaphore(%arg15 : memref<!tpu.dma_semaphore, #tpu.memory_space<semaphore_mem>>)
    "tpu.region"() ({
      %run_scoped3A = tpu.sem_alloc : memref<!tpu.dma_semaphore, #tpu.memory_space<semaphore_mem>>
      %dma_start3A_33 = arith.constant 0 : i32
      %dma_start3A_34 = arith.constant 0 : i32
      %dma_start3A_35 = tpu.memref_slice %arg22[%dma_start3A_33, %dma_start3A_34] : memref<64x128xf32, #tpu.memory_space<vmem>> -> memref<8x128xf32, #tpu.memory_space<vmem>>
      %dma_start3A_36 = arith.constant 0 : i32
      %dma_start3A_37 = arith.constant 0 : i32
      %dma_start3A_38 = tpu.memref_slice %arg23[%dma_start3A_36, %dma_start3A_37] : memref<10112x128xf32, #tpu.memory_space<vmem_shared>> -> memref<10112x128xf32, #tpu.memory_space<vmem_shared>>
      tpu.enqueue_indirect_dma source(%dma_start3A_35 : memref<8x128xf32, #tpu.memory_space<vmem>>) target(%dma_start3A_38 : memref<10112x128xf32, #tpu.memory_space<vmem_shared>>) offsets(%arg24 : memref<8xi32, #tpu.memory_space<vmem>>) semaphore(%run_scoped3A : memref<!tpu.dma_semaphore, #tpu.memory_space<semaphore_mem>>) {add = true}
      %dma_wait3A_39 = arith.constant 0 : i32
      %dma_wait3A_40 = arith.constant 0 : i32
      %dma_wait3A_41 = tpu.memref_slice %arg22[%dma_wait3A_39, %dma_wait3A_40] : memref<64x128xf32, #tpu.memory_space<vmem>> -> memref<8x128xf32, #tpu.memory_space<vmem>>
      %dma_wait3A_42 = arith.constant 0 : i32
      %dma_wait3A_43 = arith.constant 0 : i32
      %dma_wait3A_44 = tpu.memref_slice %arg23[%dma_wait3A_42, %dma_wait3A_43] : memref<10112x128xf32, #tpu.memory_space<vmem_shared>> -> memref<10112x128xf32, #tpu.memory_space<vmem_shared>>
      tpu.wait_indirect_dma semaphore(%run_scoped3A : memref<!tpu.dma_semaphore, #tpu.memory_space<semaphore_mem>>) src(%dma_wait3A_41 : memref<8x128xf32, #tpu.memory_space<vmem>>) dst(%dma_wait3A_44 : memref<10112x128xf32, #tpu.memory_space<vmem_shared>>)
      tpu.yield
    }) : () -> ()
    %dma_wait3A = arith.constant 0 : i32
    %dma_wait3A_23 = arith.constant 0 : i32
    %dma_wait3A_24 = tpu.memref_slice %arg2[%dma_wait3A, %dma_wait3A_23] : memref<10000x128xf32, #tpu.memory_space<hbm>> -> memref<10000x128xf32, #tpu.memory_space<hbm>>
    tpu.wait_indirect_dma semaphore(%arg14 : memref<!tpu.dma_semaphore, #tpu.memory_space<semaphore_mem>>) src(%dma_wait3A_24 : memref<10000x128xf32, #tpu.memory_space<hbm>>) dst(%arg26 : memref<8x128xf32, #tpu.memory_space<vmem>>)
    "tpu.region"() ({
      %run_scoped3A = tpu.sem_alloc : memref<!tpu.dma_semaphore, #tpu.memory_space<semaphore_mem>>
      %dma_start3A_33 = arith.constant 0 : i32
      %dma_start3A_34 = tpu.memref_slice %arg7[%add3A_13, %dma_start3A_33] : memref<160000x128xf32, #tpu.memory_space<hbm>> -> memref<8x128xf32, #tpu.memory_space<hbm>>
      %dma_start3A_35 = arith.constant 0 : i32
      %dma_start3A_36 = tpu.memref_slice %arg7[%add3A_13, %dma_start3A_35] : memref<160000x128xf32, #tpu.memory_space<hbm>> -> memref<8x128xf32, #tpu.memory_space<hbm>>
      tpu.enqueue_dma source(%arg26 : memref<8x128xf32, #tpu.memory_space<vmem>>) target(%dma_start3A_36 : memref<8x128xf32, #tpu.memory_space<hbm>>) target_semaphore(%run_scoped3A : memref<!tpu.dma_semaphore, #tpu.memory_space<semaphore_mem>>)
      %dma_wait3A_37 = arith.constant 0 : i32
      %dma_wait3A_38 = tpu.memref_slice %arg7[%add3A_13, %dma_wait3A_37] : memref<160000x128xf32, #tpu.memory_space<hbm>> -> memref<8x128xf32, #tpu.memory_space<hbm>>
      %dma_wait3A_39 = arith.constant 0 : i32
      %dma_wait3A_40 = tpu.memref_slice %arg7[%add3A_13, %dma_wait3A_39] : memref<160000x128xf32, #tpu.memory_space<hbm>> -> memref<8x128xf32, #tpu.memory_space<hbm>>
      tpu.wait_dma2 semaphore(%run_scoped3A : memref<!tpu.dma_semaphore, #tpu.memory_space<semaphore_mem>>) src(%arg26 : memref<8x128xf32, #tpu.memory_space<vmem>>) dst(%dma_wait3A_40 : memref<8x128xf32, #tpu.memory_space<hbm>>)
      tpu.yield
    }) : () -> ()
    %dma_wait3A_25 = arith.constant 0 : i32
    %dma_wait3A_26 = arith.constant 0 : i32
    %dma_wait3A_27 = tpu.memref_slice %arg2[%dma_wait3A_25, %dma_wait3A_26] : memref<10000x128xf32, #tpu.memory_space<hbm>> -> memref<10000x128xf32, #tpu.memory_space<hbm>>
    tpu.wait_indirect_dma semaphore(%arg15 : memref<!tpu.dma_semaphore, #tpu.memory_space<semaphore_mem>>) src(%dma_wait3A_27 : memref<10000x128xf32, #tpu.memory_space<hbm>>) dst(%arg27 : memref<8x128xf32, #tpu.memory_space<vmem>>)
    "tpu.region"() ({
      %run_scoped3A = tpu.sem_alloc : memref<!tpu.dma_semaphore, #tpu.memory_space<semaphore_mem>>
      %dma_start3A_33 = arith.constant 0 : i32
      %dma_start3A_34 = tpu.memref_slice %arg8[%add3A_13, %dma_start3A_33] : memref<160000x128xf32, #tpu.memory_space<hbm>> -> memref<8x128xf32, #tpu.memory_space<hbm>>
      %dma_start3A_35 = arith.constant 0 : i32
      %dma_start3A_36 = tpu.memref_slice %arg8[%add3A_13, %dma_start3A_35] : memref<160000x128xf32, #tpu.memory_space<hbm>> -> memref<8x128xf32, #tpu.memory_space<hbm>>
      tpu.enqueue_dma source(%arg27 : memref<8x128xf32, #tpu.memory_space<vmem>>) target(%dma_start3A_36 : memref<8x128xf32, #tpu.memory_space<hbm>>) target_semaphore(%run_scoped3A : memref<!tpu.dma_semaphore, #tpu.memory_space<semaphore_mem>>)
      %dma_wait3A_37 = arith.constant 0 : i32
      %dma_wait3A_38 = tpu.memref_slice %arg8[%add3A_13, %dma_wait3A_37] : memref<160000x128xf32, #tpu.memory_space<hbm>> -> memref<8x128xf32, #tpu.memory_space<hbm>>
      %dma_wait3A_39 = arith.constant 0 : i32
      %dma_wait3A_40 = tpu.memref_slice %arg8[%add3A_13, %dma_wait3A_39] : memref<160000x128xf32, #tpu.memory_space<hbm>> -> memref<8x128xf32, #tpu.memory_space<hbm>>
      tpu.wait_dma2 semaphore(%run_scoped3A : memref<!tpu.dma_semaphore, #tpu.memory_space<semaphore_mem>>) src(%arg27 : memref<8x128xf32, #tpu.memory_space<vmem>>) dst(%dma_wait3A_40 : memref<8x128xf32, #tpu.memory_space<hbm>>)
      tpu.yield
    }) : () -> ()
    %barrier3A_28 = arith.constant 0 : index
    tpu.barrier barrier_id(%barrier3A_28)
    %mul3A_29 = arith.constant 632 : i32
    %mul3A_30 = arith.muli %arg1, %mul3A_29 : i32
    %mul3A_31 = arith.constant 632 : i32
    %mul3A_32 = arith.muli %arg1, %mul3A_31 : i32
    "tpu.region"() ({
      %run_scoped3A = tpu.sem_alloc : memref<!tpu.dma_semaphore, #tpu.memory_space<semaphore_mem>>
      %dma_start3A_33 = arith.constant 0 : i32
      %dma_start3A_34 = tpu.memref_slice %arg9[%arg0, %mul3A_32, %dma_start3A_33] : memref<2x10112x128xf32, #tpu.memory_space<hbm>> -> memref<1x632x128xf32, #tpu.memory_space<hbm>>
      %dma_start3A_35 = tpu.memref_squeeze %dma_start3A_34 : memref<1x632x128xf32, #tpu.memory_space<hbm>> -> memref<632x128xf32, #tpu.memory_space<hbm>>
      %dma_start3A_36 = arith.constant 0 : i32
      %dma_start3A_37 = tpu.memref_slice %arg23[%mul3A_30, %dma_start3A_36] : memref<10112x128xf32, #tpu.memory_space<vmem_shared>> -> memref<632x128xf32, #tpu.memory_space<vmem_shared>>
      tpu.enqueue_dma source(%dma_start3A_37 : memref<632x128xf32, #tpu.memory_space<vmem_shared>>) target(%dma_start3A_35 : memref<632x128xf32, #tpu.memory_space<hbm>>) target_semaphore(%run_scoped3A : memref<!tpu.dma_semaphore, #tpu.memory_space<semaphore_mem>>)
      %dma_wait3A_38 = arith.constant 0 : i32
      %dma_wait3A_39 = tpu.memref_slice %arg9[%arg0, %mul3A_32, %dma_wait3A_38] : memref<2x10112x128xf32, #tpu.memory_space<hbm>> -> memref<1x632x128xf32, #tpu.memory_space<hbm>>
      %dma_wait3A_40 = tpu.memref_squeeze %dma_wait3A_39 : memref<1x632x128xf32, #tpu.memory_space<hbm>> -> memref<632x128xf32, #tpu.memory_space<hbm>>
      %dma_wait3A_41 = arith.constant 0 : i32
      %dma_wait3A_42 = tpu.memref_slice %arg23[%mul3A_30, %dma_wait3A_41] : memref<10112x128xf32, #tpu.memory_space<vmem_shared>> -> memref<632x128xf32, #tpu.memory_space<vmem_shared>>
      tpu.wait_dma2 semaphore(%run_scoped3A : memref<!tpu.dma_semaphore, #tpu.memory_space<semaphore_mem>>) src(%dma_wait3A_42 : memref<632x128xf32, #tpu.memory_space<vmem_shared>>) dst(%dma_wait3A_40 : memref<632x128xf32, #tpu.memory_space<hbm>>)
      tpu.yield
    }) : () -> ()
    return
  }
}

#map = affine_map<(d0, d1) -> (0, 0)>
#map1 = affine_map<(d0, d1) -> (0)>
#map2 = affine_map<(d0, d1) -> (0, 0, 0)>
module attributes {stable_mosaic.version = 14 : i64} {
  func.func @scatter_kernel(%arg0: i32, %arg1: i32, %arg2: memref<160000x128xf32, #tpu.memory_space<hbm>>, %arg3: memref<320000xi32, #tpu.memory_space<hbm>>, %arg4: memref<2x10112x128xf32, #tpu.memory_space<hbm>>, %arg5: memref<2x10112x128xf32, #tpu.memory_space<hbm>>, %arg6: memref<128xi32, #tpu.memory_space<vmem>>, %arg7: memref<128x128xf32, #tpu.memory_space<vmem>>, %arg8: memref<!tpu.dma_semaphore, #tpu.memory_space<semaphore_mem>>, %arg9: memref<128xi32, #tpu.memory_space<vmem>>, %arg10: memref<128x128xf32, #tpu.memory_space<vmem>>, %arg11: memref<!tpu.dma_semaphore, #tpu.memory_space<semaphore_mem>>, %arg12: memref<10112x128xf32, #tpu.memory_space<vmem_shared>>, %arg13: memref<8xi32, #tpu.memory_space<vmem>>, %arg14: memref<8x128xf32, #tpu.memory_space<vmem>>) attributes {dimension_semantics = [#tpu.dimension_semantics<core_parallel>, #tpu.dimension_semantics<subcore_parallel>], iteration_bounds = array<i64: 2, 16>, scalar_prefetch = 0 : i64, scratch_operands = 9 : i64, tpu.core_type = #tpu.core_type<sc_vector_subcore>, window_params = [{transform_indices = #map}, {transform_indices = #map1}, {transform_indices = #map2}, {transform_indices = #map2}]} {
    %mul3A = arith.constant 2 : i32
    %mul3A_0 = arith.muli %arg1, %mul3A : i32
    %add3A = arith.addi %mul3A_0, %arg0 : i32
    %mul3A_1 = arith.constant 5000 : i32
    %mul3A_2 = arith.muli %add3A, %mul3A_1 : i32
    %mul3A_3 = arith.constant 632 : i32
    %mul3A_4 = arith.muli %arg1, %mul3A_3 : i32
    %mul3A_5 = arith.constant 632 : i32
    %mul3A_6 = arith.muli %arg1, %mul3A_5 : i32
    "tpu.region"() ({
      %run_scoped3A = tpu.sem_alloc : memref<!tpu.dma_semaphore, #tpu.memory_space<semaphore_mem>>
      %dma_start3A_39 = arith.constant 0 : i32
      %dma_start3A_40 = tpu.memref_slice %arg12[%mul3A_6, %dma_start3A_39] : memref<10112x128xf32, #tpu.memory_space<vmem_shared>> -> memref<632x128xf32, #tpu.memory_space<vmem_shared>>
      %dma_start3A_41 = arith.constant 0 : i32
      %dma_start3A_42 = tpu.memref_slice %arg4[%arg0, %mul3A_4, %dma_start3A_41] : memref<2x10112x128xf32, #tpu.memory_space<hbm>> -> memref<1x632x128xf32, #tpu.memory_space<hbm>>
      %dma_start3A_43 = tpu.memref_squeeze %dma_start3A_42 : memref<1x632x128xf32, #tpu.memory_space<hbm>> -> memref<632x128xf32, #tpu.memory_space<hbm>>
      tpu.enqueue_dma source(%dma_start3A_43 : memref<632x128xf32, #tpu.memory_space<hbm>>) target(%dma_start3A_40 : memref<632x128xf32, #tpu.memory_space<vmem_shared>>) target_semaphore(%run_scoped3A : memref<!tpu.dma_semaphore, #tpu.memory_space<semaphore_mem>>)
      %dma_wait3A_44 = arith.constant 0 : i32
      %dma_wait3A_45 = tpu.memref_slice %arg12[%mul3A_6, %dma_wait3A_44] : memref<10112x128xf32, #tpu.memory_space<vmem_shared>> -> memref<632x128xf32, #tpu.memory_space<vmem_shared>>
      %dma_wait3A_46 = arith.constant 0 : i32
      %dma_wait3A_47 = tpu.memref_slice %arg4[%arg0, %mul3A_4, %dma_wait3A_46] : memref<2x10112x128xf32, #tpu.memory_space<hbm>> -> memref<1x632x128xf32, #tpu.memory_space<hbm>>
      %dma_wait3A_48 = tpu.memref_squeeze %dma_wait3A_47 : memref<1x632x128xf32, #tpu.memory_space<hbm>> -> memref<632x128xf32, #tpu.memory_space<hbm>>
      tpu.wait_dma2 semaphore(%run_scoped3A : memref<!tpu.dma_semaphore, #tpu.memory_space<semaphore_mem>>) src(%dma_wait3A_48 : memref<632x128xf32, #tpu.memory_space<hbm>>) dst(%dma_wait3A_45 : memref<632x128xf32, #tpu.memory_space<vmem_shared>>)
      tpu.yield
    }) : () -> ()
    %barrier3A = arith.constant 0 : index
    tpu.barrier barrier_id(%barrier3A)
    %scan3A = arith.constant 0 : i32
    %scan3A_7 = arith.constant 0 : i32
    %scan3A_8 = arith.constant 19 : i32
    %scan3A_9 = arith.addi %scan3A_7, %scan3A_8 : i32
    %scan3A_10 = arith.constant 1 : i32
    scf.for %scan3A_39 = %scan3A_7 to %scan3A_9 step %scan3A_10  : i32 {
      %mul3A_40 = arith.constant 2 : i32
      %mul3A_41 = arith.muli %mul3A_40, %scan3A_39 : i32
      %mul3A_42 = arith.constant 128 : i32
      %mul3A_43 = arith.muli %mul3A_41, %mul3A_42 : i32
      %add3A_44 = arith.addi %mul3A_2, %mul3A_43 : i32
      %add3A_45 = arith.constant 0 : i32
      %add3A_46 = arith.addi %add3A_45, %add3A_44 : i32
      "tpu.region"() ({
        %run_scoped3A = tpu.sem_alloc : memref<!tpu.dma_semaphore, #tpu.memory_space<semaphore_mem>>
        %dma_start3A_67 = tpu.memref_slice %arg3[%add3A_46] : memref<320000xi32, #tpu.memory_space<hbm>> -> memref<128xi32, #tpu.memory_space<hbm>>
        %dma_start3A_68 = tpu.memref_slice %arg3[%add3A_46] : memref<320000xi32, #tpu.memory_space<hbm>> -> memref<128xi32, #tpu.memory_space<hbm>>
        tpu.enqueue_dma source(%dma_start3A_68 : memref<128xi32, #tpu.memory_space<hbm>>) target(%arg6 : memref<128xi32, #tpu.memory_space<vmem>>) target_semaphore(%run_scoped3A : memref<!tpu.dma_semaphore, #tpu.memory_space<semaphore_mem>>)
        %dma_wait3A_69 = tpu.memref_slice %arg3[%add3A_46] : memref<320000xi32, #tpu.memory_space<hbm>> -> memref<128xi32, #tpu.memory_space<hbm>>
        %dma_wait3A_70 = tpu.memref_slice %arg3[%add3A_46] : memref<320000xi32, #tpu.memory_space<hbm>> -> memref<128xi32, #tpu.memory_space<hbm>>
        tpu.wait_dma2 semaphore(%run_scoped3A : memref<!tpu.dma_semaphore, #tpu.memory_space<semaphore_mem>>) src(%dma_wait3A_70 : memref<128xi32, #tpu.memory_space<hbm>>) dst(%arg6 : memref<128xi32, #tpu.memory_space<vmem>>)
        tpu.yield
      }) : () -> ()
      %dma_start3A_47 = arith.constant 0 : i32
      %dma_start3A_48 = tpu.memref_slice %arg2[%add3A_44, %dma_start3A_47] : memref<160000x128xf32, #tpu.memory_space<hbm>> -> memref<128x128xf32, #tpu.memory_space<hbm>>
      %dma_start3A_49 = arith.constant 0 : i32
      %dma_start3A_50 = tpu.memref_slice %arg2[%add3A_44, %dma_start3A_49] : memref<160000x128xf32, #tpu.memory_space<hbm>> -> memref<128x128xf32, #tpu.memory_space<hbm>>
      tpu.enqueue_dma source(%dma_start3A_50 : memref<128x128xf32, #tpu.memory_space<hbm>>) target(%arg7 : memref<128x128xf32, #tpu.memory_space<vmem>>) target_semaphore(%arg8 : memref<!tpu.dma_semaphore, #tpu.memory_space<semaphore_mem>>)
      %add3A_51 = arith.constant 128 : i32
      %add3A_52 = arith.addi %add3A_44, %add3A_51 : i32
      %add3A_53 = arith.constant 0 : i32
      %add3A_54 = arith.addi %add3A_53, %add3A_52 : i32
      "tpu.region"() ({
        %run_scoped3A = tpu.sem_alloc : memref<!tpu.dma_semaphore, #tpu.memory_space<semaphore_mem>>
        %dma_start3A_67 = tpu.memref_slice %arg3[%add3A_54] : memref<320000xi32, #tpu.memory_space<hbm>> -> memref<128xi32, #tpu.memory_space<hbm>>
        %dma_start3A_68 = tpu.memref_slice %arg3[%add3A_54] : memref<320000xi32, #tpu.memory_space<hbm>> -> memref<128xi32, #tpu.memory_space<hbm>>
        tpu.enqueue_dma source(%dma_start3A_68 : memref<128xi32, #tpu.memory_space<hbm>>) target(%arg9 : memref<128xi32, #tpu.memory_space<vmem>>) target_semaphore(%run_scoped3A : memref<!tpu.dma_semaphore, #tpu.memory_space<semaphore_mem>>)
        %dma_wait3A_69 = tpu.memref_slice %arg3[%add3A_54] : memref<320000xi32, #tpu.memory_space<hbm>> -> memref<128xi32, #tpu.memory_space<hbm>>
        %dma_wait3A_70 = tpu.memref_slice %arg3[%add3A_54] : memref<320000xi32, #tpu.memory_space<hbm>> -> memref<128xi32, #tpu.memory_space<hbm>>
        tpu.wait_dma2 semaphore(%run_scoped3A : memref<!tpu.dma_semaphore, #tpu.memory_space<semaphore_mem>>) src(%dma_wait3A_70 : memref<128xi32, #tpu.memory_space<hbm>>) dst(%arg9 : memref<128xi32, #tpu.memory_space<vmem>>)
        tpu.yield
      }) : () -> ()
      %dma_start3A_55 = arith.constant 0 : i32
      %dma_start3A_56 = tpu.memref_slice %arg2[%add3A_52, %dma_start3A_55] : memref<160000x128xf32, #tpu.memory_space<hbm>> -> memref<128x128xf32, #tpu.memory_space<hbm>>
      %dma_start3A_57 = arith.constant 0 : i32
      %dma_start3A_58 = tpu.memref_slice %arg2[%add3A_52, %dma_start3A_57] : memref<160000x128xf32, #tpu.memory_space<hbm>> -> memref<128x128xf32, #tpu.memory_space<hbm>>
      tpu.enqueue_dma source(%dma_start3A_58 : memref<128x128xf32, #tpu.memory_space<hbm>>) target(%arg10 : memref<128x128xf32, #tpu.memory_space<vmem>>) target_semaphore(%arg11 : memref<!tpu.dma_semaphore, #tpu.memory_space<semaphore_mem>>)
      %dma_wait3A_59 = arith.constant 0 : i32
      %dma_wait3A_60 = tpu.memref_slice %arg2[%add3A_44, %dma_wait3A_59] : memref<160000x128xf32, #tpu.memory_space<hbm>> -> memref<128x128xf32, #tpu.memory_space<hbm>>
      %dma_wait3A_61 = arith.constant 0 : i32
      %dma_wait3A_62 = tpu.memref_slice %arg2[%add3A_44, %dma_wait3A_61] : memref<160000x128xf32, #tpu.memory_space<hbm>> -> memref<128x128xf32, #tpu.memory_space<hbm>>
      tpu.wait_dma2 semaphore(%arg8 : memref<!tpu.dma_semaphore, #tpu.memory_space<semaphore_mem>>) src(%dma_wait3A_62 : memref<128x128xf32, #tpu.memory_space<hbm>>) dst(%arg7 : memref<128x128xf32, #tpu.memory_space<vmem>>)
      "tpu.region"() ({
        %run_scoped3A = tpu.sem_alloc : memref<!tpu.dma_semaphore, #tpu.memory_space<semaphore_mem>>
        %dma_start3A_67 = arith.constant 0 : i32
        %dma_start3A_68 = arith.constant 0 : i32
        %dma_start3A_69 = tpu.memref_slice %arg12[%dma_start3A_67, %dma_start3A_68] : memref<10112x128xf32, #tpu.memory_space<vmem_shared>> -> memref<10112x128xf32, #tpu.memory_space<vmem_shared>>
        tpu.enqueue_indirect_dma source(%arg7 : memref<128x128xf32, #tpu.memory_space<vmem>>) target(%dma_start3A_69 : memref<10112x128xf32, #tpu.memory_space<vmem_shared>>) offsets(%arg6 : memref<128xi32, #tpu.memory_space<vmem>>) semaphore(%run_scoped3A : memref<!tpu.dma_semaphore, #tpu.memory_space<semaphore_mem>>) {add = true}
        %dma_wait3A_70 = arith.constant 0 : i32
        %dma_wait3A_71 = arith.constant 0 : i32
        %dma_wait3A_72 = tpu.memref_slice %arg12[%dma_wait3A_70, %dma_wait3A_71] : memref<10112x128xf32, #tpu.memory_space<vmem_shared>> -> memref<10112x128xf32, #tpu.memory_space<vmem_shared>>
        tpu.wait_indirect_dma semaphore(%run_scoped3A : memref<!tpu.dma_semaphore, #tpu.memory_space<semaphore_mem>>) src(%arg7 : memref<128x128xf32, #tpu.memory_space<vmem>>) dst(%dma_wait3A_72 : memref<10112x128xf32, #tpu.memory_space<vmem_shared>>)
        tpu.yield
      }) : () -> ()
      %dma_wait3A_63 = arith.constant 0 : i32
      %dma_wait3A_64 = tpu.memref_slice %arg2[%add3A_52, %dma_wait3A_63] : memref<160000x128xf32, #tpu.memory_space<hbm>> -> memref<128x128xf32, #tpu.memory_space<hbm>>
      %dma_wait3A_65 = arith.constant 0 : i32
      %dma_wait3A_66 = tpu.memref_slice %arg2[%add3A_52, %dma_wait3A_65] : memref<160000x128xf32, #tpu.memory_space<hbm>> -> memref<128x128xf32, #tpu.memory_space<hbm>>
      tpu.wait_dma2 semaphore(%arg11 : memref<!tpu.dma_semaphore, #tpu.memory_space<semaphore_mem>>) src(%dma_wait3A_66 : memref<128x128xf32, #tpu.memory_space<hbm>>) dst(%arg10 : memref<128x128xf32, #tpu.memory_space<vmem>>)
      "tpu.region"() ({
        %run_scoped3A = tpu.sem_alloc : memref<!tpu.dma_semaphore, #tpu.memory_space<semaphore_mem>>
        %dma_start3A_67 = arith.constant 0 : i32
        %dma_start3A_68 = arith.constant 0 : i32
        %dma_start3A_69 = tpu.memref_slice %arg12[%dma_start3A_67, %dma_start3A_68] : memref<10112x128xf32, #tpu.memory_space<vmem_shared>> -> memref<10112x128xf32, #tpu.memory_space<vmem_shared>>
        tpu.enqueue_indirect_dma source(%arg10 : memref<128x128xf32, #tpu.memory_space<vmem>>) target(%dma_start3A_69 : memref<10112x128xf32, #tpu.memory_space<vmem_shared>>) offsets(%arg9 : memref<128xi32, #tpu.memory_space<vmem>>) semaphore(%run_scoped3A : memref<!tpu.dma_semaphore, #tpu.memory_space<semaphore_mem>>) {add = true}
        %dma_wait3A_70 = arith.constant 0 : i32
        %dma_wait3A_71 = arith.constant 0 : i32
        %dma_wait3A_72 = tpu.memref_slice %arg12[%dma_wait3A_70, %dma_wait3A_71] : memref<10112x128xf32, #tpu.memory_space<vmem_shared>> -> memref<10112x128xf32, #tpu.memory_space<vmem_shared>>
        tpu.wait_indirect_dma semaphore(%run_scoped3A : memref<!tpu.dma_semaphore, #tpu.memory_space<semaphore_mem>>) src(%arg10 : memref<128x128xf32, #tpu.memory_space<vmem>>) dst(%dma_wait3A_72 : memref<10112x128xf32, #tpu.memory_space<vmem_shared>>)
        tpu.yield
      }) : () -> ()
    }
    %scan3A_11 = arith.constant 19 : i32
    %add3A_12 = arith.constant 4864 : i32
    %add3A_13 = arith.addi %mul3A_2, %add3A_12 : i32
    %add3A_14 = arith.constant 0 : i32
    %add3A_15 = arith.addi %add3A_14, %add3A_13 : i32
    "tpu.region"() ({
      %run_scoped3A = tpu.sem_alloc : memref<!tpu.dma_semaphore, #tpu.memory_space<semaphore_mem>>
      %dma_start3A_39 = tpu.memref_slice %arg3[%add3A_15] : memref<320000xi32, #tpu.memory_space<hbm>> -> memref<128xi32, #tpu.memory_space<hbm>>
      %dma_start3A_40 = tpu.memref_slice %arg3[%add3A_15] : memref<320000xi32, #tpu.memory_space<hbm>> -> memref<128xi32, #tpu.memory_space<hbm>>
      tpu.enqueue_dma source(%dma_start3A_40 : memref<128xi32, #tpu.memory_space<hbm>>) target(%arg6 : memref<128xi32, #tpu.memory_space<vmem>>) target_semaphore(%run_scoped3A : memref<!tpu.dma_semaphore, #tpu.memory_space<semaphore_mem>>)
      %dma_wait3A_41 = tpu.memref_slice %arg3[%add3A_15] : memref<320000xi32, #tpu.memory_space<hbm>> -> memref<128xi32, #tpu.memory_space<hbm>>
      %dma_wait3A_42 = tpu.memref_slice %arg3[%add3A_15] : memref<320000xi32, #tpu.memory_space<hbm>> -> memref<128xi32, #tpu.memory_space<hbm>>
      tpu.wait_dma2 semaphore(%run_scoped3A : memref<!tpu.dma_semaphore, #tpu.memory_space<semaphore_mem>>) src(%dma_wait3A_42 : memref<128xi32, #tpu.memory_space<hbm>>) dst(%arg6 : memref<128xi32, #tpu.memory_space<vmem>>)
      tpu.yield
    }) : () -> ()
    %dma_start3A = arith.constant 0 : i32
    %dma_start3A_16 = tpu.memref_slice %arg2[%add3A_13, %dma_start3A] : memref<160000x128xf32, #tpu.memory_space<hbm>> -> memref<128x128xf32, #tpu.memory_space<hbm>>
    %dma_start3A_17 = arith.constant 0 : i32
    %dma_start3A_18 = tpu.memref_slice %arg2[%add3A_13, %dma_start3A_17] : memref<160000x128xf32, #tpu.memory_space<hbm>> -> memref<128x128xf32, #tpu.memory_space<hbm>>
    tpu.enqueue_dma source(%dma_start3A_18 : memref<128x128xf32, #tpu.memory_space<hbm>>) target(%arg7 : memref<128x128xf32, #tpu.memory_space<vmem>>) target_semaphore(%arg8 : memref<!tpu.dma_semaphore, #tpu.memory_space<semaphore_mem>>)
    %dma_wait3A = arith.constant 0 : i32
    %dma_wait3A_19 = tpu.memref_slice %arg2[%add3A_13, %dma_wait3A] : memref<160000x128xf32, #tpu.memory_space<hbm>> -> memref<128x128xf32, #tpu.memory_space<hbm>>
    %dma_wait3A_20 = arith.constant 0 : i32
    %dma_wait3A_21 = tpu.memref_slice %arg2[%add3A_13, %dma_wait3A_20] : memref<160000x128xf32, #tpu.memory_space<hbm>> -> memref<128x128xf32, #tpu.memory_space<hbm>>
    tpu.wait_dma2 semaphore(%arg8 : memref<!tpu.dma_semaphore, #tpu.memory_space<semaphore_mem>>) src(%dma_wait3A_21 : memref<128x128xf32, #tpu.memory_space<hbm>>) dst(%arg7 : memref<128x128xf32, #tpu.memory_space<vmem>>)
    "tpu.region"() ({
      %run_scoped3A = tpu.sem_alloc : memref<!tpu.dma_semaphore, #tpu.memory_space<semaphore_mem>>
      %dma_start3A_39 = arith.constant 0 : i32
      %dma_start3A_40 = arith.constant 0 : i32
      %dma_start3A_41 = tpu.memref_slice %arg12[%dma_start3A_39, %dma_start3A_40] : memref<10112x128xf32, #tpu.memory_space<vmem_shared>> -> memref<10112x128xf32, #tpu.memory_space<vmem_shared>>
      tpu.enqueue_indirect_dma source(%arg7 : memref<128x128xf32, #tpu.memory_space<vmem>>) target(%dma_start3A_41 : memref<10112x128xf32, #tpu.memory_space<vmem_shared>>) offsets(%arg6 : memref<128xi32, #tpu.memory_space<vmem>>) semaphore(%run_scoped3A : memref<!tpu.dma_semaphore, #tpu.memory_space<semaphore_mem>>) {add = true}
      %dma_wait3A_42 = arith.constant 0 : i32
      %dma_wait3A_43 = arith.constant 0 : i32
      %dma_wait3A_44 = tpu.memref_slice %arg12[%dma_wait3A_42, %dma_wait3A_43] : memref<10112x128xf32, #tpu.memory_space<vmem_shared>> -> memref<10112x128xf32, #tpu.memory_space<vmem_shared>>
      tpu.wait_indirect_dma semaphore(%run_scoped3A : memref<!tpu.dma_semaphore, #tpu.memory_space<semaphore_mem>>) src(%arg7 : memref<128x128xf32, #tpu.memory_space<vmem>>) dst(%dma_wait3A_44 : memref<10112x128xf32, #tpu.memory_space<vmem_shared>>)
      tpu.yield
    }) : () -> ()
    %add3A_22 = arith.constant 128 : i32
    %add3A_23 = arith.addi %add3A_13, %add3A_22 : i32
    %add3A_24 = arith.constant 0 : i32
    %add3A_25 = arith.addi %add3A_24, %add3A_23 : i32
    "tpu.region"() ({
      %run_scoped3A = tpu.sem_alloc : memref<!tpu.dma_semaphore, #tpu.memory_space<semaphore_mem>>
      %dma_start3A_39 = tpu.memref_slice %arg3[%add3A_25] : memref<320000xi32, #tpu.memory_space<hbm>> -> memref<8xi32, #tpu.memory_space<hbm>>
      %dma_start3A_40 = tpu.memref_slice %arg3[%add3A_25] : memref<320000xi32, #tpu.memory_space<hbm>> -> memref<8xi32, #tpu.memory_space<hbm>>
      tpu.enqueue_dma source(%dma_start3A_40 : memref<8xi32, #tpu.memory_space<hbm>>) target(%arg13 : memref<8xi32, #tpu.memory_space<vmem>>) target_semaphore(%run_scoped3A : memref<!tpu.dma_semaphore, #tpu.memory_space<semaphore_mem>>)
      %dma_wait3A_41 = tpu.memref_slice %arg3[%add3A_25] : memref<320000xi32, #tpu.memory_space<hbm>> -> memref<8xi32, #tpu.memory_space<hbm>>
      %dma_wait3A_42 = tpu.memref_slice %arg3[%add3A_25] : memref<320000xi32, #tpu.memory_space<hbm>> -> memref<8xi32, #tpu.memory_space<hbm>>
      tpu.wait_dma2 semaphore(%run_scoped3A : memref<!tpu.dma_semaphore, #tpu.memory_space<semaphore_mem>>) src(%dma_wait3A_42 : memref<8xi32, #tpu.memory_space<hbm>>) dst(%arg13 : memref<8xi32, #tpu.memory_space<vmem>>)
      tpu.yield
    }) : () -> ()
    %dma_start3A_26 = arith.constant 0 : i32
    %dma_start3A_27 = tpu.memref_slice %arg2[%add3A_23, %dma_start3A_26] : memref<160000x128xf32, #tpu.memory_space<hbm>> -> memref<8x128xf32, #tpu.memory_space<hbm>>
    %dma_start3A_28 = arith.constant 0 : i32
    %dma_start3A_29 = tpu.memref_slice %arg2[%add3A_23, %dma_start3A_28] : memref<160000x128xf32, #tpu.memory_space<hbm>> -> memref<8x128xf32, #tpu.memory_space<hbm>>
    tpu.enqueue_dma source(%dma_start3A_29 : memref<8x128xf32, #tpu.memory_space<hbm>>) target(%arg14 : memref<8x128xf32, #tpu.memory_space<vmem>>) target_semaphore(%arg8 : memref<!tpu.dma_semaphore, #tpu.memory_space<semaphore_mem>>)
    %dma_wait3A_30 = arith.constant 0 : i32
    %dma_wait3A_31 = tpu.memref_slice %arg2[%add3A_23, %dma_wait3A_30] : memref<160000x128xf32, #tpu.memory_space<hbm>> -> memref<8x128xf32, #tpu.memory_space<hbm>>
    %dma_wait3A_32 = arith.constant 0 : i32
    %dma_wait3A_33 = tpu.memref_slice %arg2[%add3A_23, %dma_wait3A_32] : memref<160000x128xf32, #tpu.memory_space<hbm>> -> memref<8x128xf32, #tpu.memory_space<hbm>>
    tpu.wait_dma2 semaphore(%arg8 : memref<!tpu.dma_semaphore, #tpu.memory_space<semaphore_mem>>) src(%dma_wait3A_33 : memref<8x128xf32, #tpu.memory_space<hbm>>) dst(%arg14 : memref<8x128xf32, #tpu.memory_space<vmem>>)
    "tpu.region"() ({
      %run_scoped3A = tpu.sem_alloc : memref<!tpu.dma_semaphore, #tpu.memory_space<semaphore_mem>>
      %dma_start3A_39 = arith.constant 0 : i32
      %dma_start3A_40 = arith.constant 0 : i32
      %dma_start3A_41 = tpu.memref_slice %arg12[%dma_start3A_39, %dma_start3A_40] : memref<10112x128xf32, #tpu.memory_space<vmem_shared>> -> memref<10112x128xf32, #tpu.memory_space<vmem_shared>>
      tpu.enqueue_indirect_dma source(%arg14 : memref<8x128xf32, #tpu.memory_space<vmem>>) target(%dma_start3A_41 : memref<10112x128xf32, #tpu.memory_space<vmem_shared>>) offsets(%arg13 : memref<8xi32, #tpu.memory_space<vmem>>) semaphore(%run_scoped3A : memref<!tpu.dma_semaphore, #tpu.memory_space<semaphore_mem>>) {add = true}
      %dma_wait3A_42 = arith.constant 0 : i32
      %dma_wait3A_43 = arith.constant 0 : i32
      %dma_wait3A_44 = tpu.memref_slice %arg12[%dma_wait3A_42, %dma_wait3A_43] : memref<10112x128xf32, #tpu.memory_space<vmem_shared>> -> memref<10112x128xf32, #tpu.memory_space<vmem_shared>>
      tpu.wait_indirect_dma semaphore(%run_scoped3A : memref<!tpu.dma_semaphore, #tpu.memory_space<semaphore_mem>>) src(%arg14 : memref<8x128xf32, #tpu.memory_space<vmem>>) dst(%dma_wait3A_44 : memref<10112x128xf32, #tpu.memory_space<vmem_shared>>)
      tpu.yield
    }) : () -> ()
    %barrier3A_34 = arith.constant 0 : index
    tpu.barrier barrier_id(%barrier3A_34)
    %mul3A_35 = arith.constant 632 : i32
    %mul3A_36 = arith.muli %arg1, %mul3A_35 : i32
    %mul3A_37 = arith.constant 632 : i32
    %mul3A_38 = arith.muli %arg1, %mul3A_37 : i32
    "tpu.region"() ({
      %run_scoped3A = tpu.sem_alloc : memref<!tpu.dma_semaphore, #tpu.memory_space<semaphore_mem>>
      %dma_start3A_39 = arith.constant 0 : i32
      %dma_start3A_40 = tpu.memref_slice %arg5[%arg0, %mul3A_38, %dma_start3A_39] : memref<2x10112x128xf32, #tpu.memory_space<hbm>> -> memref<1x632x128xf32, #tpu.memory_space<hbm>>
      %dma_start3A_41 = tpu.memref_squeeze %dma_start3A_40 : memref<1x632x128xf32, #tpu.memory_space<hbm>> -> memref<632x128xf32, #tpu.memory_space<hbm>>
      %dma_start3A_42 = arith.constant 0 : i32
      %dma_start3A_43 = tpu.memref_slice %arg12[%mul3A_36, %dma_start3A_42] : memref<10112x128xf32, #tpu.memory_space<vmem_shared>> -> memref<632x128xf32, #tpu.memory_space<vmem_shared>>
      tpu.enqueue_dma source(%dma_start3A_43 : memref<632x128xf32, #tpu.memory_space<vmem_shared>>) target(%dma_start3A_41 : memref<632x128xf32, #tpu.memory_space<hbm>>) target_semaphore(%run_scoped3A : memref<!tpu.dma_semaphore, #tpu.memory_space<semaphore_mem>>)
      %dma_wait3A_44 = arith.constant 0 : i32
      %dma_wait3A_45 = tpu.memref_slice %arg5[%arg0, %mul3A_38, %dma_wait3A_44] : memref<2x10112x128xf32, #tpu.memory_space<hbm>> -> memref<1x632x128xf32, #tpu.memory_space<hbm>>
      %dma_wait3A_46 = tpu.memref_squeeze %dma_wait3A_45 : memref<1x632x128xf32, #tpu.memory_space<hbm>> -> memref<632x128xf32, #tpu.memory_space<hbm>>
      %dma_wait3A_47 = arith.constant 0 : i32
      %dma_wait3A_48 = tpu.memref_slice %arg12[%mul3A_36, %dma_wait3A_47] : memref<10112x128xf32, #tpu.memory_space<vmem_shared>> -> memref<632x128xf32, #tpu.memory_space<vmem_shared>>
      tpu.wait_dma2 semaphore(%run_scoped3A : memref<!tpu.dma_semaphore, #tpu.memory_space<semaphore_mem>>) src(%dma_wait3A_48 : memref<632x128xf32, #tpu.memory_space<vmem_shared>>) dst(%dma_wait3A_46 : memref<632x128xf32, #tpu.memory_space<hbm>>)
      tpu.yield
    }) : () -> ()
    return
  }
}

#map = affine_map<(d0, d1) -> (0, 0)>
#map1 = affine_map<(d0, d1) -> (0)>
#map2 = affine_map<(d0, d1) -> (0, 0, 0)>
module attributes {stable_mosaic.version = 14 : i64} {
  func.func @scatter_kernel(%arg0: i32, %arg1: i32, %arg2: memref<160000x128xf32, #tpu.memory_space<hbm>>, %arg3: memref<320000xi32, #tpu.memory_space<hbm>>, %arg4: memref<2x10112x128xf32, #tpu.memory_space<hbm>>, %arg5: memref<2x10112x128xf32, #tpu.memory_space<hbm>>, %arg6: memref<128xi32, #tpu.memory_space<vmem>>, %arg7: memref<128x128xf32, #tpu.memory_space<vmem>>, %arg8: memref<!tpu.dma_semaphore, #tpu.memory_space<semaphore_mem>>, %arg9: memref<128xi32, #tpu.memory_space<vmem>>, %arg10: memref<128x128xf32, #tpu.memory_space<vmem>>, %arg11: memref<!tpu.dma_semaphore, #tpu.memory_space<semaphore_mem>>, %arg12: memref<10112x128xf32, #tpu.memory_space<vmem_shared>>, %arg13: memref<8xi32, #tpu.memory_space<vmem>>, %arg14: memref<8x128xf32, #tpu.memory_space<vmem>>) attributes {dimension_semantics = [#tpu.dimension_semantics<core_parallel>, #tpu.dimension_semantics<subcore_parallel>], iteration_bounds = array<i64: 2, 16>, scalar_prefetch = 0 : i64, scratch_operands = 9 : i64, tpu.core_type = #tpu.core_type<sc_vector_subcore>, window_params = [{transform_indices = #map}, {transform_indices = #map1}, {transform_indices = #map2}, {transform_indices = #map2}]} {
    %mul3A = arith.constant 2 : i32
    %mul3A_0 = arith.muli %arg1, %mul3A : i32
    %add3A = arith.addi %mul3A_0, %arg0 : i32
    %mul3A_1 = arith.constant 5000 : i32
    %mul3A_2 = arith.muli %add3A, %mul3A_1 : i32
    %mul3A_3 = arith.constant 632 : i32
    %mul3A_4 = arith.muli %arg1, %mul3A_3 : i32
    %mul3A_5 = arith.constant 632 : i32
    %mul3A_6 = arith.muli %arg1, %mul3A_5 : i32
    "tpu.region"() ({
      %run_scoped3A = tpu.sem_alloc : memref<!tpu.dma_semaphore, #tpu.memory_space<semaphore_mem>>
      %dma_start3A_39 = arith.constant 0 : i32
      %dma_start3A_40 = tpu.memref_slice %arg12[%mul3A_6, %dma_start3A_39] : memref<10112x128xf32, #tpu.memory_space<vmem_shared>> -> memref<632x128xf32, #tpu.memory_space<vmem_shared>>
      %dma_start3A_41 = arith.constant 0 : i32
      %dma_start3A_42 = tpu.memref_slice %arg4[%arg0, %mul3A_4, %dma_start3A_41] : memref<2x10112x128xf32, #tpu.memory_space<hbm>> -> memref<1x632x128xf32, #tpu.memory_space<hbm>>
      %dma_start3A_43 = tpu.memref_squeeze %dma_start3A_42 : memref<1x632x128xf32, #tpu.memory_space<hbm>> -> memref<632x128xf32, #tpu.memory_space<hbm>>
      tpu.enqueue_dma source(%dma_start3A_43 : memref<632x128xf32, #tpu.memory_space<hbm>>) target(%dma_start3A_40 : memref<632x128xf32, #tpu.memory_space<vmem_shared>>) target_semaphore(%run_scoped3A : memref<!tpu.dma_semaphore, #tpu.memory_space<semaphore_mem>>)
      %dma_wait3A_44 = arith.constant 0 : i32
      %dma_wait3A_45 = tpu.memref_slice %arg12[%mul3A_6, %dma_wait3A_44] : memref<10112x128xf32, #tpu.memory_space<vmem_shared>> -> memref<632x128xf32, #tpu.memory_space<vmem_shared>>
      %dma_wait3A_46 = arith.constant 0 : i32
      %dma_wait3A_47 = tpu.memref_slice %arg4[%arg0, %mul3A_4, %dma_wait3A_46] : memref<2x10112x128xf32, #tpu.memory_space<hbm>> -> memref<1x632x128xf32, #tpu.memory_space<hbm>>
      %dma_wait3A_48 = tpu.memref_squeeze %dma_wait3A_47 : memref<1x632x128xf32, #tpu.memory_space<hbm>> -> memref<632x128xf32, #tpu.memory_space<hbm>>
      tpu.wait_dma2 semaphore(%run_scoped3A : memref<!tpu.dma_semaphore, #tpu.memory_space<semaphore_mem>>) src(%dma_wait3A_48 : memref<632x128xf32, #tpu.memory_space<hbm>>) dst(%dma_wait3A_45 : memref<632x128xf32, #tpu.memory_space<vmem_shared>>)
      tpu.yield
    }) : () -> ()
    %barrier3A = arith.constant 0 : index
    tpu.barrier barrier_id(%barrier3A)
    %scan3A = arith.constant 0 : i32
    %scan3A_7 = arith.constant 0 : i32
    %scan3A_8 = arith.constant 19 : i32
    %scan3A_9 = arith.addi %scan3A_7, %scan3A_8 : i32
    %scan3A_10 = arith.constant 1 : i32
    scf.for %scan3A_39 = %scan3A_7 to %scan3A_9 step %scan3A_10  : i32 {
      %mul3A_40 = arith.constant 2 : i32
      %mul3A_41 = arith.muli %mul3A_40, %scan3A_39 : i32
      %mul3A_42 = arith.constant 128 : i32
      %mul3A_43 = arith.muli %mul3A_41, %mul3A_42 : i32
      %add3A_44 = arith.addi %mul3A_2, %mul3A_43 : i32
      %add3A_45 = arith.constant 160000 : i32
      %add3A_46 = arith.addi %add3A_45, %add3A_44 : i32
      "tpu.region"() ({
        %run_scoped3A = tpu.sem_alloc : memref<!tpu.dma_semaphore, #tpu.memory_space<semaphore_mem>>
        %dma_start3A_67 = tpu.memref_slice %arg3[%add3A_46] : memref<320000xi32, #tpu.memory_space<hbm>> -> memref<128xi32, #tpu.memory_space<hbm>>
        %dma_start3A_68 = tpu.memref_slice %arg3[%add3A_46] : memref<320000xi32, #tpu.memory_space<hbm>> -> memref<128xi32, #tpu.memory_space<hbm>>
        tpu.enqueue_dma source(%dma_start3A_68 : memref<128xi32, #tpu.memory_space<hbm>>) target(%arg6 : memref<128xi32, #tpu.memory_space<vmem>>) target_semaphore(%run_scoped3A : memref<!tpu.dma_semaphore, #tpu.memory_space<semaphore_mem>>)
        %dma_wait3A_69 = tpu.memref_slice %arg3[%add3A_46] : memref<320000xi32, #tpu.memory_space<hbm>> -> memref<128xi32, #tpu.memory_space<hbm>>
        %dma_wait3A_70 = tpu.memref_slice %arg3[%add3A_46] : memref<320000xi32, #tpu.memory_space<hbm>> -> memref<128xi32, #tpu.memory_space<hbm>>
        tpu.wait_dma2 semaphore(%run_scoped3A : memref<!tpu.dma_semaphore, #tpu.memory_space<semaphore_mem>>) src(%dma_wait3A_70 : memref<128xi32, #tpu.memory_space<hbm>>) dst(%arg6 : memref<128xi32, #tpu.memory_space<vmem>>)
        tpu.yield
      }) : () -> ()
      %dma_start3A_47 = arith.constant 0 : i32
      %dma_start3A_48 = tpu.memref_slice %arg2[%add3A_44, %dma_start3A_47] : memref<160000x128xf32, #tpu.memory_space<hbm>> -> memref<128x128xf32, #tpu.memory_space<hbm>>
      %dma_start3A_49 = arith.constant 0 : i32
      %dma_start3A_50 = tpu.memref_slice %arg2[%add3A_44, %dma_start3A_49] : memref<160000x128xf32, #tpu.memory_space<hbm>> -> memref<128x128xf32, #tpu.memory_space<hbm>>
      tpu.enqueue_dma source(%dma_start3A_50 : memref<128x128xf32, #tpu.memory_space<hbm>>) target(%arg7 : memref<128x128xf32, #tpu.memory_space<vmem>>) target_semaphore(%arg8 : memref<!tpu.dma_semaphore, #tpu.memory_space<semaphore_mem>>)
      %add3A_51 = arith.constant 128 : i32
      %add3A_52 = arith.addi %add3A_44, %add3A_51 : i32
      %add3A_53 = arith.constant 160000 : i32
      %add3A_54 = arith.addi %add3A_53, %add3A_52 : i32
      "tpu.region"() ({
        %run_scoped3A = tpu.sem_alloc : memref<!tpu.dma_semaphore, #tpu.memory_space<semaphore_mem>>
        %dma_start3A_67 = tpu.memref_slice %arg3[%add3A_54] : memref<320000xi32, #tpu.memory_space<hbm>> -> memref<128xi32, #tpu.memory_space<hbm>>
        %dma_start3A_68 = tpu.memref_slice %arg3[%add3A_54] : memref<320000xi32, #tpu.memory_space<hbm>> -> memref<128xi32, #tpu.memory_space<hbm>>
        tpu.enqueue_dma source(%dma_start3A_68 : memref<128xi32, #tpu.memory_space<hbm>>) target(%arg9 : memref<128xi32, #tpu.memory_space<vmem>>) target_semaphore(%run_scoped3A : memref<!tpu.dma_semaphore, #tpu.memory_space<semaphore_mem>>)
        %dma_wait3A_69 = tpu.memref_slice %arg3[%add3A_54] : memref<320000xi32, #tpu.memory_space<hbm>> -> memref<128xi32, #tpu.memory_space<hbm>>
        %dma_wait3A_70 = tpu.memref_slice %arg3[%add3A_54] : memref<320000xi32, #tpu.memory_space<hbm>> -> memref<128xi32, #tpu.memory_space<hbm>>
        tpu.wait_dma2 semaphore(%run_scoped3A : memref<!tpu.dma_semaphore, #tpu.memory_space<semaphore_mem>>) src(%dma_wait3A_70 : memref<128xi32, #tpu.memory_space<hbm>>) dst(%arg9 : memref<128xi32, #tpu.memory_space<vmem>>)
        tpu.yield
      }) : () -> ()
      %dma_start3A_55 = arith.constant 0 : i32
      %dma_start3A_56 = tpu.memref_slice %arg2[%add3A_52, %dma_start3A_55] : memref<160000x128xf32, #tpu.memory_space<hbm>> -> memref<128x128xf32, #tpu.memory_space<hbm>>
      %dma_start3A_57 = arith.constant 0 : i32
      %dma_start3A_58 = tpu.memref_slice %arg2[%add3A_52, %dma_start3A_57] : memref<160000x128xf32, #tpu.memory_space<hbm>> -> memref<128x128xf32, #tpu.memory_space<hbm>>
      tpu.enqueue_dma source(%dma_start3A_58 : memref<128x128xf32, #tpu.memory_space<hbm>>) target(%arg10 : memref<128x128xf32, #tpu.memory_space<vmem>>) target_semaphore(%arg11 : memref<!tpu.dma_semaphore, #tpu.memory_space<semaphore_mem>>)
      %dma_wait3A_59 = arith.constant 0 : i32
      %dma_wait3A_60 = tpu.memref_slice %arg2[%add3A_44, %dma_wait3A_59] : memref<160000x128xf32, #tpu.memory_space<hbm>> -> memref<128x128xf32, #tpu.memory_space<hbm>>
      %dma_wait3A_61 = arith.constant 0 : i32
      %dma_wait3A_62 = tpu.memref_slice %arg2[%add3A_44, %dma_wait3A_61] : memref<160000x128xf32, #tpu.memory_space<hbm>> -> memref<128x128xf32, #tpu.memory_space<hbm>>
      tpu.wait_dma2 semaphore(%arg8 : memref<!tpu.dma_semaphore, #tpu.memory_space<semaphore_mem>>) src(%dma_wait3A_62 : memref<128x128xf32, #tpu.memory_space<hbm>>) dst(%arg7 : memref<128x128xf32, #tpu.memory_space<vmem>>)
      "tpu.region"() ({
        %run_scoped3A = tpu.sem_alloc : memref<!tpu.dma_semaphore, #tpu.memory_space<semaphore_mem>>
        %dma_start3A_67 = arith.constant 0 : i32
        %dma_start3A_68 = arith.constant 0 : i32
        %dma_start3A_69 = tpu.memref_slice %arg12[%dma_start3A_67, %dma_start3A_68] : memref<10112x128xf32, #tpu.memory_space<vmem_shared>> -> memref<10112x128xf32, #tpu.memory_space<vmem_shared>>
        tpu.enqueue_indirect_dma source(%arg7 : memref<128x128xf32, #tpu.memory_space<vmem>>) target(%dma_start3A_69 : memref<10112x128xf32, #tpu.memory_space<vmem_shared>>) offsets(%arg6 : memref<128xi32, #tpu.memory_space<vmem>>) semaphore(%run_scoped3A : memref<!tpu.dma_semaphore, #tpu.memory_space<semaphore_mem>>) {add = true}
        %dma_wait3A_70 = arith.constant 0 : i32
        %dma_wait3A_71 = arith.constant 0 : i32
        %dma_wait3A_72 = tpu.memref_slice %arg12[%dma_wait3A_70, %dma_wait3A_71] : memref<10112x128xf32, #tpu.memory_space<vmem_shared>> -> memref<10112x128xf32, #tpu.memory_space<vmem_shared>>
        tpu.wait_indirect_dma semaphore(%run_scoped3A : memref<!tpu.dma_semaphore, #tpu.memory_space<semaphore_mem>>) src(%arg7 : memref<128x128xf32, #tpu.memory_space<vmem>>) dst(%dma_wait3A_72 : memref<10112x128xf32, #tpu.memory_space<vmem_shared>>)
        tpu.yield
      }) : () -> ()
      %dma_wait3A_63 = arith.constant 0 : i32
      %dma_wait3A_64 = tpu.memref_slice %arg2[%add3A_52, %dma_wait3A_63] : memref<160000x128xf32, #tpu.memory_space<hbm>> -> memref<128x128xf32, #tpu.memory_space<hbm>>
      %dma_wait3A_65 = arith.constant 0 : i32
      %dma_wait3A_66 = tpu.memref_slice %arg2[%add3A_52, %dma_wait3A_65] : memref<160000x128xf32, #tpu.memory_space<hbm>> -> memref<128x128xf32, #tpu.memory_space<hbm>>
      tpu.wait_dma2 semaphore(%arg11 : memref<!tpu.dma_semaphore, #tpu.memory_space<semaphore_mem>>) src(%dma_wait3A_66 : memref<128x128xf32, #tpu.memory_space<hbm>>) dst(%arg10 : memref<128x128xf32, #tpu.memory_space<vmem>>)
      "tpu.region"() ({
        %run_scoped3A = tpu.sem_alloc : memref<!tpu.dma_semaphore, #tpu.memory_space<semaphore_mem>>
        %dma_start3A_67 = arith.constant 0 : i32
        %dma_start3A_68 = arith.constant 0 : i32
        %dma_start3A_69 = tpu.memref_slice %arg12[%dma_start3A_67, %dma_start3A_68] : memref<10112x128xf32, #tpu.memory_space<vmem_shared>> -> memref<10112x128xf32, #tpu.memory_space<vmem_shared>>
        tpu.enqueue_indirect_dma source(%arg10 : memref<128x128xf32, #tpu.memory_space<vmem>>) target(%dma_start3A_69 : memref<10112x128xf32, #tpu.memory_space<vmem_shared>>) offsets(%arg9 : memref<128xi32, #tpu.memory_space<vmem>>) semaphore(%run_scoped3A : memref<!tpu.dma_semaphore, #tpu.memory_space<semaphore_mem>>) {add = true}
        %dma_wait3A_70 = arith.constant 0 : i32
        %dma_wait3A_71 = arith.constant 0 : i32
        %dma_wait3A_72 = tpu.memref_slice %arg12[%dma_wait3A_70, %dma_wait3A_71] : memref<10112x128xf32, #tpu.memory_space<vmem_shared>> -> memref<10112x128xf32, #tpu.memory_space<vmem_shared>>
        tpu.wait_indirect_dma semaphore(%run_scoped3A : memref<!tpu.dma_semaphore, #tpu.memory_space<semaphore_mem>>) src(%arg10 : memref<128x128xf32, #tpu.memory_space<vmem>>) dst(%dma_wait3A_72 : memref<10112x128xf32, #tpu.memory_space<vmem_shared>>)
        tpu.yield
      }) : () -> ()
    }
    %scan3A_11 = arith.constant 19 : i32
    %add3A_12 = arith.constant 4864 : i32
    %add3A_13 = arith.addi %mul3A_2, %add3A_12 : i32
    %add3A_14 = arith.constant 160000 : i32
    %add3A_15 = arith.addi %add3A_14, %add3A_13 : i32
    "tpu.region"() ({
      %run_scoped3A = tpu.sem_alloc : memref<!tpu.dma_semaphore, #tpu.memory_space<semaphore_mem>>
      %dma_start3A_39 = tpu.memref_slice %arg3[%add3A_15] : memref<320000xi32, #tpu.memory_space<hbm>> -> memref<128xi32, #tpu.memory_space<hbm>>
      %dma_start3A_40 = tpu.memref_slice %arg3[%add3A_15] : memref<320000xi32, #tpu.memory_space<hbm>> -> memref<128xi32, #tpu.memory_space<hbm>>
      tpu.enqueue_dma source(%dma_start3A_40 : memref<128xi32, #tpu.memory_space<hbm>>) target(%arg6 : memref<128xi32, #tpu.memory_space<vmem>>) target_semaphore(%run_scoped3A : memref<!tpu.dma_semaphore, #tpu.memory_space<semaphore_mem>>)
      %dma_wait3A_41 = tpu.memref_slice %arg3[%add3A_15] : memref<320000xi32, #tpu.memory_space<hbm>> -> memref<128xi32, #tpu.memory_space<hbm>>
      %dma_wait3A_42 = tpu.memref_slice %arg3[%add3A_15] : memref<320000xi32, #tpu.memory_space<hbm>> -> memref<128xi32, #tpu.memory_space<hbm>>
      tpu.wait_dma2 semaphore(%run_scoped3A : memref<!tpu.dma_semaphore, #tpu.memory_space<semaphore_mem>>) src(%dma_wait3A_42 : memref<128xi32, #tpu.memory_space<hbm>>) dst(%arg6 : memref<128xi32, #tpu.memory_space<vmem>>)
      tpu.yield
    }) : () -> ()
    %dma_start3A = arith.constant 0 : i32
    %dma_start3A_16 = tpu.memref_slice %arg2[%add3A_13, %dma_start3A] : memref<160000x128xf32, #tpu.memory_space<hbm>> -> memref<128x128xf32, #tpu.memory_space<hbm>>
    %dma_start3A_17 = arith.constant 0 : i32
    %dma_start3A_18 = tpu.memref_slice %arg2[%add3A_13, %dma_start3A_17] : memref<160000x128xf32, #tpu.memory_space<hbm>> -> memref<128x128xf32, #tpu.memory_space<hbm>>
    tpu.enqueue_dma source(%dma_start3A_18 : memref<128x128xf32, #tpu.memory_space<hbm>>) target(%arg7 : memref<128x128xf32, #tpu.memory_space<vmem>>) target_semaphore(%arg8 : memref<!tpu.dma_semaphore, #tpu.memory_space<semaphore_mem>>)
    %dma_wait3A = arith.constant 0 : i32
    %dma_wait3A_19 = tpu.memref_slice %arg2[%add3A_13, %dma_wait3A] : memref<160000x128xf32, #tpu.memory_space<hbm>> -> memref<128x128xf32, #tpu.memory_space<hbm>>
    %dma_wait3A_20 = arith.constant 0 : i32
    %dma_wait3A_21 = tpu.memref_slice %arg2[%add3A_13, %dma_wait3A_20] : memref<160000x128xf32, #tpu.memory_space<hbm>> -> memref<128x128xf32, #tpu.memory_space<hbm>>
    tpu.wait_dma2 semaphore(%arg8 : memref<!tpu.dma_semaphore, #tpu.memory_space<semaphore_mem>>) src(%dma_wait3A_21 : memref<128x128xf32, #tpu.memory_space<hbm>>) dst(%arg7 : memref<128x128xf32, #tpu.memory_space<vmem>>)
    "tpu.region"() ({
      %run_scoped3A = tpu.sem_alloc : memref<!tpu.dma_semaphore, #tpu.memory_space<semaphore_mem>>
      %dma_start3A_39 = arith.constant 0 : i32
      %dma_start3A_40 = arith.constant 0 : i32
      %dma_start3A_41 = tpu.memref_slice %arg12[%dma_start3A_39, %dma_start3A_40] : memref<10112x128xf32, #tpu.memory_space<vmem_shared>> -> memref<10112x128xf32, #tpu.memory_space<vmem_shared>>
      tpu.enqueue_indirect_dma source(%arg7 : memref<128x128xf32, #tpu.memory_space<vmem>>) target(%dma_start3A_41 : memref<10112x128xf32, #tpu.memory_space<vmem_shared>>) offsets(%arg6 : memref<128xi32, #tpu.memory_space<vmem>>) semaphore(%run_scoped3A : memref<!tpu.dma_semaphore, #tpu.memory_space<semaphore_mem>>) {add = true}
      %dma_wait3A_42 = arith.constant 0 : i32
      %dma_wait3A_43 = arith.constant 0 : i32
      %dma_wait3A_44 = tpu.memref_slice %arg12[%dma_wait3A_42, %dma_wait3A_43] : memref<10112x128xf32, #tpu.memory_space<vmem_shared>> -> memref<10112x128xf32, #tpu.memory_space<vmem_shared>>
      tpu.wait_indirect_dma semaphore(%run_scoped3A : memref<!tpu.dma_semaphore, #tpu.memory_space<semaphore_mem>>) src(%arg7 : memref<128x128xf32, #tpu.memory_space<vmem>>) dst(%dma_wait3A_44 : memref<10112x128xf32, #tpu.memory_space<vmem_shared>>)
      tpu.yield
    }) : () -> ()
    %add3A_22 = arith.constant 128 : i32
    %add3A_23 = arith.addi %add3A_13, %add3A_22 : i32
    %add3A_24 = arith.constant 160000 : i32
    %add3A_25 = arith.addi %add3A_24, %add3A_23 : i32
    "tpu.region"() ({
      %run_scoped3A = tpu.sem_alloc : memref<!tpu.dma_semaphore, #tpu.memory_space<semaphore_mem>>
      %dma_start3A_39 = tpu.memref_slice %arg3[%add3A_25] : memref<320000xi32, #tpu.memory_space<hbm>> -> memref<8xi32, #tpu.memory_space<hbm>>
      %dma_start3A_40 = tpu.memref_slice %arg3[%add3A_25] : memref<320000xi32, #tpu.memory_space<hbm>> -> memref<8xi32, #tpu.memory_space<hbm>>
      tpu.enqueue_dma source(%dma_start3A_40 : memref<8xi32, #tpu.memory_space<hbm>>) target(%arg13 : memref<8xi32, #tpu.memory_space<vmem>>) target_semaphore(%run_scoped3A : memref<!tpu.dma_semaphore, #tpu.memory_space<semaphore_mem>>)
      %dma_wait3A_41 = tpu.memref_slice %arg3[%add3A_25] : memref<320000xi32, #tpu.memory_space<hbm>> -> memref<8xi32, #tpu.memory_space<hbm>>
      %dma_wait3A_42 = tpu.memref_slice %arg3[%add3A_25] : memref<320000xi32, #tpu.memory_space<hbm>> -> memref<8xi32, #tpu.memory_space<hbm>>
      tpu.wait_dma2 semaphore(%run_scoped3A : memref<!tpu.dma_semaphore, #tpu.memory_space<semaphore_mem>>) src(%dma_wait3A_42 : memref<8xi32, #tpu.memory_space<hbm>>) dst(%arg13 : memref<8xi32, #tpu.memory_space<vmem>>)
      tpu.yield
    }) : () -> ()
    %dma_start3A_26 = arith.constant 0 : i32
    %dma_start3A_27 = tpu.memref_slice %arg2[%add3A_23, %dma_start3A_26] : memref<160000x128xf32, #tpu.memory_space<hbm>> -> memref<8x128xf32, #tpu.memory_space<hbm>>
    %dma_start3A_28 = arith.constant 0 : i32
    %dma_start3A_29 = tpu.memref_slice %arg2[%add3A_23, %dma_start3A_28] : memref<160000x128xf32, #tpu.memory_space<hbm>> -> memref<8x128xf32, #tpu.memory_space<hbm>>
    tpu.enqueue_dma source(%dma_start3A_29 : memref<8x128xf32, #tpu.memory_space<hbm>>) target(%arg14 : memref<8x128xf32, #tpu.memory_space<vmem>>) target_semaphore(%arg8 : memref<!tpu.dma_semaphore, #tpu.memory_space<semaphore_mem>>)
    %dma_wait3A_30 = arith.constant 0 : i32
    %dma_wait3A_31 = tpu.memref_slice %arg2[%add3A_23, %dma_wait3A_30] : memref<160000x128xf32, #tpu.memory_space<hbm>> -> memref<8x128xf32, #tpu.memory_space<hbm>>
    %dma_wait3A_32 = arith.constant 0 : i32
    %dma_wait3A_33 = tpu.memref_slice %arg2[%add3A_23, %dma_wait3A_32] : memref<160000x128xf32, #tpu.memory_space<hbm>> -> memref<8x128xf32, #tpu.memory_space<hbm>>
    tpu.wait_dma2 semaphore(%arg8 : memref<!tpu.dma_semaphore, #tpu.memory_space<semaphore_mem>>) src(%dma_wait3A_33 : memref<8x128xf32, #tpu.memory_space<hbm>>) dst(%arg14 : memref<8x128xf32, #tpu.memory_space<vmem>>)
    "tpu.region"() ({
      %run_scoped3A = tpu.sem_alloc : memref<!tpu.dma_semaphore, #tpu.memory_space<semaphore_mem>>
      %dma_start3A_39 = arith.constant 0 : i32
      %dma_start3A_40 = arith.constant 0 : i32
      %dma_start3A_41 = tpu.memref_slice %arg12[%dma_start3A_39, %dma_start3A_40] : memref<10112x128xf32, #tpu.memory_space<vmem_shared>> -> memref<10112x128xf32, #tpu.memory_space<vmem_shared>>
      tpu.enqueue_indirect_dma source(%arg14 : memref<8x128xf32, #tpu.memory_space<vmem>>) target(%dma_start3A_41 : memref<10112x128xf32, #tpu.memory_space<vmem_shared>>) offsets(%arg13 : memref<8xi32, #tpu.memory_space<vmem>>) semaphore(%run_scoped3A : memref<!tpu.dma_semaphore, #tpu.memory_space<semaphore_mem>>) {add = true}
      %dma_wait3A_42 = arith.constant 0 : i32
      %dma_wait3A_43 = arith.constant 0 : i32
      %dma_wait3A_44 = tpu.memref_slice %arg12[%dma_wait3A_42, %dma_wait3A_43] : memref<10112x128xf32, #tpu.memory_space<vmem_shared>> -> memref<10112x128xf32, #tpu.memory_space<vmem_shared>>
      tpu.wait_indirect_dma semaphore(%run_scoped3A : memref<!tpu.dma_semaphore, #tpu.memory_space<semaphore_mem>>) src(%arg14 : memref<8x128xf32, #tpu.memory_space<vmem>>) dst(%dma_wait3A_44 : memref<10112x128xf32, #tpu.memory_space<vmem_shared>>)
      tpu.yield
    }) : () -> ()
    %barrier3A_34 = arith.constant 0 : index
    tpu.barrier barrier_id(%barrier3A_34)
    %mul3A_35 = arith.constant 632 : i32
    %mul3A_36 = arith.muli %arg1, %mul3A_35 : i32
    %mul3A_37 = arith.constant 632 : i32
    %mul3A_38 = arith.muli %arg1, %mul3A_37 : i32
    "tpu.region"() ({
      %run_scoped3A = tpu.sem_alloc : memref<!tpu.dma_semaphore, #tpu.memory_space<semaphore_mem>>
      %dma_start3A_39 = arith.constant 0 : i32
      %dma_start3A_40 = tpu.memref_slice %arg5[%arg0, %mul3A_38, %dma_start3A_39] : memref<2x10112x128xf32, #tpu.memory_space<hbm>> -> memref<1x632x128xf32, #tpu.memory_space<hbm>>
      %dma_start3A_41 = tpu.memref_squeeze %dma_start3A_40 : memref<1x632x128xf32, #tpu.memory_space<hbm>> -> memref<632x128xf32, #tpu.memory_space<hbm>>
      %dma_start3A_42 = arith.constant 0 : i32
      %dma_start3A_43 = tpu.memref_slice %arg12[%mul3A_36, %dma_start3A_42] : memref<10112x128xf32, #tpu.memory_space<vmem_shared>> -> memref<632x128xf32, #tpu.memory_space<vmem_shared>>
      tpu.enqueue_dma source(%dma_start3A_43 : memref<632x128xf32, #tpu.memory_space<vmem_shared>>) target(%dma_start3A_41 : memref<632x128xf32, #tpu.memory_space<hbm>>) target_semaphore(%run_scoped3A : memref<!tpu.dma_semaphore, #tpu.memory_space<semaphore_mem>>)
      %dma_wait3A_44 = arith.constant 0 : i32
      %dma_wait3A_45 = tpu.memref_slice %arg5[%arg0, %mul3A_38, %dma_wait3A_44] : memref<2x10112x128xf32, #tpu.memory_space<hbm>> -> memref<1x632x128xf32, #tpu.memory_space<hbm>>
      %dma_wait3A_46 = tpu.memref_squeeze %dma_wait3A_45 : memref<1x632x128xf32, #tpu.memory_space<hbm>> -> memref<632x128xf32, #tpu.memory_space<hbm>>
      %dma_wait3A_47 = arith.constant 0 : i32
      %dma_wait3A_48 = tpu.memref_slice %arg12[%mul3A_36, %dma_wait3A_47] : memref<10112x128xf32, #tpu.memory_space<vmem_shared>> -> memref<632x128xf32, #tpu.memory_space<vmem_shared>>
      tpu.wait_dma2 semaphore(%run_scoped3A : memref<!tpu.dma_semaphore, #tpu.memory_space<semaphore_mem>>) src(%dma_wait3A_48 : memref<632x128xf32, #tpu.memory_space<vmem_shared>>) dst(%dma_wait3A_46 : memref<632x128xf32, #tpu.memory_space<hbm>>)
      tpu.yield
    }) : () -> ()
    return
  }
}

#map = affine_map<(d0, d1) -> (0, 0)>
#map1 = affine_map<(d0, d1) -> (0)>
#map2 = affine_map<(d0, d1) -> (0, 0, 0)>
module attributes {stable_mosaic.version = 14 : i64} {
  func.func @gather_kernel(%arg0: i32, %arg1: i32, %arg2: memref<10000x128xf32, #tpu.memory_space<hbm>>, %arg3: memref<320000xi32, #tpu.memory_space<hbm>>, %arg4: memref<320000xi32, #tpu.memory_space<hbm>>, %arg5: memref<2x10112x128xf32, #tpu.memory_space<hbm>>, %arg6: memref<64x128xf32, #tpu.memory_space<hbm>>, %arg7: memref<160000x128xf32, #tpu.memory_space<hbm>>, %arg8: memref<160000x128xf32, #tpu.memory_space<hbm>>, %arg9: memref<2x10112x128xf32, #tpu.memory_space<hbm>>, %arg10: memref<64xi32, #tpu.memory_space<vmem>>, %arg11: memref<64xi32, #tpu.memory_space<vmem>>, %arg12: memref<64x128xf32, #tpu.memory_space<vmem>>, %arg13: memref<64x128xf32, #tpu.memory_space<vmem>>, %arg14: memref<!tpu.dma_semaphore, #tpu.memory_space<semaphore_mem>>, %arg15: memref<!tpu.dma_semaphore, #tpu.memory_space<semaphore_mem>>, %arg16: memref<64xi32, #tpu.memory_space<vmem>>, %arg17: memref<64xi32, #tpu.memory_space<vmem>>, %arg18: memref<64x128xf32, #tpu.memory_space<vmem>>, %arg19: memref<64x128xf32, #tpu.memory_space<vmem>>, %arg20: memref<!tpu.dma_semaphore, #tpu.memory_space<semaphore_mem>>, %arg21: memref<!tpu.dma_semaphore, #tpu.memory_space<semaphore_mem>>, %arg22: memref<64x128xf32, #tpu.memory_space<vmem>>, %arg23: memref<10112x128xf32, #tpu.memory_space<vmem_shared>>, %arg24: memref<8xi32, #tpu.memory_space<vmem>>, %arg25: memref<8xi32, #tpu.memory_space<vmem>>, %arg26: memref<8x128xf32, #tpu.memory_space<vmem>>, %arg27: memref<8x128xf32, #tpu.memory_space<vmem>>) attributes {dimension_semantics = [#tpu.dimension_semantics<core_parallel>, #tpu.dimension_semantics<subcore_parallel>], iteration_bounds = array<i64: 2, 16>, scalar_prefetch = 0 : i64, scratch_operands = 18 : i64, tpu.core_type = #tpu.core_type<sc_vector_subcore>, window_params = [{transform_indices = #map}, {transform_indices = #map1}, {transform_indices = #map1}, {transform_indices = #map2}, {transform_indices = #map}, {transform_indices = #map}, {transform_indices = #map}, {transform_indices = #map2}]} {
    %mul3A = arith.constant 2 : i32
    %mul3A_0 = arith.muli %arg1, %mul3A : i32
    %add3A = arith.addi %mul3A_0, %arg0 : i32
    %mul3A_1 = arith.constant 5000 : i32
    %mul3A_2 = arith.muli %add3A, %mul3A_1 : i32
    %mul3A_3 = arith.constant 632 : i32
    %mul3A_4 = arith.muli %arg1, %mul3A_3 : i32
    %mul3A_5 = arith.constant 632 : i32
    %mul3A_6 = arith.muli %arg1, %mul3A_5 : i32
    "tpu.region"() ({
      %run_scoped3A = tpu.sem_alloc : memref<!tpu.dma_semaphore, #tpu.memory_space<semaphore_mem>>
      %dma_start3A_33 = arith.constant 0 : i32
      %dma_start3A_34 = tpu.memref_slice %arg23[%mul3A_6, %dma_start3A_33] : memref<10112x128xf32, #tpu.memory_space<vmem_shared>> -> memref<632x128xf32, #tpu.memory_space<vmem_shared>>
      %dma_start3A_35 = arith.constant 0 : i32
      %dma_start3A_36 = tpu.memref_slice %arg5[%arg0, %mul3A_4, %dma_start3A_35] : memref<2x10112x128xf32, #tpu.memory_space<hbm>> -> memref<1x632x128xf32, #tpu.memory_space<hbm>>
      %dma_start3A_37 = tpu.memref_squeeze %dma_start3A_36 : memref<1x632x128xf32, #tpu.memory_space<hbm>> -> memref<632x128xf32, #tpu.memory_space<hbm>>
      tpu.enqueue_dma source(%dma_start3A_37 : memref<632x128xf32, #tpu.memory_space<hbm>>) target(%dma_start3A_34 : memref<632x128xf32, #tpu.memory_space<vmem_shared>>) target_semaphore(%run_scoped3A : memref<!tpu.dma_semaphore, #tpu.memory_space<semaphore_mem>>)
      %dma_wait3A_38 = arith.constant 0 : i32
      %dma_wait3A_39 = tpu.memref_slice %arg23[%mul3A_6, %dma_wait3A_38] : memref<10112x128xf32, #tpu.memory_space<vmem_shared>> -> memref<632x128xf32, #tpu.memory_space<vmem_shared>>
      %dma_wait3A_40 = arith.constant 0 : i32
      %dma_wait3A_41 = tpu.memref_slice %arg5[%arg0, %mul3A_4, %dma_wait3A_40] : memref<2x10112x128xf32, #tpu.memory_space<hbm>> -> memref<1x632x128xf32, #tpu.memory_space<hbm>>
      %dma_wait3A_42 = tpu.memref_squeeze %dma_wait3A_41 : memref<1x632x128xf32, #tpu.memory_space<hbm>> -> memref<632x128xf32, #tpu.memory_space<hbm>>
      tpu.wait_dma2 semaphore(%run_scoped3A : memref<!tpu.dma_semaphore, #tpu.memory_space<semaphore_mem>>) src(%dma_wait3A_42 : memref<632x128xf32, #tpu.memory_space<hbm>>) dst(%dma_wait3A_39 : memref<632x128xf32, #tpu.memory_space<vmem_shared>>)
      tpu.yield
    }) : () -> ()
    "tpu.region"() ({
      %run_scoped3A = tpu.sem_alloc : memref<!tpu.dma_semaphore, #tpu.memory_space<semaphore_mem>>
      tpu.enqueue_dma source(%arg6 : memref<64x128xf32, #tpu.memory_space<hbm>>) target(%arg22 : memref<64x128xf32, #tpu.memory_space<vmem>>) target_semaphore(%run_scoped3A : memref<!tpu.dma_semaphore, #tpu.memory_space<semaphore_mem>>)
      tpu.wait_dma2 semaphore(%run_scoped3A : memref<!tpu.dma_semaphore, #tpu.memory_space<semaphore_mem>>) src(%arg6 : memref<64x128xf32, #tpu.memory_space<hbm>>) dst(%arg22 : memref<64x128xf32, #tpu.memory_space<vmem>>)
      tpu.yield
    }) : () -> ()
    %barrier3A = arith.constant 0 : index
    tpu.barrier barrier_id(%barrier3A)
    %scan3A = arith.constant 0 : i32
    %scan3A_7 = arith.constant 0 : i32
    %scan3A_8 = arith.constant 39 : i32
    %scan3A_9 = arith.addi %scan3A_7, %scan3A_8 : i32
    %scan3A_10 = arith.constant 1 : i32
    scf.for %scan3A_33 = %scan3A_7 to %scan3A_9 step %scan3A_10  : i32 {
      %mul3A_34 = arith.constant 2 : i32
      %mul3A_35 = arith.muli %mul3A_34, %scan3A_33 : i32
      %mul3A_36 = arith.constant 64 : i32
      %mul3A_37 = arith.muli %mul3A_35, %mul3A_36 : i32
      %add3A_38 = arith.addi %mul3A_2, %mul3A_37 : i32
      %add3A_39 = arith.constant 64 : i32
      %add3A_40 = arith.addi %add3A_38, %add3A_39 : i32
      %add3A_41 = arith.constant 160000 : i32
      %add3A_42 = arith.addi %add3A_41, %add3A_38 : i32
      "tpu.region"() ({
        %run_scoped3A = tpu.sem_alloc : memref<!tpu.dma_semaphore, #tpu.memory_space<semaphore_mem>>
        %dma_start3A_73 = tpu.memref_slice %arg3[%add3A_42] : memref<320000xi32, #tpu.memory_space<hbm>> -> memref<64xi32, #tpu.memory_space<hbm>>
        %dma_start3A_74 = tpu.memref_slice %arg3[%add3A_42] : memref<320000xi32, #tpu.memory_space<hbm>> -> memref<64xi32, #tpu.memory_space<hbm>>
        tpu.enqueue_dma source(%dma_start3A_74 : memref<64xi32, #tpu.memory_space<hbm>>) target(%arg10 : memref<64xi32, #tpu.memory_space<vmem>>) target_semaphore(%run_scoped3A : memref<!tpu.dma_semaphore, #tpu.memory_space<semaphore_mem>>)
        %dma_wait3A_75 = tpu.memref_slice %arg3[%add3A_42] : memref<320000xi32, #tpu.memory_space<hbm>> -> memref<64xi32, #tpu.memory_space<hbm>>
        %dma_wait3A_76 = tpu.memref_slice %arg3[%add3A_42] : memref<320000xi32, #tpu.memory_space<hbm>> -> memref<64xi32, #tpu.memory_space<hbm>>
        tpu.wait_dma2 semaphore(%run_scoped3A : memref<!tpu.dma_semaphore, #tpu.memory_space<semaphore_mem>>) src(%dma_wait3A_76 : memref<64xi32, #tpu.memory_space<hbm>>) dst(%arg10 : memref<64xi32, #tpu.memory_space<vmem>>)
        tpu.yield
      }) : () -> ()
      %add3A_43 = arith.constant 160000 : i32
      %add3A_44 = arith.addi %add3A_43, %add3A_38 : i32
      "tpu.region"() ({
        %run_scoped3A = tpu.sem_alloc : memref<!tpu.dma_semaphore, #tpu.memory_space<semaphore_mem>>
        %dma_start3A_73 = tpu.memref_slice %arg4[%add3A_44] : memref<320000xi32, #tpu.memory_space<hbm>> -> memref<64xi32, #tpu.memory_space<hbm>>
        %dma_start3A_74 = tpu.memref_slice %arg4[%add3A_44] : memref<320000xi32, #tpu.memory_space<hbm>> -> memref<64xi32, #tpu.memory_space<hbm>>
        tpu.enqueue_dma source(%dma_start3A_74 : memref<64xi32, #tpu.memory_space<hbm>>) target(%arg11 : memref<64xi32, #tpu.memory_space<vmem>>) target_semaphore(%run_scoped3A : memref<!tpu.dma_semaphore, #tpu.memory_space<semaphore_mem>>)
        %dma_wait3A_75 = tpu.memref_slice %arg4[%add3A_44] : memref<320000xi32, #tpu.memory_space<hbm>> -> memref<64xi32, #tpu.memory_space<hbm>>
        %dma_wait3A_76 = tpu.memref_slice %arg4[%add3A_44] : memref<320000xi32, #tpu.memory_space<hbm>> -> memref<64xi32, #tpu.memory_space<hbm>>
        tpu.wait_dma2 semaphore(%run_scoped3A : memref<!tpu.dma_semaphore, #tpu.memory_space<semaphore_mem>>) src(%dma_wait3A_76 : memref<64xi32, #tpu.memory_space<hbm>>) dst(%arg11 : memref<64xi32, #tpu.memory_space<vmem>>)
        tpu.yield
      }) : () -> ()
      %dma_start3A_45 = arith.constant 0 : i32
      %dma_start3A_46 = arith.constant 0 : i32
      %dma_start3A_47 = tpu.memref_slice %arg2[%dma_start3A_45, %dma_start3A_46] : memref<10000x128xf32, #tpu.memory_space<hbm>> -> memref<10000x128xf32, #tpu.memory_space<hbm>>
      tpu.enqueue_indirect_dma source(%dma_start3A_47 : memref<10000x128xf32, #tpu.memory_space<hbm>>) target(%arg12 : memref<64x128xf32, #tpu.memory_space<vmem>>) offsets(%arg10 : memref<64xi32, #tpu.memory_space<vmem>>) semaphore(%arg14 : memref<!tpu.dma_semaphore, #tpu.memory_space<semaphore_mem>>)
      %dma_start3A_48 = arith.constant 0 : i32
      %dma_start3A_49 = arith.constant 0 : i32
      %dma_start3A_50 = tpu.memref_slice %arg2[%dma_start3A_48, %dma_start3A_49] : memref<10000x128xf32, #tpu.memory_space<hbm>> -> memref<10000x128xf32, #tpu.memory_space<hbm>>
      tpu.enqueue_indirect_dma source(%dma_start3A_50 : memref<10000x128xf32, #tpu.memory_space<hbm>>) target(%arg13 : memref<64x128xf32, #tpu.memory_space<vmem>>) offsets(%arg11 : memref<64xi32, #tpu.memory_space<vmem>>) semaphore(%arg15 : memref<!tpu.dma_semaphore, #tpu.memory_space<semaphore_mem>>)
      "tpu.region"() ({
        %run_scoped3A = tpu.sem_alloc : memref<!tpu.dma_semaphore, #tpu.memory_space<semaphore_mem>>
        %dma_start3A_73 = arith.constant 0 : i32
        %dma_start3A_74 = arith.constant 0 : i32
        %dma_start3A_75 = tpu.memref_slice %arg23[%dma_start3A_73, %dma_start3A_74] : memref<10112x128xf32, #tpu.memory_space<vmem_shared>> -> memref<10112x128xf32, #tpu.memory_space<vmem_shared>>
        tpu.enqueue_indirect_dma source(%arg22 : memref<64x128xf32, #tpu.memory_space<vmem>>) target(%dma_start3A_75 : memref<10112x128xf32, #tpu.memory_space<vmem_shared>>) offsets(%arg10 : memref<64xi32, #tpu.memory_space<vmem>>) semaphore(%run_scoped3A : memref<!tpu.dma_semaphore, #tpu.memory_space<semaphore_mem>>) {add = true}
        %dma_wait3A_76 = arith.constant 0 : i32
        %dma_wait3A_77 = arith.constant 0 : i32
        %dma_wait3A_78 = tpu.memref_slice %arg23[%dma_wait3A_76, %dma_wait3A_77] : memref<10112x128xf32, #tpu.memory_space<vmem_shared>> -> memref<10112x128xf32, #tpu.memory_space<vmem_shared>>
        tpu.wait_indirect_dma semaphore(%run_scoped3A : memref<!tpu.dma_semaphore, #tpu.memory_space<semaphore_mem>>) src(%arg22 : memref<64x128xf32, #tpu.memory_space<vmem>>) dst(%dma_wait3A_78 : memref<10112x128xf32, #tpu.memory_space<vmem_shared>>)
        tpu.yield
      }) : () -> ()
      %add3A_51 = arith.constant 160000 : i32
      %add3A_52 = arith.addi %add3A_51, %add3A_40 : i32
      "tpu.region"() ({
        %run_scoped3A = tpu.sem_alloc : memref<!tpu.dma_semaphore, #tpu.memory_space<semaphore_mem>>
        %dma_start3A_73 = tpu.memref_slice %arg3[%add3A_52] : memref<320000xi32, #tpu.memory_space<hbm>> -> memref<64xi32, #tpu.memory_space<hbm>>
        %dma_start3A_74 = tpu.memref_slice %arg3[%add3A_52] : memref<320000xi32, #tpu.memory_space<hbm>> -> memref<64xi32, #tpu.memory_space<hbm>>
        tpu.enqueue_dma source(%dma_start3A_74 : memref<64xi32, #tpu.memory_space<hbm>>) target(%arg16 : memref<64xi32, #tpu.memory_space<vmem>>) target_semaphore(%run_scoped3A : memref<!tpu.dma_semaphore, #tpu.memory_space<semaphore_mem>>)
        %dma_wait3A_75 = tpu.memref_slice %arg3[%add3A_52] : memref<320000xi32, #tpu.memory_space<hbm>> -> memref<64xi32, #tpu.memory_space<hbm>>
        %dma_wait3A_76 = tpu.memref_slice %arg3[%add3A_52] : memref<320000xi32, #tpu.memory_space<hbm>> -> memref<64xi32, #tpu.memory_space<hbm>>
        tpu.wait_dma2 semaphore(%run_scoped3A : memref<!tpu.dma_semaphore, #tpu.memory_space<semaphore_mem>>) src(%dma_wait3A_76 : memref<64xi32, #tpu.memory_space<hbm>>) dst(%arg16 : memref<64xi32, #tpu.memory_space<vmem>>)
        tpu.yield
      }) : () -> ()
      %add3A_53 = arith.constant 160000 : i32
      %add3A_54 = arith.addi %add3A_53, %add3A_40 : i32
      "tpu.region"() ({
        %run_scoped3A = tpu.sem_alloc : memref<!tpu.dma_semaphore, #tpu.memory_space<semaphore_mem>>
        %dma_start3A_73 = tpu.memref_slice %arg4[%add3A_54] : memref<320000xi32, #tpu.memory_space<hbm>> -> memref<64xi32, #tpu.memory_space<hbm>>
        %dma_start3A_74 = tpu.memref_slice %arg4[%add3A_54] : memref<320000xi32, #tpu.memory_space<hbm>> -> memref<64xi32, #tpu.memory_space<hbm>>
        tpu.enqueue_dma source(%dma_start3A_74 : memref<64xi32, #tpu.memory_space<hbm>>) target(%arg17 : memref<64xi32, #tpu.memory_space<vmem>>) target_semaphore(%run_scoped3A : memref<!tpu.dma_semaphore, #tpu.memory_space<semaphore_mem>>)
        %dma_wait3A_75 = tpu.memref_slice %arg4[%add3A_54] : memref<320000xi32, #tpu.memory_space<hbm>> -> memref<64xi32, #tpu.memory_space<hbm>>
        %dma_wait3A_76 = tpu.memref_slice %arg4[%add3A_54] : memref<320000xi32, #tpu.memory_space<hbm>> -> memref<64xi32, #tpu.memory_space<hbm>>
        tpu.wait_dma2 semaphore(%run_scoped3A : memref<!tpu.dma_semaphore, #tpu.memory_space<semaphore_mem>>) src(%dma_wait3A_76 : memref<64xi32, #tpu.memory_space<hbm>>) dst(%arg17 : memref<64xi32, #tpu.memory_space<vmem>>)
        tpu.yield
      }) : () -> ()
      %dma_start3A_55 = arith.constant 0 : i32
      %dma_start3A_56 = arith.constant 0 : i32
      %dma_start3A_57 = tpu.memref_slice %arg2[%dma_start3A_55, %dma_start3A_56] : memref<10000x128xf32, #tpu.memory_space<hbm>> -> memref<10000x128xf32, #tpu.memory_space<hbm>>
      tpu.enqueue_indirect_dma source(%dma_start3A_57 : memref<10000x128xf32, #tpu.memory_space<hbm>>) target(%arg18 : memref<64x128xf32, #tpu.memory_space<vmem>>) offsets(%arg16 : memref<64xi32, #tpu.memory_space<vmem>>) semaphore(%arg20 : memref<!tpu.dma_semaphore, #tpu.memory_space<semaphore_mem>>)
      %dma_start3A_58 = arith.constant 0 : i32
      %dma_start3A_59 = arith.constant 0 : i32
      %dma_start3A_60 = tpu.memref_slice %arg2[%dma_start3A_58, %dma_start3A_59] : memref<10000x128xf32, #tpu.memory_space<hbm>> -> memref<10000x128xf32, #tpu.memory_space<hbm>>
      tpu.enqueue_indirect_dma source(%dma_start3A_60 : memref<10000x128xf32, #tpu.memory_space<hbm>>) target(%arg19 : memref<64x128xf32, #tpu.memory_space<vmem>>) offsets(%arg17 : memref<64xi32, #tpu.memory_space<vmem>>) semaphore(%arg21 : memref<!tpu.dma_semaphore, #tpu.memory_space<semaphore_mem>>)
      "tpu.region"() ({
        %run_scoped3A = tpu.sem_alloc : memref<!tpu.dma_semaphore, #tpu.memory_space<semaphore_mem>>
        %dma_start3A_73 = arith.constant 0 : i32
        %dma_start3A_74 = arith.constant 0 : i32
        %dma_start3A_75 = tpu.memref_slice %arg23[%dma_start3A_73, %dma_start3A_74] : memref<10112x128xf32, #tpu.memory_space<vmem_shared>> -> memref<10112x128xf32, #tpu.memory_space<vmem_shared>>
        tpu.enqueue_indirect_dma source(%arg22 : memref<64x128xf32, #tpu.memory_space<vmem>>) target(%dma_start3A_75 : memref<10112x128xf32, #tpu.memory_space<vmem_shared>>) offsets(%arg16 : memref<64xi32, #tpu.memory_space<vmem>>) semaphore(%run_scoped3A : memref<!tpu.dma_semaphore, #tpu.memory_space<semaphore_mem>>) {add = true}
        %dma_wait3A_76 = arith.constant 0 : i32
        %dma_wait3A_77 = arith.constant 0 : i32
        %dma_wait3A_78 = tpu.memref_slice %arg23[%dma_wait3A_76, %dma_wait3A_77] : memref<10112x128xf32, #tpu.memory_space<vmem_shared>> -> memref<10112x128xf32, #tpu.memory_space<vmem_shared>>
        tpu.wait_indirect_dma semaphore(%run_scoped3A : memref<!tpu.dma_semaphore, #tpu.memory_space<semaphore_mem>>) src(%arg22 : memref<64x128xf32, #tpu.memory_space<vmem>>) dst(%dma_wait3A_78 : memref<10112x128xf32, #tpu.memory_space<vmem_shared>>)
        tpu.yield
      }) : () -> ()
      %dma_wait3A_61 = arith.constant 0 : i32
      %dma_wait3A_62 = arith.constant 0 : i32
      %dma_wait3A_63 = tpu.memref_slice %arg2[%dma_wait3A_61, %dma_wait3A_62] : memref<10000x128xf32, #tpu.memory_space<hbm>> -> memref<10000x128xf32, #tpu.memory_space<hbm>>
      tpu.wait_indirect_dma semaphore(%arg14 : memref<!tpu.dma_semaphore, #tpu.memory_space<semaphore_mem>>) src(%dma_wait3A_63 : memref<10000x128xf32, #tpu.memory_space<hbm>>) dst(%arg12 : memref<64x128xf32, #tpu.memory_space<vmem>>)
      "tpu.region"() ({
        %run_scoped3A = tpu.sem_alloc : memref<!tpu.dma_semaphore, #tpu.memory_space<semaphore_mem>>
        %dma_start3A_73 = arith.constant 0 : i32
        %dma_start3A_74 = tpu.memref_slice %arg7[%add3A_38, %dma_start3A_73] : memref<160000x128xf32, #tpu.memory_space<hbm>> -> memref<64x128xf32, #tpu.memory_space<hbm>>
        %dma_start3A_75 = arith.constant 0 : i32
        %dma_start3A_76 = tpu.memref_slice %arg7[%add3A_38, %dma_start3A_75] : memref<160000x128xf32, #tpu.memory_space<hbm>> -> memref<64x128xf32, #tpu.memory_space<hbm>>
        tpu.enqueue_dma source(%arg12 : memref<64x128xf32, #tpu.memory_space<vmem>>) target(%dma_start3A_76 : memref<64x128xf32, #tpu.memory_space<hbm>>) target_semaphore(%run_scoped3A : memref<!tpu.dma_semaphore, #tpu.memory_space<semaphore_mem>>)
        %dma_wait3A_77 = arith.constant 0 : i32
        %dma_wait3A_78 = tpu.memref_slice %arg7[%add3A_38, %dma_wait3A_77] : memref<160000x128xf32, #tpu.memory_space<hbm>> -> memref<64x128xf32, #tpu.memory_space<hbm>>
        %dma_wait3A_79 = arith.constant 0 : i32
        %dma_wait3A_80 = tpu.memref_slice %arg7[%add3A_38, %dma_wait3A_79] : memref<160000x128xf32, #tpu.memory_space<hbm>> -> memref<64x128xf32, #tpu.memory_space<hbm>>
        tpu.wait_dma2 semaphore(%run_scoped3A : memref<!tpu.dma_semaphore, #tpu.memory_space<semaphore_mem>>) src(%arg12 : memref<64x128xf32, #tpu.memory_space<vmem>>) dst(%dma_wait3A_80 : memref<64x128xf32, #tpu.memory_space<hbm>>)
        tpu.yield
      }) : () -> ()
      %dma_wait3A_64 = arith.constant 0 : i32
      %dma_wait3A_65 = arith.constant 0 : i32
      %dma_wait3A_66 = tpu.memref_slice %arg2[%dma_wait3A_64, %dma_wait3A_65] : memref<10000x128xf32, #tpu.memory_space<hbm>> -> memref<10000x128xf32, #tpu.memory_space<hbm>>
      tpu.wait_indirect_dma semaphore(%arg15 : memref<!tpu.dma_semaphore, #tpu.memory_space<semaphore_mem>>) src(%dma_wait3A_66 : memref<10000x128xf32, #tpu.memory_space<hbm>>) dst(%arg13 : memref<64x128xf32, #tpu.memory_space<vmem>>)
      "tpu.region"() ({
        %run_scoped3A = tpu.sem_alloc : memref<!tpu.dma_semaphore, #tpu.memory_space<semaphore_mem>>
        %dma_start3A_73 = arith.constant 0 : i32
        %dma_start3A_74 = tpu.memref_slice %arg8[%add3A_38, %dma_start3A_73] : memref<160000x128xf32, #tpu.memory_space<hbm>> -> memref<64x128xf32, #tpu.memory_space<hbm>>
        %dma_start3A_75 = arith.constant 0 : i32
        %dma_start3A_76 = tpu.memref_slice %arg8[%add3A_38, %dma_start3A_75] : memref<160000x128xf32, #tpu.memory_space<hbm>> -> memref<64x128xf32, #tpu.memory_space<hbm>>
        tpu.enqueue_dma source(%arg13 : memref<64x128xf32, #tpu.memory_space<vmem>>) target(%dma_start3A_76 : memref<64x128xf32, #tpu.memory_space<hbm>>) target_semaphore(%run_scoped3A : memref<!tpu.dma_semaphore, #tpu.memory_space<semaphore_mem>>)
        %dma_wait3A_77 = arith.constant 0 : i32
        %dma_wait3A_78 = tpu.memref_slice %arg8[%add3A_38, %dma_wait3A_77] : memref<160000x128xf32, #tpu.memory_space<hbm>> -> memref<64x128xf32, #tpu.memory_space<hbm>>
        %dma_wait3A_79 = arith.constant 0 : i32
        %dma_wait3A_80 = tpu.memref_slice %arg8[%add3A_38, %dma_wait3A_79] : memref<160000x128xf32, #tpu.memory_space<hbm>> -> memref<64x128xf32, #tpu.memory_space<hbm>>
        tpu.wait_dma2 semaphore(%run_scoped3A : memref<!tpu.dma_semaphore, #tpu.memory_space<semaphore_mem>>) src(%arg13 : memref<64x128xf32, #tpu.memory_space<vmem>>) dst(%dma_wait3A_80 : memref<64x128xf32, #tpu.memory_space<hbm>>)
        tpu.yield
      }) : () -> ()
      %dma_wait3A_67 = arith.constant 0 : i32
      %dma_wait3A_68 = arith.constant 0 : i32
      %dma_wait3A_69 = tpu.memref_slice %arg2[%dma_wait3A_67, %dma_wait3A_68] : memref<10000x128xf32, #tpu.memory_space<hbm>> -> memref<10000x128xf32, #tpu.memory_space<hbm>>
      tpu.wait_indirect_dma semaphore(%arg20 : memref<!tpu.dma_semaphore, #tpu.memory_space<semaphore_mem>>) src(%dma_wait3A_69 : memref<10000x128xf32, #tpu.memory_space<hbm>>) dst(%arg18 : memref<64x128xf32, #tpu.memory_space<vmem>>)
      "tpu.region"() ({
        %run_scoped3A = tpu.sem_alloc : memref<!tpu.dma_semaphore, #tpu.memory_space<semaphore_mem>>
        %dma_start3A_73 = arith.constant 0 : i32
        %dma_start3A_74 = tpu.memref_slice %arg7[%add3A_40, %dma_start3A_73] : memref<160000x128xf32, #tpu.memory_space<hbm>> -> memref<64x128xf32, #tpu.memory_space<hbm>>
        %dma_start3A_75 = arith.constant 0 : i32
        %dma_start3A_76 = tpu.memref_slice %arg7[%add3A_40, %dma_start3A_75] : memref<160000x128xf32, #tpu.memory_space<hbm>> -> memref<64x128xf32, #tpu.memory_space<hbm>>
        tpu.enqueue_dma source(%arg18 : memref<64x128xf32, #tpu.memory_space<vmem>>) target(%dma_start3A_76 : memref<64x128xf32, #tpu.memory_space<hbm>>) target_semaphore(%run_scoped3A : memref<!tpu.dma_semaphore, #tpu.memory_space<semaphore_mem>>)
        %dma_wait3A_77 = arith.constant 0 : i32
        %dma_wait3A_78 = tpu.memref_slice %arg7[%add3A_40, %dma_wait3A_77] : memref<160000x128xf32, #tpu.memory_space<hbm>> -> memref<64x128xf32, #tpu.memory_space<hbm>>
        %dma_wait3A_79 = arith.constant 0 : i32
        %dma_wait3A_80 = tpu.memref_slice %arg7[%add3A_40, %dma_wait3A_79] : memref<160000x128xf32, #tpu.memory_space<hbm>> -> memref<64x128xf32, #tpu.memory_space<hbm>>
        tpu.wait_dma2 semaphore(%run_scoped3A : memref<!tpu.dma_semaphore, #tpu.memory_space<semaphore_mem>>) src(%arg18 : memref<64x128xf32, #tpu.memory_space<vmem>>) dst(%dma_wait3A_80 : memref<64x128xf32, #tpu.memory_space<hbm>>)
        tpu.yield
      }) : () -> ()
      %dma_wait3A_70 = arith.constant 0 : i32
      %dma_wait3A_71 = arith.constant 0 : i32
      %dma_wait3A_72 = tpu.memref_slice %arg2[%dma_wait3A_70, %dma_wait3A_71] : memref<10000x128xf32, #tpu.memory_space<hbm>> -> memref<10000x128xf32, #tpu.memory_space<hbm>>
      tpu.wait_indirect_dma semaphore(%arg21 : memref<!tpu.dma_semaphore, #tpu.memory_space<semaphore_mem>>) src(%dma_wait3A_72 : memref<10000x128xf32, #tpu.memory_space<hbm>>) dst(%arg19 : memref<64x128xf32, #tpu.memory_space<vmem>>)
      "tpu.region"() ({
        %run_scoped3A = tpu.sem_alloc : memref<!tpu.dma_semaphore, #tpu.memory_space<semaphore_mem>>
        %dma_start3A_73 = arith.constant 0 : i32
        %dma_start3A_74 = tpu.memref_slice %arg8[%add3A_40, %dma_start3A_73] : memref<160000x128xf32, #tpu.memory_space<hbm>> -> memref<64x128xf32, #tpu.memory_space<hbm>>
        %dma_start3A_75 = arith.constant 0 : i32
        %dma_start3A_76 = tpu.memref_slice %arg8[%add3A_40, %dma_start3A_75] : memref<160000x128xf32, #tpu.memory_space<hbm>> -> memref<64x128xf32, #tpu.memory_space<hbm>>
        tpu.enqueue_dma source(%arg19 : memref<64x128xf32, #tpu.memory_space<vmem>>) target(%dma_start3A_76 : memref<64x128xf32, #tpu.memory_space<hbm>>) target_semaphore(%run_scoped3A : memref<!tpu.dma_semaphore, #tpu.memory_space<semaphore_mem>>)
        %dma_wait3A_77 = arith.constant 0 : i32
        %dma_wait3A_78 = tpu.memref_slice %arg8[%add3A_40, %dma_wait3A_77] : memref<160000x128xf32, #tpu.memory_space<hbm>> -> memref<64x128xf32, #tpu.memory_space<hbm>>
        %dma_wait3A_79 = arith.constant 0 : i32
        %dma_wait3A_80 = tpu.memref_slice %arg8[%add3A_40, %dma_wait3A_79] : memref<160000x128xf32, #tpu.memory_space<hbm>> -> memref<64x128xf32, #tpu.memory_space<hbm>>
        tpu.wait_dma2 semaphore(%run_scoped3A : memref<!tpu.dma_semaphore, #tpu.memory_space<semaphore_mem>>) src(%arg19 : memref<64x128xf32, #tpu.memory_space<vmem>>) dst(%dma_wait3A_80 : memref<64x128xf32, #tpu.memory_space<hbm>>)
        tpu.yield
      }) : () -> ()
    }
    %scan3A_11 = arith.constant 39 : i32
    %add3A_12 = arith.constant 4992 : i32
    %add3A_13 = arith.addi %mul3A_2, %add3A_12 : i32
    %add3A_14 = arith.constant 160000 : i32
    %add3A_15 = arith.addi %add3A_14, %add3A_13 : i32
    "tpu.region"() ({
      %run_scoped3A = tpu.sem_alloc : memref<!tpu.dma_semaphore, #tpu.memory_space<semaphore_mem>>
      %dma_start3A_33 = tpu.memref_slice %arg3[%add3A_15] : memref<320000xi32, #tpu.memory_space<hbm>> -> memref<8xi32, #tpu.memory_space<hbm>>
      %dma_start3A_34 = tpu.memref_slice %arg3[%add3A_15] : memref<320000xi32, #tpu.memory_space<hbm>> -> memref<8xi32, #tpu.memory_space<hbm>>
      tpu.enqueue_dma source(%dma_start3A_34 : memref<8xi32, #tpu.memory_space<hbm>>) target(%arg24 : memref<8xi32, #tpu.memory_space<vmem>>) target_semaphore(%run_scoped3A : memref<!tpu.dma_semaphore, #tpu.memory_space<semaphore_mem>>)
      %dma_wait3A_35 = tpu.memref_slice %arg3[%add3A_15] : memref<320000xi32, #tpu.memory_space<hbm>> -> memref<8xi32, #tpu.memory_space<hbm>>
      %dma_wait3A_36 = tpu.memref_slice %arg3[%add3A_15] : memref<320000xi32, #tpu.memory_space<hbm>> -> memref<8xi32, #tpu.memory_space<hbm>>
      tpu.wait_dma2 semaphore(%run_scoped3A : memref<!tpu.dma_semaphore, #tpu.memory_space<semaphore_mem>>) src(%dma_wait3A_36 : memref<8xi32, #tpu.memory_space<hbm>>) dst(%arg24 : memref<8xi32, #tpu.memory_space<vmem>>)
      tpu.yield
    }) : () -> ()
    %add3A_16 = arith.constant 160000 : i32
    %add3A_17 = arith.addi %add3A_16, %add3A_13 : i32
    "tpu.region"() ({
      %run_scoped3A = tpu.sem_alloc : memref<!tpu.dma_semaphore, #tpu.memory_space<semaphore_mem>>
      %dma_start3A_33 = tpu.memref_slice %arg4[%add3A_17] : memref<320000xi32, #tpu.memory_space<hbm>> -> memref<8xi32, #tpu.memory_space<hbm>>
      %dma_start3A_34 = tpu.memref_slice %arg4[%add3A_17] : memref<320000xi32, #tpu.memory_space<hbm>> -> memref<8xi32, #tpu.memory_space<hbm>>
      tpu.enqueue_dma source(%dma_start3A_34 : memref<8xi32, #tpu.memory_space<hbm>>) target(%arg25 : memref<8xi32, #tpu.memory_space<vmem>>) target_semaphore(%run_scoped3A : memref<!tpu.dma_semaphore, #tpu.memory_space<semaphore_mem>>)
      %dma_wait3A_35 = tpu.memref_slice %arg4[%add3A_17] : memref<320000xi32, #tpu.memory_space<hbm>> -> memref<8xi32, #tpu.memory_space<hbm>>
      %dma_wait3A_36 = tpu.memref_slice %arg4[%add3A_17] : memref<320000xi32, #tpu.memory_space<hbm>> -> memref<8xi32, #tpu.memory_space<hbm>>
      tpu.wait_dma2 semaphore(%run_scoped3A : memref<!tpu.dma_semaphore, #tpu.memory_space<semaphore_mem>>) src(%dma_wait3A_36 : memref<8xi32, #tpu.memory_space<hbm>>) dst(%arg25 : memref<8xi32, #tpu.memory_space<vmem>>)
      tpu.yield
    }) : () -> ()
    %dma_start3A = arith.constant 0 : i32
    %dma_start3A_18 = arith.constant 0 : i32
    %dma_start3A_19 = tpu.memref_slice %arg2[%dma_start3A, %dma_start3A_18] : memref<10000x128xf32, #tpu.memory_space<hbm>> -> memref<10000x128xf32, #tpu.memory_space<hbm>>
    tpu.enqueue_indirect_dma source(%dma_start3A_19 : memref<10000x128xf32, #tpu.memory_space<hbm>>) target(%arg26 : memref<8x128xf32, #tpu.memory_space<vmem>>) offsets(%arg24 : memref<8xi32, #tpu.memory_space<vmem>>) semaphore(%arg14 : memref<!tpu.dma_semaphore, #tpu.memory_space<semaphore_mem>>)
    %dma_start3A_20 = arith.constant 0 : i32
    %dma_start3A_21 = arith.constant 0 : i32
    %dma_start3A_22 = tpu.memref_slice %arg2[%dma_start3A_20, %dma_start3A_21] : memref<10000x128xf32, #tpu.memory_space<hbm>> -> memref<10000x128xf32, #tpu.memory_space<hbm>>
    tpu.enqueue_indirect_dma source(%dma_start3A_22 : memref<10000x128xf32, #tpu.memory_space<hbm>>) target(%arg27 : memref<8x128xf32, #tpu.memory_space<vmem>>) offsets(%arg25 : memref<8xi32, #tpu.memory_space<vmem>>) semaphore(%arg15 : memref<!tpu.dma_semaphore, #tpu.memory_space<semaphore_mem>>)
    "tpu.region"() ({
      %run_scoped3A = tpu.sem_alloc : memref<!tpu.dma_semaphore, #tpu.memory_space<semaphore_mem>>
      %dma_start3A_33 = arith.constant 0 : i32
      %dma_start3A_34 = arith.constant 0 : i32
      %dma_start3A_35 = tpu.memref_slice %arg22[%dma_start3A_33, %dma_start3A_34] : memref<64x128xf32, #tpu.memory_space<vmem>> -> memref<8x128xf32, #tpu.memory_space<vmem>>
      %dma_start3A_36 = arith.constant 0 : i32
      %dma_start3A_37 = arith.constant 0 : i32
      %dma_start3A_38 = tpu.memref_slice %arg23[%dma_start3A_36, %dma_start3A_37] : memref<10112x128xf32, #tpu.memory_space<vmem_shared>> -> memref<10112x128xf32, #tpu.memory_space<vmem_shared>>
      tpu.enqueue_indirect_dma source(%dma_start3A_35 : memref<8x128xf32, #tpu.memory_space<vmem>>) target(%dma_start3A_38 : memref<10112x128xf32, #tpu.memory_space<vmem_shared>>) offsets(%arg24 : memref<8xi32, #tpu.memory_space<vmem>>) semaphore(%run_scoped3A : memref<!tpu.dma_semaphore, #tpu.memory_space<semaphore_mem>>) {add = true}
      %dma_wait3A_39 = arith.constant 0 : i32
      %dma_wait3A_40 = arith.constant 0 : i32
      %dma_wait3A_41 = tpu.memref_slice %arg22[%dma_wait3A_39, %dma_wait3A_40] : memref<64x128xf32, #tpu.memory_space<vmem>> -> memref<8x128xf32, #tpu.memory_space<vmem>>
      %dma_wait3A_42 = arith.constant 0 : i32
      %dma_wait3A_43 = arith.constant 0 : i32
      %dma_wait3A_44 = tpu.memref_slice %arg23[%dma_wait3A_42, %dma_wait3A_43] : memref<10112x128xf32, #tpu.memory_space<vmem_shared>> -> memref<10112x128xf32, #tpu.memory_space<vmem_shared>>
      tpu.wait_indirect_dma semaphore(%run_scoped3A : memref<!tpu.dma_semaphore, #tpu.memory_space<semaphore_mem>>) src(%dma_wait3A_41 : memref<8x128xf32, #tpu.memory_space<vmem>>) dst(%dma_wait3A_44 : memref<10112x128xf32, #tpu.memory_space<vmem_shared>>)
      tpu.yield
    }) : () -> ()
    %dma_wait3A = arith.constant 0 : i32
    %dma_wait3A_23 = arith.constant 0 : i32
    %dma_wait3A_24 = tpu.memref_slice %arg2[%dma_wait3A, %dma_wait3A_23] : memref<10000x128xf32, #tpu.memory_space<hbm>> -> memref<10000x128xf32, #tpu.memory_space<hbm>>
    tpu.wait_indirect_dma semaphore(%arg14 : memref<!tpu.dma_semaphore, #tpu.memory_space<semaphore_mem>>) src(%dma_wait3A_24 : memref<10000x128xf32, #tpu.memory_space<hbm>>) dst(%arg26 : memref<8x128xf32, #tpu.memory_space<vmem>>)
    "tpu.region"() ({
      %run_scoped3A = tpu.sem_alloc : memref<!tpu.dma_semaphore, #tpu.memory_space<semaphore_mem>>
      %dma_start3A_33 = arith.constant 0 : i32
      %dma_start3A_34 = tpu.memref_slice %arg7[%add3A_13, %dma_start3A_33] : memref<160000x128xf32, #tpu.memory_space<hbm>> -> memref<8x128xf32, #tpu.memory_space<hbm>>
      %dma_start3A_35 = arith.constant 0 : i32
      %dma_start3A_36 = tpu.memref_slice %arg7[%add3A_13, %dma_start3A_35] : memref<160000x128xf32, #tpu.memory_space<hbm>> -> memref<8x128xf32, #tpu.memory_space<hbm>>
      tpu.enqueue_dma source(%arg26 : memref<8x128xf32, #tpu.memory_space<vmem>>) target(%dma_start3A_36 : memref<8x128xf32, #tpu.memory_space<hbm>>) target_semaphore(%run_scoped3A : memref<!tpu.dma_semaphore, #tpu.memory_space<semaphore_mem>>)
      %dma_wait3A_37 = arith.constant 0 : i32
      %dma_wait3A_38 = tpu.memref_slice %arg7[%add3A_13, %dma_wait3A_37] : memref<160000x128xf32, #tpu.memory_space<hbm>> -> memref<8x128xf32, #tpu.memory_space<hbm>>
      %dma_wait3A_39 = arith.constant 0 : i32
      %dma_wait3A_40 = tpu.memref_slice %arg7[%add3A_13, %dma_wait3A_39] : memref<160000x128xf32, #tpu.memory_space<hbm>> -> memref<8x128xf32, #tpu.memory_space<hbm>>
      tpu.wait_dma2 semaphore(%run_scoped3A : memref<!tpu.dma_semaphore, #tpu.memory_space<semaphore_mem>>) src(%arg26 : memref<8x128xf32, #tpu.memory_space<vmem>>) dst(%dma_wait3A_40 : memref<8x128xf32, #tpu.memory_space<hbm>>)
      tpu.yield
    }) : () -> ()
    %dma_wait3A_25 = arith.constant 0 : i32
    %dma_wait3A_26 = arith.constant 0 : i32
    %dma_wait3A_27 = tpu.memref_slice %arg2[%dma_wait3A_25, %dma_wait3A_26] : memref<10000x128xf32, #tpu.memory_space<hbm>> -> memref<10000x128xf32, #tpu.memory_space<hbm>>
    tpu.wait_indirect_dma semaphore(%arg15 : memref<!tpu.dma_semaphore, #tpu.memory_space<semaphore_mem>>) src(%dma_wait3A_27 : memref<10000x128xf32, #tpu.memory_space<hbm>>) dst(%arg27 : memref<8x128xf32, #tpu.memory_space<vmem>>)
    "tpu.region"() ({
      %run_scoped3A = tpu.sem_alloc : memref<!tpu.dma_semaphore, #tpu.memory_space<semaphore_mem>>
      %dma_start3A_33 = arith.constant 0 : i32
      %dma_start3A_34 = tpu.memref_slice %arg8[%add3A_13, %dma_start3A_33] : memref<160000x128xf32, #tpu.memory_space<hbm>> -> memref<8x128xf32, #tpu.memory_space<hbm>>
      %dma_start3A_35 = arith.constant 0 : i32
      %dma_start3A_36 = tpu.memref_slice %arg8[%add3A_13, %dma_start3A_35] : memref<160000x128xf32, #tpu.memory_space<hbm>> -> memref<8x128xf32, #tpu.memory_space<hbm>>
      tpu.enqueue_dma source(%arg27 : memref<8x128xf32, #tpu.memory_space<vmem>>) target(%dma_start3A_36 : memref<8x128xf32, #tpu.memory_space<hbm>>) target_semaphore(%run_scoped3A : memref<!tpu.dma_semaphore, #tpu.memory_space<semaphore_mem>>)
      %dma_wait3A_37 = arith.constant 0 : i32
      %dma_wait3A_38 = tpu.memref_slice %arg8[%add3A_13, %dma_wait3A_37] : memref<160000x128xf32, #tpu.memory_space<hbm>> -> memref<8x128xf32, #tpu.memory_space<hbm>>
      %dma_wait3A_39 = arith.constant 0 : i32
      %dma_wait3A_40 = tpu.memref_slice %arg8[%add3A_13, %dma_wait3A_39] : memref<160000x128xf32, #tpu.memory_space<hbm>> -> memref<8x128xf32, #tpu.memory_space<hbm>>
      tpu.wait_dma2 semaphore(%run_scoped3A : memref<!tpu.dma_semaphore, #tpu.memory_space<semaphore_mem>>) src(%arg27 : memref<8x128xf32, #tpu.memory_space<vmem>>) dst(%dma_wait3A_40 : memref<8x128xf32, #tpu.memory_space<hbm>>)
      tpu.yield
    }) : () -> ()
    %barrier3A_28 = arith.constant 0 : index
    tpu.barrier barrier_id(%barrier3A_28)
    %mul3A_29 = arith.constant 632 : i32
    %mul3A_30 = arith.muli %arg1, %mul3A_29 : i32
    %mul3A_31 = arith.constant 632 : i32
    %mul3A_32 = arith.muli %arg1, %mul3A_31 : i32
    "tpu.region"() ({
      %run_scoped3A = tpu.sem_alloc : memref<!tpu.dma_semaphore, #tpu.memory_space<semaphore_mem>>
      %dma_start3A_33 = arith.constant 0 : i32
      %dma_start3A_34 = tpu.memref_slice %arg9[%arg0, %mul3A_32, %dma_start3A_33] : memref<2x10112x128xf32, #tpu.memory_space<hbm>> -> memref<1x632x128xf32, #tpu.memory_space<hbm>>
      %dma_start3A_35 = tpu.memref_squeeze %dma_start3A_34 : memref<1x632x128xf32, #tpu.memory_space<hbm>> -> memref<632x128xf32, #tpu.memory_space<hbm>>
      %dma_start3A_36 = arith.constant 0 : i32
      %dma_start3A_37 = tpu.memref_slice %arg23[%mul3A_30, %dma_start3A_36] : memref<10112x128xf32, #tpu.memory_space<vmem_shared>> -> memref<632x128xf32, #tpu.memory_space<vmem_shared>>
      tpu.enqueue_dma source(%dma_start3A_37 : memref<632x128xf32, #tpu.memory_space<vmem_shared>>) target(%dma_start3A_35 : memref<632x128xf32, #tpu.memory_space<hbm>>) target_semaphore(%run_scoped3A : memref<!tpu.dma_semaphore, #tpu.memory_space<semaphore_mem>>)
      %dma_wait3A_38 = arith.constant 0 : i32
      %dma_wait3A_39 = tpu.memref_slice %arg9[%arg0, %mul3A_32, %dma_wait3A_38] : memref<2x10112x128xf32, #tpu.memory_space<hbm>> -> memref<1x632x128xf32, #tpu.memory_space<hbm>>
      %dma_wait3A_40 = tpu.memref_squeeze %dma_wait3A_39 : memref<1x632x128xf32, #tpu.memory_space<hbm>> -> memref<632x128xf32, #tpu.memory_space<hbm>>
      %dma_wait3A_41 = arith.constant 0 : i32
      %dma_wait3A_42 = tpu.memref_slice %arg23[%mul3A_30, %dma_wait3A_41] : memref<10112x128xf32, #tpu.memory_space<vmem_shared>> -> memref<632x128xf32, #tpu.memory_space<vmem_shared>>
      tpu.wait_dma2 semaphore(%run_scoped3A : memref<!tpu.dma_semaphore, #tpu.memory_space<semaphore_mem>>) src(%dma_wait3A_42 : memref<632x128xf32, #tpu.memory_space<vmem_shared>>) dst(%dma_wait3A_40 : memref<632x128xf32, #tpu.memory_space<hbm>>)
      tpu.yield
    }) : () -> ()
    return
  }
}

module attributes {stable_mosaic.version = 14 : i64} {
  func.func @body(%arg0: i32, %arg1: memref<1280x128xf32, #tpu.memory_space<vmem>>, %arg2: memref<1280x128xf32, #tpu.memory_space<vmem>>, %arg3: memref<16x1280xf32, #tpu.memory_space<vmem>>, %arg4: memref<128x256xbf16, #tpu.memory_space<vmem>>, %arg5: memref<128x256xbf16, #tpu.memory_space<vmem>>, %arg6: memref<16x256xbf16, #tpu.memory_space<vmem>>, %arg7: memref<1x256xf32, #tpu.memory_space<vmem>>, %arg8: memref<2x256xf32, #tpu.memory_space<vmem>>, %arg9: memref<1280x256xbf16, #tpu.memory_space<vmem>>) attributes {dimension_semantics = [#tpu.dimension_semantics<arbitrary>], iteration_bounds = array<i64: 125>, scalar_prefetch = 0 : i64, scratch_operands = 0 : i64, tpu.core_type = #tpu.core_type<tc>, window_params = [{transform_indices = @transform_0, window_bounds = array<i64: 1280, 128>}, {transform_indices = @transform_1, window_bounds = array<i64: 1280, 128>}, {transform_indices = @transform_2, window_bounds = array<i64: 16, 1280>}, {pipeline_mode = #tpu.pipeline_mode<synchronous>, transform_indices = @transform_3, window_bounds = array<i64: 128, 256>}, {pipeline_mode = #tpu.pipeline_mode<synchronous>, transform_indices = @transform_4, window_bounds = array<i64: 128, 256>}, {pipeline_mode = #tpu.pipeline_mode<synchronous>, transform_indices = @transform_5, window_bounds = array<i64: 16, 256>}, {pipeline_mode = #tpu.pipeline_mode<synchronous>, transform_indices = @transform_6, window_bounds = array<i64: 1, 256>}, {pipeline_mode = #tpu.pipeline_mode<synchronous>, transform_indices = @transform_7, window_bounds = array<i64: 2, 256>}, {transform_indices = @transform_8, window_bounds = array<i64: 1280, 256>}]} {
    %get3A = arith.constant 0 : index
    %get3A_0 = arith.constant 0 : index
    %get3A_1 = vector.load %arg1[%get3A, %get3A_0] : memref<1280x128xf32, #tpu.memory_space<vmem>>, vector<1280x128xf32>
    %convert_element_type3A = arith.truncf %get3A_1 : vector<1280x128xf32> to vector<1280x128xbf16>
    %get3A_2 = arith.constant 0 : index
    %get3A_3 = arith.constant 0 : index
    %get3A_4 = vector.load %arg4[%get3A_2, %get3A_3] : memref<128x256xbf16, #tpu.memory_space<vmem>>, vector<128x256xbf16>
    %dot_general3A = arith.constant dense<0.000000e+00> : vector<1280x256xf32>
    %dot_general3A_5 = tpu.matmul %convert_element_type3A, %get3A_4, %dot_general3A {dimension_numbers = #tpu.dot_dimension_numbers<[1], [0], [0], [1], [0, 0, 1, 1], [], []>, transpose_lhs_hint = false} : vector<1280x128xbf16>, vector<128x256xbf16>, vector<1280x256xf32> -> vector<1280x256xf32>
    %get3A_6 = arith.constant 0 : index
    %get3A_7 = arith.constant 0 : index
    %get3A_8 = vector.load %arg2[%get3A_6, %get3A_7] : memref<1280x128xf32, #tpu.memory_space<vmem>>, vector<1280x128xf32>
    %convert_element_type3A_9 = arith.truncf %get3A_8 : vector<1280x128xf32> to vector<1280x128xbf16>
    %get3A_10 = arith.constant 0 : index
    %get3A_11 = arith.constant 0 : index
    %get3A_12 = vector.load %arg5[%get3A_10, %get3A_11] : memref<128x256xbf16, #tpu.memory_space<vmem>>, vector<128x256xbf16>
    %dot_general3A_13 = arith.constant dense<0.000000e+00> : vector<1280x256xf32>
    %dot_general3A_14 = tpu.matmul %convert_element_type3A_9, %get3A_12, %dot_general3A_13 {dimension_numbers = #tpu.dot_dimension_numbers<[1], [0], [0], [1], [0, 0, 1, 1], [], []>, transpose_lhs_hint = false} : vector<1280x128xbf16>, vector<128x256xbf16>, vector<1280x256xf32> -> vector<1280x256xf32>
    %add3A = arith.addf %dot_general3A_5, %dot_general3A_14 : vector<1280x256xf32>
    %get3A_15 = arith.constant 0 : index
    %get3A_16 = arith.constant 0 : index
    %get3A_17 = vector.load %arg3[%get3A_15, %get3A_16] : memref<16x1280xf32, #tpu.memory_space<vmem>>, vector<16x1280xf32>
    %convert_element_type3A_18 = arith.truncf %get3A_17 : vector<16x1280xf32> to vector<16x1280xbf16>
    %get3A_19 = arith.constant 0 : index
    %get3A_20 = arith.constant 0 : index
    %get3A_21 = vector.load %arg6[%get3A_19, %get3A_20] : memref<16x256xbf16, #tpu.memory_space<vmem>>, vector<16x256xbf16>
    %dot_general3A_22 = arith.constant dense<0.000000e+00> : vector<1280x256xf32>
    %dot_general3A_23 = tpu.matmul %convert_element_type3A_18, %get3A_21, %dot_general3A_22 {dimension_numbers = #tpu.dot_dimension_numbers<[0], [0], [1], [1], [0, 1, 1, 1], [], []>, transpose_lhs_hint = false} : vector<16x1280xbf16>, vector<16x256xbf16>, vector<1280x256xf32> -> vector<1280x256xf32>
    %add3A_24 = arith.addf %add3A, %dot_general3A_23 : vector<1280x256xf32>
    %get3A_25 = arith.constant 0 : index
    %get3A_26 = arith.constant 0 : index
    %get3A_27 = vector.load %arg7[%get3A_25, %get3A_26] : memref<1x256xf32, #tpu.memory_space<vmem>>, vector<1x256xf32>
    %add3A_28 = vector.broadcast %get3A_27 : vector<1x256xf32> to vector<1280x256xf32>
    %add3A_29 = arith.addf %add3A_24, %add3A_28 : vector<1280x256xf32>
    %convert_element_type3A_30 = arith.truncf %add3A_29 : vector<1280x256xf32> to vector<1280x256xbf16>
    %swap3A = arith.constant 0 : index
    %swap3A_31 = arith.constant 0 : index
    %swap3A_32 = vector.load %arg9[%swap3A, %swap3A_31] : memref<1280x256xbf16, #tpu.memory_space<vmem>>, vector<1280x256xbf16>
    tpu.vector_store %arg9[%swap3A, %swap3A_31], %convert_element_type3A_30 {strides = array<i32>} : memref<1280x256xbf16, #tpu.memory_space<vmem>>, vector<1280x256xbf16>,
    %eq3A = arith.constant 0 : i32
    %eq3A_33 = arith.cmpi eq, %arg0, %eq3A : i32
    %convert_element_type3A_34 = arith.extui %eq3A_33 : i1 to i32
    %cond3A = arith.constant 0 : i32
    %cond3A_35 = arith.cmpi ne, %convert_element_type3A_34, %cond3A : i32
    scf.if %cond3A_35 {
      %broadcast_in_dim3A_54 = arith.constant 0.000000e+00 : f32
      %broadcast_in_dim3A_55 = vector.broadcast %broadcast_in_dim3A_54 : f32 to vector<2x256xf32>
      %swap3A_56 = arith.constant 0 : index
      %swap3A_57 = arith.constant 0 : index
      %swap3A_58 = vector.load %arg8[%swap3A_56, %swap3A_57] : memref<2x256xf32, #tpu.memory_space<vmem>>, vector<2x256xf32>
      tpu.vector_store %arg8[%swap3A_56, %swap3A_57], %broadcast_in_dim3A_55 {strides = array<i32>} : memref<2x256xf32, #tpu.memory_space<vmem>>, vector<2x256xf32>,
    } else {
    }
    %get3A_36 = arith.constant 0 : index
    %get3A_37 = arith.constant 0 : index
    %get3A_38 = vector.load %arg8[%get3A_36, %get3A_37] : memref<2x256xf32, #tpu.memory_space<vmem>>, vector<1x256xf32>
    %reduce_sum3A = arith.constant dense<0.000000e+00> : vector<256xf32>
    %reduce_sum3A_39 = vector.multi_reduction <add>, %add3A_29, %reduce_sum3A [0] : vector<1280x256xf32> to vector<256xf32>
    %broadcast_in_dim3A = vector.shape_cast %reduce_sum3A_39 : vector<256xf32> to vector<1x256xf32>
    %add3A_40 = arith.addf %get3A_38, %broadcast_in_dim3A : vector<1x256xf32>
    %swap3A_41 = arith.constant 0 : index
    %swap3A_42 = arith.constant 0 : index
    %swap3A_43 = vector.load %arg8[%swap3A_41, %swap3A_42] : memref<2x256xf32, #tpu.memory_space<vmem>>, vector<1x256xf32>
    tpu.vector_store %arg8[%swap3A_41, %swap3A_42], %add3A_40 {strides = array<i32>} : memref<2x256xf32, #tpu.memory_space<vmem>>, vector<1x256xf32>,
    %get3A_44 = arith.constant 1 : index
    %get3A_45 = arith.constant 0 : index
    %get3A_46 = vector.load %arg8[%get3A_44, %get3A_45] : memref<2x256xf32, #tpu.memory_space<vmem>>, vector<1x256xf32>
    %mul3A = arith.mulf %add3A_29, %add3A_29 : vector<1280x256xf32>
    %reduce_sum3A_47 = arith.constant dense<0.000000e+00> : vector<256xf32>
    %reduce_sum3A_48 = vector.multi_reduction <add>, %mul3A, %reduce_sum3A_47 [0] : vector<1280x256xf32> to vector<256xf32>
    %broadcast_in_dim3A_49 = vector.shape_cast %reduce_sum3A_48 : vector<256xf32> to vector<1x256xf32>
    %add3A_50 = arith.addf %get3A_46, %broadcast_in_dim3A_49 : vector<1x256xf32>
    %swap3A_51 = arith.constant 1 : index
    %swap3A_52 = arith.constant 0 : index
    %swap3A_53 = vector.load %arg8[%swap3A_51, %swap3A_52] : memref<2x256xf32, #tpu.memory_space<vmem>>, vector<1x256xf32>
    tpu.vector_store %arg8[%swap3A_51, %swap3A_52], %add3A_50 {strides = array<i32>} : memref<2x256xf32, #tpu.memory_space<vmem>>, vector<1x256xf32>,
    return
  }
  func.func @transform_0(%arg0: i32) -> (i32, i32) {
    %c0_i32 = arith.constant 0 : i32
    %c0_i32_0 = arith.constant 0 : i32
    return %arg0, %c0_i32 : i32, i32
  }
  func.func @transform_1(%arg0: i32) -> (i32, i32) {
    %c0_i32 = arith.constant 0 : i32
    %c0_i32_0 = arith.constant 0 : i32
    return %arg0, %c0_i32 : i32, i32
  }
  func.func @transform_2(%arg0: i32) -> (i32, i32) {
    %add3A = arith.constant 0 : i32
    %add3A_0 = arith.addi %arg0, %add3A : i32
    %c0_i32 = arith.constant 0 : i32
    %c0_i32_1 = arith.constant 0 : i32
    return %c0_i32, %add3A_0 : i32, i32
  }
  func.func @transform_3(%arg0: i32) -> (i32, i32) {
    %c0_i32 = arith.constant 0 : i32
    %c0_i32_0 = arith.constant 0 : i32
    %c0_i32_1 = arith.constant 0 : i32
    return %c0_i32, %c0_i32_0 : i32, i32
  }
  func.func @transform_4(%arg0: i32) -> (i32, i32) {
    %c0_i32 = arith.constant 0 : i32
    %c0_i32_0 = arith.constant 0 : i32
    %c0_i32_1 = arith.constant 0 : i32
    return %c0_i32, %c0_i32_0 : i32, i32
  }
  func.func @transform_5(%arg0: i32) -> (i32, i32) {
    %c0_i32 = arith.constant 0 : i32
    %c0_i32_0 = arith.constant 0 : i32
    %c0_i32_1 = arith.constant 0 : i32
    return %c0_i32, %c0_i32_0 : i32, i32
  }
  func.func @transform_6(%arg0: i32) -> (i32, i32) {
    %c0_i32 = arith.constant 0 : i32
    %c0_i32_0 = arith.constant 0 : i32
    %c0_i32_1 = arith.constant 0 : i32
    return %c0_i32, %c0_i32_0 : i32, i32
  }
  func.func @transform_7(%arg0: i32) -> (i32, i32) {
    %c0_i32 = arith.constant 0 : i32
    %c0_i32_0 = arith.constant 0 : i32
    %c0_i32_1 = arith.constant 0 : i32
    return %c0_i32, %c0_i32_0 : i32, i32
  }
  func.func @transform_8(%arg0: i32) -> (i32, i32) {
    %c0_i32 = arith.constant 0 : i32
    %c0_i32_0 = arith.constant 0 : i32
    return %arg0, %c0_i32 : i32, i32
  }
}

module attributes {stable_mosaic.version = 14 : i64} {
  func.func @body(%arg0: i32, %arg1: memref<1280x128xf32, #tpu.memory_space<vmem>>, %arg2: memref<1280x128xf32, #tpu.memory_space<vmem>>, %arg3: memref<16x1280xf32, #tpu.memory_space<vmem>>, %arg4: memref<128x256xbf16, #tpu.memory_space<vmem>>, %arg5: memref<128x256xbf16, #tpu.memory_space<vmem>>, %arg6: memref<16x256xbf16, #tpu.memory_space<vmem>>, %arg7: memref<1x256xf32, #tpu.memory_space<vmem>>, %arg8: memref<2x256xf32, #tpu.memory_space<vmem>>, %arg9: memref<1280x256xbf16, #tpu.memory_space<vmem>>) attributes {dimension_semantics = [#tpu.dimension_semantics<arbitrary>], iteration_bounds = array<i64: 125>, scalar_prefetch = 0 : i64, scratch_operands = 0 : i64, tpu.core_type = #tpu.core_type<tc>, window_params = [{transform_indices = @transform_0, window_bounds = array<i64: 1280, 128>}, {transform_indices = @transform_1, window_bounds = array<i64: 1280, 128>}, {transform_indices = @transform_2, window_bounds = array<i64: 16, 1280>}, {pipeline_mode = #tpu.pipeline_mode<synchronous>, transform_indices = @transform_3, window_bounds = array<i64: 128, 256>}, {pipeline_mode = #tpu.pipeline_mode<synchronous>, transform_indices = @transform_4, window_bounds = array<i64: 128, 256>}, {pipeline_mode = #tpu.pipeline_mode<synchronous>, transform_indices = @transform_5, window_bounds = array<i64: 16, 256>}, {pipeline_mode = #tpu.pipeline_mode<synchronous>, transform_indices = @transform_6, window_bounds = array<i64: 1, 256>}, {pipeline_mode = #tpu.pipeline_mode<synchronous>, transform_indices = @transform_7, window_bounds = array<i64: 2, 256>}, {transform_indices = @transform_8, window_bounds = array<i64: 1280, 256>}]} {
    %get3A = arith.constant 0 : index
    %get3A_0 = arith.constant 0 : index
    %get3A_1 = vector.load %arg1[%get3A, %get3A_0] : memref<1280x128xf32, #tpu.memory_space<vmem>>, vector<1280x128xf32>
    %convert_element_type3A = arith.truncf %get3A_1 : vector<1280x128xf32> to vector<1280x128xbf16>
    %get3A_2 = arith.constant 0 : index
    %get3A_3 = arith.constant 0 : index
    %get3A_4 = vector.load %arg4[%get3A_2, %get3A_3] : memref<128x256xbf16, #tpu.memory_space<vmem>>, vector<128x256xbf16>
    %dot_general3A = arith.constant dense<0.000000e+00> : vector<1280x256xf32>
    %dot_general3A_5 = tpu.matmul %convert_element_type3A, %get3A_4, %dot_general3A {dimension_numbers = #tpu.dot_dimension_numbers<[1], [0], [0], [1], [0, 0, 1, 1], [], []>, transpose_lhs_hint = false} : vector<1280x128xbf16>, vector<128x256xbf16>, vector<1280x256xf32> -> vector<1280x256xf32>
    %get3A_6 = arith.constant 0 : index
    %get3A_7 = arith.constant 0 : index
    %get3A_8 = vector.load %arg2[%get3A_6, %get3A_7] : memref<1280x128xf32, #tpu.memory_space<vmem>>, vector<1280x128xf32>
    %convert_element_type3A_9 = arith.truncf %get3A_8 : vector<1280x128xf32> to vector<1280x128xbf16>
    %get3A_10 = arith.constant 0 : index
    %get3A_11 = arith.constant 0 : index
    %get3A_12 = vector.load %arg5[%get3A_10, %get3A_11] : memref<128x256xbf16, #tpu.memory_space<vmem>>, vector<128x256xbf16>
    %dot_general3A_13 = arith.constant dense<0.000000e+00> : vector<1280x256xf32>
    %dot_general3A_14 = tpu.matmul %convert_element_type3A_9, %get3A_12, %dot_general3A_13 {dimension_numbers = #tpu.dot_dimension_numbers<[1], [0], [0], [1], [0, 0, 1, 1], [], []>, transpose_lhs_hint = false} : vector<1280x128xbf16>, vector<128x256xbf16>, vector<1280x256xf32> -> vector<1280x256xf32>
    %add3A = arith.addf %dot_general3A_5, %dot_general3A_14 : vector<1280x256xf32>
    %get3A_15 = arith.constant 0 : index
    %get3A_16 = arith.constant 0 : index
    %get3A_17 = vector.load %arg3[%get3A_15, %get3A_16] : memref<16x1280xf32, #tpu.memory_space<vmem>>, vector<16x1280xf32>
    %convert_element_type3A_18 = arith.truncf %get3A_17 : vector<16x1280xf32> to vector<16x1280xbf16>
    %get3A_19 = arith.constant 0 : index
    %get3A_20 = arith.constant 0 : index
    %get3A_21 = vector.load %arg6[%get3A_19, %get3A_20] : memref<16x256xbf16, #tpu.memory_space<vmem>>, vector<16x256xbf16>
    %dot_general3A_22 = arith.constant dense<0.000000e+00> : vector<1280x256xf32>
    %dot_general3A_23 = tpu.matmul %convert_element_type3A_18, %get3A_21, %dot_general3A_22 {dimension_numbers = #tpu.dot_dimension_numbers<[0], [0], [1], [1], [0, 1, 1, 1], [], []>, transpose_lhs_hint = false} : vector<16x1280xbf16>, vector<16x256xbf16>, vector<1280x256xf32> -> vector<1280x256xf32>
    %add3A_24 = arith.addf %add3A, %dot_general3A_23 : vector<1280x256xf32>
    %get3A_25 = arith.constant 0 : index
    %get3A_26 = arith.constant 0 : index
    %get3A_27 = vector.load %arg7[%get3A_25, %get3A_26] : memref<1x256xf32, #tpu.memory_space<vmem>>, vector<1x256xf32>
    %add3A_28 = vector.broadcast %get3A_27 : vector<1x256xf32> to vector<1280x256xf32>
    %add3A_29 = arith.addf %add3A_24, %add3A_28 : vector<1280x256xf32>
    %convert_element_type3A_30 = arith.truncf %add3A_29 : vector<1280x256xf32> to vector<1280x256xbf16>
    %swap3A = arith.constant 0 : index
    %swap3A_31 = arith.constant 0 : index
    %swap3A_32 = vector.load %arg9[%swap3A, %swap3A_31] : memref<1280x256xbf16, #tpu.memory_space<vmem>>, vector<1280x256xbf16>
    tpu.vector_store %arg9[%swap3A, %swap3A_31], %convert_element_type3A_30 {strides = array<i32>} : memref<1280x256xbf16, #tpu.memory_space<vmem>>, vector<1280x256xbf16>,
    %eq3A = arith.constant 0 : i32
    %eq3A_33 = arith.cmpi eq, %arg0, %eq3A : i32
    %convert_element_type3A_34 = arith.extui %eq3A_33 : i1 to i32
    %cond3A = arith.constant 0 : i32
    %cond3A_35 = arith.cmpi ne, %convert_element_type3A_34, %cond3A : i32
    scf.if %cond3A_35 {
      %broadcast_in_dim3A_54 = arith.constant 0.000000e+00 : f32
      %broadcast_in_dim3A_55 = vector.broadcast %broadcast_in_dim3A_54 : f32 to vector<2x256xf32>
      %swap3A_56 = arith.constant 0 : index
      %swap3A_57 = arith.constant 0 : index
      %swap3A_58 = vector.load %arg8[%swap3A_56, %swap3A_57] : memref<2x256xf32, #tpu.memory_space<vmem>>, vector<2x256xf32>
      tpu.vector_store %arg8[%swap3A_56, %swap3A_57], %broadcast_in_dim3A_55 {strides = array<i32>} : memref<2x256xf32, #tpu.memory_space<vmem>>, vector<2x256xf32>,
    } else {
    }
    %get3A_36 = arith.constant 0 : index
    %get3A_37 = arith.constant 0 : index
    %get3A_38 = vector.load %arg8[%get3A_36, %get3A_37] : memref<2x256xf32, #tpu.memory_space<vmem>>, vector<1x256xf32>
    %reduce_sum3A = arith.constant dense<0.000000e+00> : vector<256xf32>
    %reduce_sum3A_39 = vector.multi_reduction <add>, %add3A_29, %reduce_sum3A [0] : vector<1280x256xf32> to vector<256xf32>
    %broadcast_in_dim3A = vector.shape_cast %reduce_sum3A_39 : vector<256xf32> to vector<1x256xf32>
    %add3A_40 = arith.addf %get3A_38, %broadcast_in_dim3A : vector<1x256xf32>
    %swap3A_41 = arith.constant 0 : index
    %swap3A_42 = arith.constant 0 : index
    %swap3A_43 = vector.load %arg8[%swap3A_41, %swap3A_42] : memref<2x256xf32, #tpu.memory_space<vmem>>, vector<1x256xf32>
    tpu.vector_store %arg8[%swap3A_41, %swap3A_42], %add3A_40 {strides = array<i32>} : memref<2x256xf32, #tpu.memory_space<vmem>>, vector<1x256xf32>,
    %get3A_44 = arith.constant 1 : index
    %get3A_45 = arith.constant 0 : index
    %get3A_46 = vector.load %arg8[%get3A_44, %get3A_45] : memref<2x256xf32, #tpu.memory_space<vmem>>, vector<1x256xf32>
    %mul3A = arith.mulf %add3A_29, %add3A_29 : vector<1280x256xf32>
    %reduce_sum3A_47 = arith.constant dense<0.000000e+00> : vector<256xf32>
    %reduce_sum3A_48 = vector.multi_reduction <add>, %mul3A, %reduce_sum3A_47 [0] : vector<1280x256xf32> to vector<256xf32>
    %broadcast_in_dim3A_49 = vector.shape_cast %reduce_sum3A_48 : vector<256xf32> to vector<1x256xf32>
    %add3A_50 = arith.addf %get3A_46, %broadcast_in_dim3A_49 : vector<1x256xf32>
    %swap3A_51 = arith.constant 1 : index
    %swap3A_52 = arith.constant 0 : index
    %swap3A_53 = vector.load %arg8[%swap3A_51, %swap3A_52] : memref<2x256xf32, #tpu.memory_space<vmem>>, vector<1x256xf32>
    tpu.vector_store %arg8[%swap3A_51, %swap3A_52], %add3A_50 {strides = array<i32>} : memref<2x256xf32, #tpu.memory_space<vmem>>, vector<1x256xf32>,
    return
  }
  func.func @transform_0(%arg0: i32) -> (i32, i32) {
    %c0_i32 = arith.constant 0 : i32
    %c0_i32_0 = arith.constant 0 : i32
    return %arg0, %c0_i32 : i32, i32
  }
  func.func @transform_1(%arg0: i32) -> (i32, i32) {
    %c0_i32 = arith.constant 0 : i32
    %c0_i32_0 = arith.constant 0 : i32
    return %arg0, %c0_i32 : i32, i32
  }
  func.func @transform_2(%arg0: i32) -> (i32, i32) {
    %add3A = arith.constant 125 : i32
    %add3A_0 = arith.addi %arg0, %add3A : i32
    %c0_i32 = arith.constant 0 : i32
    %c0_i32_1 = arith.constant 0 : i32
    return %c0_i32, %add3A_0 : i32, i32
  }
  func.func @transform_3(%arg0: i32) -> (i32, i32) {
    %c0_i32 = arith.constant 0 : i32
    %c0_i32_0 = arith.constant 0 : i32
    %c0_i32_1 = arith.constant 0 : i32
    return %c0_i32, %c0_i32_0 : i32, i32
  }
  func.func @transform_4(%arg0: i32) -> (i32, i32) {
    %c0_i32 = arith.constant 0 : i32
    %c0_i32_0 = arith.constant 0 : i32
    %c0_i32_1 = arith.constant 0 : i32
    return %c0_i32, %c0_i32_0 : i32, i32
  }
  func.func @transform_5(%arg0: i32) -> (i32, i32) {
    %c0_i32 = arith.constant 0 : i32
    %c0_i32_0 = arith.constant 0 : i32
    %c0_i32_1 = arith.constant 0 : i32
    return %c0_i32, %c0_i32_0 : i32, i32
  }
  func.func @transform_6(%arg0: i32) -> (i32, i32) {
    %c0_i32 = arith.constant 0 : i32
    %c0_i32_0 = arith.constant 0 : i32
    %c0_i32_1 = arith.constant 0 : i32
    return %c0_i32, %c0_i32_0 : i32, i32
  }
  func.func @transform_7(%arg0: i32) -> (i32, i32) {
    %c0_i32 = arith.constant 0 : i32
    %c0_i32_0 = arith.constant 0 : i32
    %c0_i32_1 = arith.constant 0 : i32
    return %c0_i32, %c0_i32_0 : i32, i32
  }
  func.func @transform_8(%arg0: i32) -> (i32, i32) {
    %c0_i32 = arith.constant 0 : i32
    %c0_i32_0 = arith.constant 0 : i32
    return %arg0, %c0_i32 : i32, i32
  }
}

module attributes {stable_mosaic.version = 14 : i64} {
  func.func @body(%arg0: i32, %arg1: memref<1600x256xbf16, #tpu.memory_space<vmem>>, %arg2: memref<2x256xf32, #tpu.memory_space<vmem>>, %arg3: memref<1600x128xf32, #tpu.memory_space<vmem>>) attributes {dimension_semantics = [#tpu.dimension_semantics<arbitrary>], iteration_bounds = array<i64: 100>, scalar_prefetch = 0 : i64, scratch_operands = 0 : i64, tpu.core_type = #tpu.core_type<tc>, window_params = [{transform_indices = @transform_0, window_bounds = array<i64: 1600, 256>}, {pipeline_mode = #tpu.pipeline_mode<synchronous>, transform_indices = @transform_1, window_bounds = array<i64: 2, 256>}, {transform_indices = @transform_2, window_bounds = array<i64: 1600, 128>}]} {
    %get3A = arith.constant 0 : index
    %get3A_0 = arith.constant 0 : index
    %get3A_1 = vector.load %arg1[%get3A, %get3A_0] : memref<1600x256xbf16, #tpu.memory_space<vmem>>, vector<1600x256xbf16>
    %convert_element_type3A = arith.extf %get3A_1 : vector<1600x256xbf16> to vector<1600x256xf32>
    %get3A_2 = arith.constant 0 : index
    %get3A_3 = arith.constant 0 : index
    %get3A_4 = vector.load %arg2[%get3A_2, %get3A_3] : memref<2x256xf32, #tpu.memory_space<vmem>>, vector<1x256xf32>
    %mul3A = vector.broadcast %get3A_4 : vector<1x256xf32> to vector<1600x256xf32>
    %mul3A_5 = arith.mulf %convert_element_type3A, %mul3A : vector<1600x256xf32>
    %get3A_6 = arith.constant 1 : index
    %get3A_7 = arith.constant 0 : index
    %get3A_8 = vector.load %arg2[%get3A_6, %get3A_7] : memref<2x256xf32, #tpu.memory_space<vmem>>, vector<1x256xf32>
    %add3A = vector.broadcast %get3A_8 : vector<1x256xf32> to vector<1600x256xf32>
    %add3A_9 = arith.addf %mul3A_5, %add3A : vector<1600x256xf32>
    %slice3A = vector.extract_strided_slice %add3A_9 {offsets = [0, 0], sizes = [1600, 128], strides = [1, 1]} : vector<1600x256xf32> to vector<1600x128xf32>
    %neg3A = arith.constant 0.000000e+00 : f32
    %neg3A_10 = vector.broadcast %neg3A : f32 to vector<1600x128xf32>
    %neg3A_11 = arith.subf %neg3A_10, %slice3A : vector<1600x128xf32>
    %exp3A = math.exp %neg3A_11 : vector<1600x128xf32>
    %add3A_12 = arith.constant 1.000000e+00 : f32
    %add3A_13 = vector.broadcast %add3A_12 : f32 to vector<1600x128xf32>
    %add3A_14 = arith.addf %add3A_13, %exp3A : vector<1600x128xf32>
    %div3A = arith.constant 1.000000e+00 : f32
    %div3A_15 = vector.broadcast %div3A : f32 to vector<1600x128xf32>
    %div3A_16 = arith.divf %div3A_15, %add3A_14 : vector<1600x128xf32>
    %slice3A_17 = vector.extract_strided_slice %add3A_9 {offsets = [0, 128], sizes = [1600, 128], strides = [1, 1]} : vector<1600x256xf32> to vector<1600x128xf32>
    %max3A = arith.constant 0.000000e+00 : f32
    %max3A_18 = vector.broadcast %max3A : f32 to vector<1600x128xf32>
    %max3A_19 = arith.maximumf %slice3A_17, %max3A_18 : vector<1600x128xf32>
    %abs3A = math.absf %slice3A_17 : vector<1600x128xf32>
    %neg3A_20 = arith.constant 0.000000e+00 : f32
    %neg3A_21 = vector.broadcast %neg3A_20 : f32 to vector<1600x128xf32>
    %neg3A_22 = arith.subf %neg3A_21, %abs3A : vector<1600x128xf32>
    %exp3A_23 = math.exp %neg3A_22 : vector<1600x128xf32>
    %log1p3A = math.log1p %exp3A_23 : vector<1600x128xf32>
    %add3A_24 = arith.addf %max3A_19, %log1p3A : vector<1600x128xf32>
    %mul3A_25 = arith.mulf %div3A_16, %add3A_24 : vector<1600x128xf32>
    %swap3A = arith.constant 0 : index
    %swap3A_26 = arith.constant 0 : index
    %swap3A_27 = vector.load %arg3[%swap3A, %swap3A_26] : memref<1600x128xf32, #tpu.memory_space<vmem>>, vector<1600x128xf32>
    tpu.vector_store %arg3[%swap3A, %swap3A_26], %mul3A_25 {strides = array<i32>} : memref<1600x128xf32, #tpu.memory_space<vmem>>, vector<1600x128xf32>,
    return
  }
  func.func @transform_0(%arg0: i32) -> (i32, i32) {
    %c0_i32 = arith.constant 0 : i32
    %c0_i32_0 = arith.constant 0 : i32
    return %arg0, %c0_i32 : i32, i32
  }
  func.func @transform_1(%arg0: i32) -> (i32, i32) {
    %c0_i32 = arith.constant 0 : i32
    %c0_i32_0 = arith.constant 0 : i32
    %c0_i32_1 = arith.constant 0 : i32
    return %c0_i32, %c0_i32_0 : i32, i32
  }
  func.func @transform_2(%arg0: i32) -> (i32, i32) {
    %c0_i32 = arith.constant 0 : i32
    %c0_i32_0 = arith.constant 0 : i32
    return %arg0, %c0_i32 : i32, i32
  }
}

module attributes {stable_mosaic.version = 14 : i64} {
  func.func @body(%arg0: i32, %arg1: i32, %arg2: memref<2000x128xf32, #tpu.memory_space<vmem>>, %arg3: memref<2x2000x128xf32, #tpu.memory_space<vmem>>, %arg4: memref<2x2000x128xf32, #tpu.memory_space<vmem>>, %arg5: memref<1x128xf32, #tpu.memory_space<vmem>>, %arg6: memref<1x128xf32, #tpu.memory_space<vmem>>, %arg7: memref<2000x128xf32, #tpu.memory_space<vmem>>, %arg8: memref<1x128xf32, #tpu.memory_space<vmem>>, %arg9: memref<1x128xf32, #tpu.memory_space<vmem>>) attributes {dimension_semantics = [#tpu.dimension_semantics<arbitrary>, #tpu.dimension_semantics<arbitrary>], iteration_bounds = array<i64: 2, 5>, scalar_prefetch = 0 : i64, scratch_operands = 2 : i64, tpu.core_type = #tpu.core_type<tc>, window_params = [{transform_indices = @transform_0, window_bounds = array<i64: 2000, 128>}, {transform_indices = @transform_1, window_bounds = array<i64: 2, 2000, 128>}, {transform_indices = @transform_2, window_bounds = array<i64: 2, 2000, 128>}, {pipeline_mode = #tpu.pipeline_mode<synchronous>, transform_indices = @transform_3, window_bounds = array<i64: 1, 128>}, {pipeline_mode = #tpu.pipeline_mode<synchronous>, transform_indices = @transform_4, window_bounds = array<i64: 1, 128>}, {transform_indices = @transform_5, window_bounds = array<i64: 2000, 128>}]} {
    %get3A = arith.constant 0 : index
    %get3A_0 = arith.constant 0 : index
    %get3A_1 = arith.constant 0 : index
    %get3A_2 = vector.load %arg3[%get3A, %get3A_0, %get3A_1] : memref<2x2000x128xf32, #tpu.memory_space<vmem>>, vector<1x2000x128xf32>
    %get3A_3 = vector.shape_cast %get3A_2 : vector<1x2000x128xf32> to vector<2000x128xf32>
    %get3A_4 = arith.constant 1 : index
    %get3A_5 = arith.constant 0 : index
    %get3A_6 = arith.constant 0 : index
    %get3A_7 = vector.load %arg3[%get3A_4, %get3A_5, %get3A_6] : memref<2x2000x128xf32, #tpu.memory_space<vmem>>, vector<1x2000x128xf32>
    %get3A_8 = vector.shape_cast %get3A_7 : vector<1x2000x128xf32> to vector<2000x128xf32>
    %add3A = arith.addf %get3A_3, %get3A_8 : vector<2000x128xf32>
    %get3A_9 = arith.constant 0 : index
    %get3A_10 = arith.constant 0 : index
    %get3A_11 = arith.constant 0 : index
    %get3A_12 = vector.load %arg4[%get3A_9, %get3A_10, %get3A_11] : memref<2x2000x128xf32, #tpu.memory_space<vmem>>, vector<1x2000x1xf32>
    %get3A_13 = vector.shape_cast %get3A_12 : vector<1x2000x1xf32> to vector<2000x1xf32>
    %get3A_14 = arith.constant 1 : index
    %get3A_15 = arith.constant 0 : index
    %get3A_16 = arith.constant 0 : index
    %get3A_17 = vector.load %arg4[%get3A_14, %get3A_15, %get3A_16] : memref<2x2000x128xf32, #tpu.memory_space<vmem>>, vector<1x2000x1xf32>
    %get3A_18 = vector.shape_cast %get3A_17 : vector<1x2000x1xf32> to vector<2000x1xf32>
    %add3A_19 = arith.addf %get3A_13, %get3A_18 : vector<2000x1xf32>
    %max3A = arith.constant 1.000000e+00 : f32
    %max3A_20 = vector.broadcast %max3A : f32 to vector<2000x1xf32>
    %max3A_21 = arith.maximumf %add3A_19, %max3A_20 : vector<2000x1xf32>
    %div3A = vector.broadcast %max3A_21 : vector<2000x1xf32> to vector<2000x128xf32>
    %div3A_22 = arith.divf %add3A, %div3A : vector<2000x128xf32>
    %eq3A = arith.constant 0 : i32
    %eq3A_23 = arith.cmpi eq, %arg0, %eq3A : i32
    %eq3A_24 = arith.constant 0 : i32
    %eq3A_25 = arith.cmpi eq, %arg1, %eq3A_24 : i32
    %and3A = arith.andi %eq3A_23, %eq3A_25 : i1
    %convert_element_type3A = arith.extui %and3A : i1 to i32
    %cond3A = arith.constant 0 : i32
    %cond3A_26 = arith.cmpi ne, %convert_element_type3A, %cond3A : i32
    scf.if %cond3A_26 {
      %broadcast_in_dim3A = arith.constant 0.000000e+00 : f32
      %broadcast_in_dim3A_37 = vector.broadcast %broadcast_in_dim3A : f32 to vector<1x128xf32>
      %swap3A = arith.constant 0 : index
      %swap3A_38 = arith.constant 0 : index
      %swap3A_39 = vector.load %arg8[%swap3A, %swap3A_38] : memref<1x128xf32, #tpu.memory_space<vmem>>, vector<1x128xf32>
      tpu.vector_store %arg8[%swap3A, %swap3A_38], %broadcast_in_dim3A_37 {strides = array<i32>} : memref<1x128xf32, #tpu.memory_space<vmem>>, vector<1x128xf32>,
      %broadcast_in_dim3A_40 = arith.constant 0.000000e+00 : f32
      %broadcast_in_dim3A_41 = vector.broadcast %broadcast_in_dim3A_40 : f32 to vector<1x128xf32>
      %swap3A_42 = arith.constant 0 : index
      %swap3A_43 = arith.constant 0 : index
      %swap3A_44 = vector.load %arg9[%swap3A_42, %swap3A_43] : memref<1x128xf32, #tpu.memory_space<vmem>>, vector<1x128xf32>
      tpu.vector_store %arg9[%swap3A_42, %swap3A_43], %broadcast_in_dim3A_41 {strides = array<i32>} : memref<1x128xf32, #tpu.memory_space<vmem>>, vector<1x128xf32>,
    } else {
    }
    %eq3A_27 = arith.constant 0 : i32
    %eq3A_28 = arith.cmpi eq, %arg0, %eq3A_27 : i32
    %convert_element_type3A_29 = arith.extui %eq3A_28 : i1 to i32
    %cond3A_30 = arith.constant 0 : i32
    %cond3A_31 = arith.cmpi ne, %convert_element_type3A_29, %cond3A_30 : i32
    scf.if %cond3A_31 {
      %get3A_37 = arith.constant 0 : index
      %get3A_38 = arith.constant 0 : index
      %get3A_39 = vector.load %arg8[%get3A_37, %get3A_38] : memref<1x128xf32, #tpu.memory_space<vmem>>, vector<1x128xf32>
      %reduce_sum3A = arith.constant dense<0.000000e+00> : vector<128xf32>
      %reduce_sum3A_40 = vector.multi_reduction <add>, %div3A_22, %reduce_sum3A [0] : vector<2000x128xf32> to vector<128xf32>
      %broadcast_in_dim3A = vector.shape_cast %reduce_sum3A_40 : vector<128xf32> to vector<1x128xf32>
      %add3A_41 = arith.addf %get3A_39, %broadcast_in_dim3A : vector<1x128xf32>
      %swap3A = arith.constant 0 : index
      %swap3A_42 = arith.constant 0 : index
      %swap3A_43 = vector.load %arg8[%swap3A, %swap3A_42] : memref<1x128xf32, #tpu.memory_space<vmem>>, vector<1x128xf32>
      tpu.vector_store %arg8[%swap3A, %swap3A_42], %add3A_41 {strides = array<i32>} : memref<1x128xf32, #tpu.memory_space<vmem>>, vector<1x128xf32>,
      %get3A_44 = arith.constant 0 : index
      %get3A_45 = arith.constant 0 : index
      %get3A_46 = vector.load %arg9[%get3A_44, %get3A_45] : memref<1x128xf32, #tpu.memory_space<vmem>>, vector<1x128xf32>
      %mul3A = arith.mulf %div3A_22, %div3A_22 : vector<2000x128xf32>
      %reduce_sum3A_47 = arith.constant dense<0.000000e+00> : vector<128xf32>
      %reduce_sum3A_48 = vector.multi_reduction <add>, %mul3A, %reduce_sum3A_47 [0] : vector<2000x128xf32> to vector<128xf32>
      %broadcast_in_dim3A_49 = vector.shape_cast %reduce_sum3A_48 : vector<128xf32> to vector<1x128xf32>
      %add3A_50 = arith.addf %get3A_46, %broadcast_in_dim3A_49 : vector<1x128xf32>
      %swap3A_51 = arith.constant 0 : index
      %swap3A_52 = arith.constant 0 : index
      %swap3A_53 = vector.load %arg9[%swap3A_51, %swap3A_52] : memref<1x128xf32, #tpu.memory_space<vmem>>, vector<1x128xf32>
      tpu.vector_store %arg9[%swap3A_51, %swap3A_52], %add3A_50 {strides = array<i32>} : memref<1x128xf32, #tpu.memory_space<vmem>>, vector<1x128xf32>,
      %swap3A_54 = arith.constant 0 : index
      %swap3A_55 = arith.constant 0 : index
      %swap3A_56 = vector.load %arg7[%swap3A_54, %swap3A_55] : memref<2000x128xf32, #tpu.memory_space<vmem>>, vector<2000x128xf32>
      tpu.vector_store %arg7[%swap3A_54, %swap3A_55], %div3A_22 {strides = array<i32>} : memref<2000x128xf32, #tpu.memory_space<vmem>>, vector<2000x128xf32>,
    } else {
    }
    %eq3A_32 = arith.constant 1 : i32
    %eq3A_33 = arith.cmpi eq, %arg0, %eq3A_32 : i32
    %convert_element_type3A_34 = arith.extui %eq3A_33 : i1 to i32
    %cond3A_35 = arith.constant 0 : i32
    %cond3A_36 = arith.cmpi ne, %convert_element_type3A_34, %cond3A_35 : i32
    scf.if %cond3A_36 {
      %get3A_37 = arith.constant 0 : index
      %get3A_38 = arith.constant 0 : index
      %get3A_39 = vector.load %arg8[%get3A_37, %get3A_38] : memref<1x128xf32, #tpu.memory_space<vmem>>, vector<1x128xf32>
      %div3A_40 = arith.constant 1.000000e+04 : f32
      %div3A_41 = vector.broadcast %div3A_40 : f32 to vector<1x128xf32>
      %div3A_42 = arith.divf %get3A_39, %div3A_41 : vector<1x128xf32>
      %get3A_43 = arith.constant 0 : index
      %get3A_44 = arith.constant 0 : index
      %get3A_45 = vector.load %arg9[%get3A_43, %get3A_44] : memref<1x128xf32, #tpu.memory_space<vmem>>, vector<1x128xf32>
      %div3A_46 = arith.constant 1.000000e+04 : f32
      %div3A_47 = vector.broadcast %div3A_46 : f32 to vector<1x128xf32>
      %div3A_48 = arith.divf %get3A_45, %div3A_47 : vector<1x128xf32>
      %mul3A = arith.mulf %div3A_42, %div3A_42 : vector<1x128xf32>
      %sub3A = arith.subf %div3A_48, %mul3A : vector<1x128xf32>
      %add3A_49 = arith.constant 9.99999974E-6 : f32
      %add3A_50 = vector.broadcast %add3A_49 : f32 to vector<1x128xf32>
      %add3A_51 = arith.addf %sub3A, %add3A_50 : vector<1x128xf32>
      %sqrt3A = math.sqrt %add3A_51 : vector<1x128xf32>
      %div3A_52 = arith.constant 1.000000e+00 : f32
      %div3A_53 = vector.broadcast %div3A_52 : f32 to vector<1x128xf32>
      %div3A_54 = arith.divf %div3A_53, %sqrt3A : vector<1x128xf32>
      %sub3A_55 = vector.broadcast %div3A_42 : vector<1x128xf32> to vector<2000x128xf32>
      %sub3A_56 = arith.subf %div3A_22, %sub3A_55 : vector<2000x128xf32>
      %mul3A_57 = vector.broadcast %div3A_54 : vector<1x128xf32> to vector<2000x128xf32>
      %mul3A_58 = arith.mulf %sub3A_56, %mul3A_57 : vector<2000x128xf32>
      %get3A_59 = arith.constant 0 : index
      %get3A_60 = arith.constant 0 : index
      %get3A_61 = vector.load %arg5[%get3A_59, %get3A_60] : memref<1x128xf32, #tpu.memory_space<vmem>>, vector<1x128xf32>
      %mul3A_62 = vector.broadcast %get3A_61 : vector<1x128xf32> to vector<2000x128xf32>
      %mul3A_63 = arith.mulf %mul3A_58, %mul3A_62 : vector<2000x128xf32>
      %get3A_64 = arith.constant 0 : index
      %get3A_65 = arith.constant 0 : index
      %get3A_66 = vector.load %arg6[%get3A_64, %get3A_65] : memref<1x128xf32, #tpu.memory_space<vmem>>, vector<1x128xf32>
      %add3A_67 = vector.broadcast %get3A_66 : vector<1x128xf32> to vector<2000x128xf32>
      %add3A_68 = arith.addf %mul3A_63, %add3A_67 : vector<2000x128xf32>
      %get3A_69 = arith.constant 0 : index
      %get3A_70 = arith.constant 0 : index
      %get3A_71 = vector.load %arg2[%get3A_69, %get3A_70] : memref<2000x128xf32, #tpu.memory_space<vmem>>, vector<2000x128xf32>
      %add3A_72 = arith.addf %get3A_71, %add3A_68 : vector<2000x128xf32>
      %max3A_73 = arith.constant 0.000000e+00 : f32
      %max3A_74 = vector.broadcast %max3A_73 : f32 to vector<2000x128xf32>
      %max3A_75 = arith.maximumf %add3A_72, %max3A_74 : vector<2000x128xf32>
      %abs3A = math.absf %add3A_72 : vector<2000x128xf32>
      %neg3A = arith.constant 0.000000e+00 : f32
      %neg3A_76 = vector.broadcast %neg3A : f32 to vector<2000x128xf32>
      %neg3A_77 = arith.subf %neg3A_76, %abs3A : vector<2000x128xf32>
      %exp3A = math.exp %neg3A_77 : vector<2000x128xf32>
      %log1p3A = math.log1p %exp3A : vector<2000x128xf32>
      %add3A_78 = arith.addf %max3A_75, %log1p3A : vector<2000x128xf32>
      %swap3A = arith.constant 0 : index
      %swap3A_79 = arith.constant 0 : index
      %swap3A_80 = vector.load %arg7[%swap3A, %swap3A_79] : memref<2000x128xf32, #tpu.memory_space<vmem>>, vector<2000x128xf32>
      tpu.vector_store %arg7[%swap3A, %swap3A_79], %add3A_78 {strides = array<i32>} : memref<2000x128xf32, #tpu.memory_space<vmem>>, vector<2000x128xf32>,
    } else {
    }
    return
  }
  func.func @transform_0(%arg0: i32, %arg1: i32) -> (i32, i32) {
    %c0_i32 = arith.constant 0 : i32
    %c0_i32_0 = arith.constant 0 : i32
    return %arg1, %c0_i32 : i32, i32
  }
  func.func @transform_1(%arg0: i32, %arg1: i32) -> (i32, i32, i32) {
    %c0_i32 = arith.constant 0 : i32
    %c0_i32_0 = arith.constant 0 : i32
    %c0_i32_1 = arith.constant 0 : i32
    return %c0_i32, %arg1, %c0_i32_0 : i32, i32, i32
  }
  func.func @transform_2(%arg0: i32, %arg1: i32) -> (i32, i32, i32) {
    %c0_i32 = arith.constant 0 : i32
    %c0_i32_0 = arith.constant 0 : i32
    %c0_i32_1 = arith.constant 0 : i32
    return %c0_i32, %arg1, %c0_i32_0 : i32, i32, i32
  }
  func.func @transform_3(%arg0: i32, %arg1: i32) -> (i32, i32) {
    %c0_i32 = arith.constant 0 : i32
    %c0_i32_0 = arith.constant 0 : i32
    %c0_i32_1 = arith.constant 0 : i32
    return %c0_i32, %c0_i32_0 : i32, i32
  }
  func.func @transform_4(%arg0: i32, %arg1: i32) -> (i32, i32) {
    %c0_i32 = arith.constant 0 : i32
    %c0_i32_0 = arith.constant 0 : i32
    %c0_i32_1 = arith.constant 0 : i32
    return %c0_i32, %c0_i32_0 : i32, i32
  }
  func.func @transform_5(%arg0: i32, %arg1: i32) -> (i32, i32) {
    %c0_i32 = arith.constant 0 : i32
    %c0_i32_0 = arith.constant 0 : i32
    return %arg1, %c0_i32 : i32, i32
  }
}

</mosaic_0001>

<sc_bundles>
// kernel: kernel.11.cloned.1.call-start
scs
__scs_entry_jumppad:
0x0: {  	(pc) =	sbr.rel $0x88, $3  }
0x1: {  	(tag) =	ssettag $0x0;
	lr =	simm.s32 $0x1  }
0x2: {  	[smem:$0x3F97] =	sst lr;
	_ =	strace $0xD0000000  }
0x3: {  	_ = 	snop  }
0x4: {  	_ = 	snop  }
0x5: {  	_ = 	snop  }
0x6: {  	_ = 	snop  }
0x7: {  	_ = 	snop  }
__scs_overlays_trampoline_lowered:
0x8: {  	[smem:$0x3FA6] =	sst s0  }
0x9: {  	[smem:$0x3FA7] =	sst s1  }
0xa: {  	[smem:$0x3FA8] =	sst s2  }
0xb: {  	[smem:$0x3FA9] =	sst s3  }
0xc: {  	[smem:$0x3FAA] =	sst s4  }
0xd: {  	[smem:$0x3FAB] =	sst s5  }
0xe: {  	[smem:$0x3FAC] =	sst s6  }
0xf: {  	[smem:$0x3FAD] =	sst s7  }
0x10: {  	[smem:$0x3FAE] =	sst s8  }
0x11: {  	[smem:$0x3FAF] =	sst s9;
	s0 =	simm.s32 @!p0 $0x0  }
0x12: {  	s1 =	sld [smem:$0x3F95];
	s0 =	simm.s32 @p0 $0x1  }
0x13: {  	[smem:$0x3FB0] =	sst s0;
	s0 =	simm.s32 @!p1 $0x0  }
0x14: {  	s2 =	sld [smem:$0x3F94];
	s0 =	simm.s32 @p1 $0x1  }
0x15: {  	[smem:$0x3FB1] =	sst s0;
	s0 =	simm.s32 @!p2 $0x0  }
0x16: {  	s3 =	sld [smem:$0x3FDB];
	s0 =	simm.s32 @p2 $0x1  }
0x17: {  	s4 =	simm.s32 $0x1BF5;
	[smem:$0x3FB3] =	sst s0  }
0x18: {  	s0 =	sld [smem:$0x3F96];
	_ =	swait.ge [sflag:s4], $0x0  }
0x19: {  	s7 =	sld [smem:$0x3F97]  }
0x1a: {  	s8 =	sadd.s32 $0xFFFFE003, lr  }
0x1b: {  	s9 =	sadd.s32 $0xFFFFFEF7, lr;
	s5 =	simm.s32 $0xFFFFFFFF;
	p2 =	slt.u32 s8, $0xFFFFF086  }
0x1c: {  	p1 =	slt.u32 s9, $0xF7A;
	s5 =	simm.s32 @!p2 $0x0  }
0x1d: {  	s5 =	simm.s32 @p1 $0x1;
	p0 =	seq.s32 s7, s2  }
0x1e: {  	s7 =	smul.u32 @!p0 $0xF7A, s2;
	p2 =	seq.s32 @!p0 s5, $0x0  }
0x1f: {  	s9 =	smul.u32 $0xF7A, s1;
	s8 =	simm.s32 @!p0 $0x1BF5;
	p2 =	por !p2, p0  }
0x20: {  	[sflag:s8] =	ssyncset.s32 @!p0 $0xFFFFF086;
	s6 =	sadd.s32 @!p0 s3, s7;
	s7 =	simm.s32 @!p0 $0x108  }
0x21: {  	s3 =	sadd.s32 s3, s9;
	s6 =	sadd.s32 @!p0 $0x88, s6;
	s7 =	simm.s32 @p2 $0x1082  }
0x22: {  	[simem:s7], [sflag:s8] =	dma.local @!p0 [hbm:s6], $0xF7A  }
0x23: {  	s9 =	sor.u32 $0xD0000000, s2;
	s6 =	simm.s32 $0x108;
	_ =	swait.ge @!p0 [sflag:s8], $0x0  }
0x24: {  	s3 =	sadd.s32 $0x88, s3;
	s6 =	simm.s32 @!p1 $0x1082;
	[sflag:s4] =	ssyncset.s32 $0xFFFFF086  }
0x25: {  	[simem:s6], [sflag:s4] =	dma.local [hbm:s3], $0xF7A  }
0x26: {  	[smem:$0x3F97] =	sst s1;
	(tag) =	ssettag s2;
	_ =	strace s9  }
0x27: {  	s1 =	sld [smem:$0x3FA7]  }
0x28: {  	s2 =	sld [smem:$0x3FA8]  }
0x29: {  	s4 =	sld [smem:$0x3FAA]  }
0x2a: {  	p0 =	seq.s32 s5, $0x0;
	s5 =	sld [smem:$0x3FAB]  }
0x2b: {  	s6 =	sld [smem:$0x3FAC]  }
0x2c: {  	s7 =	sld [smem:$0x3FAD]  }
0x2d: {  	s3 =	simm.s32 $0x108;
	s8 =	sld [smem:$0x3FAE]  }
0x2e: {  	s3 =	simm.s32 @!p0 $0x1082;
	s9 =	sld [smem:$0x3FAF]  }
0x2f: {  	lr =	sadd.s32 s0, s3;
	s0 =	sld [smem:$0x3FA6]  }
0x30: {  	s3 =	sld [smem:$0x3FA9]  }
0x31: {  	[smem:$0x3FB2] =	sst s10  }
0x32: {  	s10 =	sld [smem:$0x3FB0];
	_ =	sdelay $0x3  }
0x33: {  	p0 =	seq.s32 s10, $0x1;
	s10 =	sld [smem:$0x3FB2];
	_ =	sdelay $0x3  }
0x34: {  	[smem:$0x3FB2] =	sst s10  }
0x35: {  	s10 =	sld [smem:$0x3FB1];
	_ =	sdelay $0x3  }
0x36: {  	p1 =	seq.s32 s10, $0x1;
	s10 =	sld [smem:$0x3FB2];
	_ =	sdelay $0x3  }
0x37: {  	[smem:$0x3FB2] =	sst s10  }
0x38: {  	s10 =	sld [smem:$0x3FB3]  }
0x39: {  	_ = 	snop;
	(pc) =	sbr.ind lr, $3  }
0x3a: {  	_ = 	snop  }
0x3b: {  	_ = 	snop  }
0x3c: {  	p2 =	seq.s32 s10, $0x1;
	s10 =	sld [smem:$0x3FB2]  }
0x3d: {  	_ =	shalt  }
0x3e: {  	_ =	shalt  }
0x3f: {  	_ =	shalt  }
0x40: {  	_ =	shalt  }
0x41: {  	_ =	shalt  }
0x42: {  	_ =	shalt  }
0x43: {  	_ =	shalt  }
0x44: {  	_ =	shalt  }
0x45: {  	_ =	shalt  }
0x46: {  	_ =	shalt  }
0x47: {  	_ =	shalt  }
0x48: {  	_ =	shalt  }
0x49: {  	_ =	shalt  }
0x4a: {  	_ =	shalt  }
0x4b: {  	_ =	shalt  }
0x4c: {  	_ =	shalt  }
0x4d: {  	_ =	shalt  }
0x4e: {  	_ =	shalt  }
0x4f: {  	_ =	shalt  }
0x50: {  	_ =	shalt  }
0x51: {  	_ =	shalt  }
0x52: {  	_ =	shalt  }
0x53: {  	_ =	shalt  }
0x54: {  	_ =	shalt  }
0x55: {  	_ =	shalt  }
0x56: {  	_ =	shalt  }
0x57: {  	_ =	shalt  }
0x58: {  	_ =	shalt  }
0x59: {  	_ =	shalt  }
0x5a: {  	_ =	shalt  }
0x5b: {  	_ =	shalt  }
0x5c: {  	_ =	shalt  }
0x5d: {  	_ =	shalt  }
0x5e: {  	_ =	shalt  }
0x5f: {  	_ =	shalt  }
0x60: {  	_ =	shalt  }
0x61: {  	_ =	shalt  }
0x62: {  	_ =	shalt  }
0x63: {  	_ =	shalt  }
0x64: {  	_ =	shalt  }
0x65: {  	_ =	shalt  }
0x66: {  	_ =	shalt  }
0x67: {  	_ =	shalt  }
0x68: {  	_ =	shalt  }
0x69: {  	_ =	shalt  }
0x6a: {  	_ =	shalt  }
0x6b: {  	_ =	shalt  }
0x6c: {  	_ =	shalt  }
0x6d: {  	_ =	shalt  }
0x6e: {  	_ =	shalt  }
0x6f: {  	_ =	shalt  }
0x70: {  	_ =	shalt  }
0x71: {  	_ =	shalt  }
0x72: {  	_ =	shalt  }
0x73: {  	_ =	shalt  }
0x74: {  	_ =	shalt  }
0x75: {  	_ =	shalt  }
0x76: {  	_ =	shalt  }
0x77: {  	_ =	shalt  }
0x78: {  	_ =	shalt  }
0x79: {  	_ =	shalt  }
0x7a: {  	_ =	shalt  }
0x7b: {  	_ =	shalt  }
0x7c: {  	_ =	shalt  }
0x7d: {  	_ =	shalt  }
0x7e: {  	_ =	shalt  }
0x7f: {  	_ =	shalt  }
0x80: {  	_ =	shalt  }
0x81: {  	_ =	shalt  }
0x82: {  	_ =	shalt  }
0x83: {  	_ =	shalt  }
0x84: {  	_ =	shalt  }
0x85: {  	_ =	shalt  }
0x86: {  	_ =	shalt  }
0x87: {  	_ =	shalt  }
.Lfunc_end0:
.L_simem_size_0:
called_computation_lowered:
.L_overlay_start_0:
0x88: {  	s2 =	sld [smem:$0x3FD9]  }
0x89: {  	s3 =	sld [smem:$0x3FFE];
	_ =	sdelay $0x1  }
0x8a: {  	s1 =	srdreg.scid  }
0x8b: {  	s0 =	sand.u32 $0x1, s1  }
0x8c: {  	s17 =	sshll.u32 s0, $0xA;
	s2 =	sadd.s32 s3, s2  }
0x8d: {  	s2 =	sadd.s32 s2, s17  }
0x8e: {  	[smem:$0x3FBE] =	sst s2  }
0x8f: {  	_ = 	snop  }
0x90: {  	s2 =	sld [smem:$0x3FC9]  }
0x91: {  	s18 =	sld [smem:$0x3FC8]  }
0x92: {  	s4 =	sld [smem:$0x3FC7]  }
0x93: {  	s5 =	sld [smem:$0x3FD0];
	(tm) =	ssettm $0x1  }
0x94: {  	s6 =	sld [smem:$0x3FFB];
	_ =	sdelay $0x3  }
0x95: {  	_ =	strace s6  }
0x96: {  	s6 =	sld [smem:$0x3FFC];
	_ =	sdelay $0x3  }
0x97: {  	_ =	strace s6  }
0x98: {  	s6 =	sld [smem:$0x3FFD];
	_ =	sdelay $0x3  }
0x99: {  	_ =	strace s6  }
0x9a: {  	_ =	strace $0x8FFFFFFF  }
0x9b: {  	s19 =	sld [smem:$0x3FDB];
	_ =	sdelay $0x1  }
0x9c: {  	s7 =	simm.s32 $_scs_section_size  }
0x9d: {  	s8 =	simm.s32 $_size__tile_overlayer_lowered;
	s9 =	simm.s32 $_tile_overlayer_lowered  }
0x9e: {  	s22 =	simm.s32 $0x1BFF;
	s21 =	sshll.u32 s9, $0x1;
	s6 =	sadd.s32 s7, s19  }
0x9f: {  	s10 =	simm.s32 $0x0;
	s20 =	sshll.u32 s8, $0x1;
	s8 =	sadd.s32 s21, s6  }
0xa0: {  	[timem:s10], [sflag:s22] =	dma.local [hbm:s8], s20  }
0xa1: {  	_ =	swait.ge [sflag:s22], s20  }
0xa2: {  	s7 =	ssub.s32 $0x0, s20;
	[sflag:s22] =	ssyncset.done $0x0  }
0xa3: {  	[sflag:s22] =	ssyncadd.s32 s7;
	_ =	sdelay $0x1  }
0xa4: {  	s23 =	simm.s32 $0x1B8B  }
0xa5: {  	_ =	swait.ge [sflag:s23], $0x1  }
0xa6: {  	[sflag:s23] =	ssyncset.done $0x0  }
0xa7: {  	s25 =	simm.s32 $0x1B8E;
	s24 =	sld [smem:$0x3FFE];
	[sflag:s23] =	ssyncadd.s32 $0xFFFFFFFF  }
0xa8: {  	s26 =	simm.s32 $execute0_lowered;
	[smem:$0x3FD2] =	sst s25  }
0xa9: {  	s8 =	sshll.u32 s26, $0x1;
	_ =	strace $0x80000046;
	[dreg:$0x1] =	wrdreg $0xFFFFFFFF  }
0xaa: {  	s28 =	simm.s32 $_size_execute0_lowered;
	s6 =	sadd.s32 s6, s8;
	[dreg:$0x0] =	wrdreg $0x0  }
0xab: {  	s8 =	sshll.u32 s28, $0x1;
	[dreg:$0x2] =	wrdreg s6  }
0xac: {  	[dreg:$0x3] =	wrdreg s8  }
0xad: {  	[dreg:$0x4] =	wrdreg $0xC0  }
0xae: {  	_ =	task [dreg:s10], $0x5FFFF  }
0xaf: {  	[dreg:$0x1] =	wrdreg $0xFFFFFFFF  }
0xb0: {  	[dreg:$0x0] =	wrdreg $0x60  }
0xb1: {  	[dreg:$0x2] =	wrdreg s2  }
0xb2: {  	[dreg:$0x3] =	wrdreg s18  }
0xb3: {  	[dreg:$0x4] =	wrdreg s4  }
0xb4: {  	[dreg:$0x5] =	wrdreg s24  }
0xb5: {  	[dreg:$0x6] =	wrdreg s5  }
0xb6: {  	[dreg:$0x7] =	wrdreg $0xA2000  }
0xb7: {  	[dreg:$0x8] =	wrdreg $0x9  }
0xb8: {  	_ =	task.clear_ibuf [dreg:s10], $0x9FFFF;
	_ =	strace $0x90000046  }
0xb9: {  	s29 =	simm.s32 $0x9;
	_ =	strace $0x80000048  }
0xba: {  	_ =	swait.ge [sflag:s29], $0x1  }
0xbb: {  	[sflag:s29] =	ssyncadd.s32 $0xFFFFFFFF  }
0xbc: {  	_ =	strace $0x90000048  }
0xbd: {  	_ =	sfence  }
0xbe: {  	s30 =	sld [smem:$0x0];
	_ =	sdelay $0x2  }
0xbf: {  	s31 =	sshll.u32 s1, $0xD;
	s1 =	sshrl.u32 s1, $0x2  }
0xc0: {  	s3 =	sand.u32 $0x4000, s31;
	s1 =	sadd.s32 s1, s30  }
0xc1: {  	s0 =	sor.u32 s3, s0;
	s1 =	sshll.u32 s1, $0x11  }
0xc2: {  	s0 =	sor.u32 s1, s0  }
0xc3: {  	s0 =	sadd.s32 $0x8F2B, s0  }
0xc4: {  	[sflag:s0] =	ssyncadd.remote.s32 $0x1  }
0xc5: {  	_ =	sfence.sel $0xFFFF  }
0xc6: {  	[dreg:$0x0] =	wrdreg $0xFFFFFFFF;
	(pc) =	sbr.abs _section_cstart, $3  }
0xc7: {  	[dreg:$0x1] =	wrdreg $0xFFFFFFFF  }
0xc8: {  	_ =	task.clear_ibuf [dreg:s10], $0x2FFFF;
	_ =	strace $0x9FFFFFFF  }
0xc9: {  	(tm) =	ssettm $0x7FFFFFFF  }
tec
execute0_lowered:
.L_overlay_start_1:
0x0: {  	(tag) =	ssettag $0x1  }
0x1: {  	s1 =	rddreg [dreg:$0x0]  }
0x2: {  	s2 =	rddreg [dreg:$0x1]  }
0x3: {  	s8 =	rddreg [dreg:$0x2]  }
0x4: {  	s0 =	rddreg [dreg:$0x3]  }
0x5: {  	s5 =	rddreg [dreg:$0x5];
	s7 =	simm.s32 $0x0  }
0x6: {  	s3 =	srdreg.scid;
	s14 =	stileid.u32;
	s28 =	simm.s32 $0x4200  }
0x7: {  	s29 =	simm.s32 $0x6200;
	s30 =	simm.s32 $0x1;
	s6 =	smul.u32 $0x13C00, s14  }
0x8: {  	s31 =	simm.s32 $0x2;
	[smem:$0x7FF] =	sst s7;
	s25 =	smul.u32 $0x4F000, s14  }
0x9: {  	s3 =	sand.u32 $0x1, s3;
	s9 =	sadd.s32 $0x53C00, s0;
	s21 =	smul.u32 $0x2710, s14  }
0xa: {  	s11 =	sadd.s32 $0x2C4C00, s0;
	s10 =	sshll.u32 s14, $0x1;
	s4 =	smul.u32 $0x13C000, s3  }
0xb: {  	s15 =	sshll.u32 s14, $0x6;
	_ =	strace $0x80000047;
	s18 =	smul.u32 $0x13880, s3  }
0xc: {  	s24 =	sor.u32 s3, s10;
	s12 =	ssub.s32 $0x2, s3;
	s3 =	smul.u32 $0x1388, s3  }
0xd: {  	s26 =	sshrl.u32 s12, $0x1;
	s10 =	sshrl.u32 s25, $0x2;
	s4 =	sadd.s32 s6, s4  }
0xe: {  	s6 =	smul.u32 $0x1388, s24;
	s10 =	sadd.s32 s10, s5;
	s3 =	sadd.s32 s3, s21  }
0xf: {  	s21 =	simm.s32 $0x80;
	s4 =	sshrl.u32 s4, $0x3;
	[dreg:$0x9] =	wrdreg s10  }
0x10: {  	s10 =	sor.u32 $0x1C05, s15;
	s0 =	sadd.s32 s4, s0;
	s4 =	ssub.s32 s12, s26  }
0x11: {  	s6 =	sadd.s32 $0x1380, s6;
	s26 =	sadd.s32 $0x40, s3;
	s13 =	sadd.s32 $0x4C00, s0  }
0x12: {  	s16 =	sshrl.u32 s6, $0x3;
	s0 =	sadd.s32 $0x535C00, s0;
	[dreg:$0xa] =	wrdreg s13  }
0x13: {  	s6 =	sshll.u32 s6, $0x4;
	s23 =	smax.u32 s4, $0x1;
	[dreg:$0xf] =	wrdreg s0  }
0x14: {  	s4 =	simm.s32 $0x1DE00;
	s2 =	sadd.s32 s2, s16;
	[dreg:$0x10] =	wrdreg s23  }
0x15: {  	s13 =	smul.u32 $0x27100, s14;
	s17 =	sadd.s32 s8, s16;
	[dreg:$0xb] =	wrdreg s2  }
0x16: {  	s19 =	sadd.s32 s9, s6;
	s20 =	sadd.s32 s11, s6;
	[dreg:$0xc] =	wrdreg s17  }
0x17: {  	s23 =	simm.s32 $0x100;
	s6 =	simm.s32 $0x4;
	[dreg:$0xd] =	wrdreg s19  }
0x18: {  	[dreg:$0xe] =	wrdreg s20;
	s17 =	sshrl.u32 s3, $0x3;
	s19 =	simm.s32 $0x5  }
0x19: {  	s20 =	simm.s32 $0x8200;
	s22 =	sadd.s32 s13, s9;
	s24 =	sadd.s32 s13, s11  }
0x1a: {  	s9 =	simm.s32 $0x8;
	s13 =	simm.s32 $0x0;
	s0 =	sadd.s32 s18, s22  }
0x1b: {  	s25 =	sadd.s32 s18, s24;
	s18 =	sshrl.u32 s26, $0x3;
	s22 =	simm.s32 $0x40  }
0x1c: {  	s24 =	simm.s32 $0x2100;
	s26 =	simm.s32 $0x4180;
	[dreg:$0x7] =	wrdreg s0  }
0x1d: {  	[dreg:$0x8] =	wrdreg s25;
	s25 =	simm.s32 $0x4100;
	s0 =	simm.s32 $0x3  }
.LBB2_1:
0x1e: {  	s2 =	rddreg [dreg:$0x9]  }
0x1f: {  	s12 =	rddreg [dreg:$0xa];
	s14 =	sshrl.u32 s2, $0x3  }
0x20: {  	[spmem:s14], [sflag:s10] =	dma.local [hbm:s12], $0x2780  }
0x21: {  	_ =	swait.ge [sflag:s19], $0x2780  }
0x22: {  	[sflag:s19] =	ssyncset.done $0x0  }
0x23: {  	[sflag:s19] =	ssyncadd.s32 $0xFFFFD880  }
0x24: {  	s15 =	rddreg [dreg:$0x4]  }
0x25: {  	[tilespmem:s20], [sflag:$0x5] =	stream.linear.gather [hbm4b:s15+s7], $0x2000, $0x38;
	[tilespmem:$0x1E700] =	vst v63  }
0x26: {  	_ =	swait.ge [sflag:s19], $0x2000  }
0x27: {  	[sflag:s19] =	ssyncset.done $0x0  }
0x28: {  	[sflag:s19] =	ssyncadd.s32 $0xFFFFE000  }
0x29: {  	[bflag:$0x0] =	sbarrier.arrive $0xFFFF  }
0x2a: {  	s2 =	rddreg [dreg:$0x1]  }
0x2b: {  	s3 =	sadd.s32 s2, s17  }
0x2c: {  	[tilespmem:s7], [sflag:$0x5] =	stream.linear.gather [hbm4b:s3+s7], $0x40, $0x38;
	[tilespmem:$0x1E700] =	vst v63  }
0x2d: {  	_ =	swait.ge [sflag:s19], $0x40  }
0x2e: {  	[sflag:s19] =	ssyncset.done $0x0  }
0x2f: {  	[sflag:s19] =	ssyncadd.s32 $0xFFFFFFC0  }
0x30: {  	s8 =	rddreg [dreg:$0x2]  }
0x31: {  	s16 =	sadd.s32 s8, s17  }
0x32: {  	[tilespmem:s21], [sflag:$0x5] =	stream.linear.gather [hbm4b:s16+s7], $0x40, $0x38;
	[tilespmem:$0x1E700] =	vst v63  }
0x33: {  	_ =	swait.ge [sflag:s19], $0x40  }
0x34: {  	[sflag:s19] =	ssyncset.done $0x0  }
0x35: {  	[sflag:s19] =	ssyncadd.s32 $0xFFFFFFC0  }
0x36: {  	[tilespmem:s23], [sflag:$0x1] =	stream.indirect.gather [hbm4b:s1+s22], $0x80, s7, s22, $0xb8;
	[tilespmem:$0x1E700] =	vst v63  }
0x37: {  	_ = 	snop  }
0x38: {  	[tilespmem:s24], [sflag:$0x2] =	stream.indirect.gather [hbm4b:s1+s22], $0x80, s21, s22, $0xb8;
	[tilespmem:$0x1E700] =	vst v63  }
0x39: {  	_ = 	snop  }
0x3a: {  	[spmem:s5] =	stream.indirect.scatter.add.f32 [tilespmem:s20], [sflag:$0x5], $0x80, s7, s22, $0xb8;
	[tilespmem:$0x1E700] =	vst v63  }
0x3b: {  	_ =	swait.ge [sflag:s19], $0x2000  }
0x3c: {  	[sflag:s19] =	ssyncset.done $0x0  }
0x3d: {  	s11 =	sadd.s32 s2, s18;
	[sflag:s19] =	ssyncadd.s32 $0xFFFFE000  }
0x3e: {  	[tilespmem:s25], [sflag:$0x5] =	stream.linear.gather [hbm4b:s11+s7], $0x40, $0x38;
	[tilespmem:$0x1E700] =	vst v63  }
0x3f: {  	_ =	swait.ge [sflag:s19], $0x40  }
0x40: {  	[sflag:s19] =	ssyncset.done $0x0  }
0x41: {  	s12 =	sadd.s32 s8, s18;
	[sflag:s19] =	ssyncadd.s32 $0xFFFFFFC0  }
0x42: {  	[tilespmem:s26], [sflag:$0x5] =	stream.linear.gather [hbm4b:s12+s7], $0x40, $0x38;
	[tilespmem:$0x1E700] =	vst v63  }
0x43: {  	_ =	swait.ge [sflag:s19], $0x40  }
0x44: {  	[sflag:s19] =	ssyncset.done $0x0  }
0x45: {  	[sflag:s19] =	ssyncadd.s32 $0xFFFFFFC0  }
0x46: {  	[tilespmem:s28], [sflag:$0x3] =	stream.indirect.gather [hbm4b:s1+s22], $0x80, s25, s22, $0xb8;
	[tilespmem:$0x1E700] =	vst v63  }
0x47: {  	_ = 	snop  }
0x48: {  	[tilespmem:s29], [sflag:$0x4] =	stream.indirect.gather [hbm4b:s1+s22], $0x80, s26, s22, $0xb8;
	[tilespmem:$0x1E700] =	vst v63  }
0x49: {  	_ = 	snop  }
0x4a: {  	[spmem:s5] =	stream.indirect.scatter.add.f32 [tilespmem:s20], [sflag:$0x5], $0x80, s25, s22, $0xb8;
	[tilespmem:$0x1E700] =	vst v63  }
0x4b: {  	_ =	swait.ge [sflag:s19], $0x2000  }
0x4c: {  	[sflag:s19] =	ssyncset.done $0x0  }
0x4d: {  	[sflag:s19] =	ssyncadd.s32 $0xFFFFE000  }
0x4e: {  	_ =	swait.ge [sflag:s30], $0x2000  }
0x4f: {  	s15 =	rddreg [dreg:$0x7];
	[sflag:s30] =	ssyncset.done $0x0  }
0x50: {  	[sflag:s30] =	ssyncadd.s32 $0xFFFFE000;
	s3 =	sadd.s32 $0x0, s15  }
0x51: {  	[hbm4b:s3+s7] =	stream.linear.scatter [tilespmem:s23], [sflag:$0x5], $0x2000, $0x38;
	[tilespmem:$0x1E700] =	vst v63  }
0x52: {  	_ =	swait.ge [sflag:s19], $0x2000  }
0x53: {  	[sflag:s19] =	ssyncset.done $0x0  }
0x54: {  	[sflag:s19] =	ssyncadd.s32 $0xFFFFE000  }
0x55: {  	_ =	swait.ge [sflag:s31], $0x2000  }
0x56: {  	s11 =	rddreg [dreg:$0x8];
	[sflag:s31] =	ssyncset.done $0x0  }
0x57: {  	[sflag:s31] =	ssyncadd.s32 $0xFFFFE000;
	s11 =	sadd.s32 $0x0, s11  }
0x58: {  	[hbm4b:s11+s7] =	stream.linear.scatter [tilespmem:s24], [sflag:$0x5], $0x2000, $0x38;
	[tilespmem:$0x1E700] =	vst v63  }
0x59: {  	_ =	swait.ge [sflag:s19], $0x2000  }
0x5a: {  	[sflag:s19] =	ssyncset.done $0x0  }
0x5b: {  	[sflag:s19] =	ssyncadd.s32 $0xFFFFE000  }
0x5c: {  	_ =	swait.ge [sflag:s0], $0x2000  }
0x5d: {  	[sflag:s0] =	ssyncset.done $0x0  }
0x5e: {  	s3 =	sadd.s32 $0x400, s3;
	[sflag:s0] =	ssyncadd.s32 $0xFFFFE000  }
0x5f: {  	[hbm4b:s3+s7] =	stream.linear.scatter [tilespmem:s28], [sflag:$0x5], $0x2000, $0x38;
	[tilespmem:$0x1E700] =	vst v63  }
0x60: {  	_ =	swait.ge [sflag:s19], $0x2000  }
0x61: {  	[sflag:s19] =	ssyncset.done $0x0  }
0x62: {  	[sflag:s19] =	ssyncadd.s32 $0xFFFFE000  }
0x63: {  	_ =	swait.ge [sflag:s6], $0x2000  }
0x64: {  	[sflag:s6] =	ssyncset.done $0x0  }
0x65: {  	s16 =	sadd.s32 $0x400, s11;
	[sflag:s6] =	ssyncadd.s32 $0xFFFFE000  }
0x66: {  	[hbm4b:s16+s7] =	stream.linear.scatter [tilespmem:s29], [sflag:$0x5], $0x2000, $0x38;
	[tilespmem:$0x1E700] =	vst v63  }
0x67: {  	s15 =	simm.s32 $0x800;
	s11 =	simm.s32 $0x1000;
	_ =	swait.ge [sflag:s19], $0x2000  }
0x68: {  	s3 =	smov.u32 s8;
	s16 =	sadd.s32 $0x10, s2;
	[sflag:s19] =	ssyncset.done $0x0  }
.LBB2_2:
0x69: {  	s2 =	sadd.s32 s16, s17;
	[sflag:s19] =	ssyncadd.s32 $0xFFFFE000  }
0x6a: {  	[tilespmem:s7], [sflag:$0x5] =	stream.linear.gather [hbm4b:s2+s7], $0x40, $0x38;
	[tilespmem:$0x1E700] =	vst v63  }
0x6b: {  	_ =	swait.ge [sflag:s19], $0x40  }
0x6c: {  	s3 =	sadd.s32 $0x10, s3;
	[sflag:s19] =	ssyncset.done $0x0  }
0x6d: {  	s8 =	sadd.s32 s3, s17;
	[sflag:s19] =	ssyncadd.s32 $0xFFFFFFC0  }
0x6e: {  	[tilespmem:s21], [sflag:$0x5] =	stream.linear.gather [hbm4b:s8+s7], $0x40, $0x38;
	[tilespmem:$0x1E700] =	vst v63  }
0x6f: {  	_ =	swait.ge [sflag:s19], $0x40  }
0x70: {  	[sflag:s19] =	ssyncset.done $0x0  }
0x71: {  	[sflag:s19] =	ssyncadd.s32 $0xFFFFFFC0  }
0x72: {  	[tilespmem:s23], [sflag:$0x1] =	stream.indirect.gather [hbm4b:s1+s22], $0x80, s7, s22, $0xb8;
	[tilespmem:$0x1E700] =	vst v63  }
0x73: {  	_ = 	snop  }
0x74: {  	[tilespmem:s24], [sflag:$0x2] =	stream.indirect.gather [hbm4b:s1+s22], $0x80, s21, s22, $0xb8;
	[tilespmem:$0x1E700] =	vst v63  }
0x75: {  	_ = 	snop  }
0x76: {  	[spmem:s5] =	stream.indirect.scatter.add.f32 [tilespmem:s20], [sflag:$0x5], $0x80, s7, s22, $0xb8;
	[tilespmem:$0x1E700] =	vst v63  }
0x77: {  	_ =	swait.ge [sflag:s19], $0x2000  }
0x78: {  	[sflag:s19] =	ssyncset.done $0x0  }
0x79: {  	s8 =	sadd.s32 s16, s18;
	[sflag:s19] =	ssyncadd.s32 $0xFFFFE000  }
0x7a: {  	[tilespmem:s25], [sflag:$0x5] =	stream.linear.gather [hbm4b:s8+s7], $0x40, $0x38;
	[tilespmem:$0x1E700] =	vst v63  }
0x7b: {  	_ =	swait.ge [sflag:s19], $0x40  }
0x7c: {  	[sflag:s19] =	ssyncset.done $0x0  }
0x7d: {  	s8 =	sadd.s32 s3, s18;
	[sflag:s19] =	ssyncadd.s32 $0xFFFFFFC0  }
0x7e: {  	[tilespmem:s26], [sflag:$0x5] =	stream.linear.gather [hbm4b:s8+s7], $0x40, $0x38;
	[tilespmem:$0x1E700] =	vst v63  }
0x7f: {  	_ =	swait.ge [sflag:s19], $0x40  }
0x80: {  	[sflag:s19] =	ssyncset.done $0x0  }
0x81: {  	[sflag:s19] =	ssyncadd.s32 $0xFFFFFFC0  }
0x82: {  	[tilespmem:s28], [sflag:$0x3] =	stream.indirect.gather [hbm4b:s1+s22], $0x80, s25, s22, $0xb8;
	[tilespmem:$0x1E700] =	vst v63  }
0x83: {  	_ = 	snop  }
0x84: {  	[tilespmem:s29], [sflag:$0x4] =	stream.indirect.gather [hbm4b:s1+s22], $0x80, s26, s22, $0xb8;
	[tilespmem:$0x1E700] =	vst v63  }
0x85: {  	_ = 	snop  }
0x86: {  	[spmem:s5] =	stream.indirect.scatter.add.f32 [tilespmem:s20], [sflag:$0x5], $0x80, s25, s22, $0xb8;
	[tilespmem:$0x1E700] =	vst v63  }
0x87: {  	_ =	swait.ge [sflag:s19], $0x2000  }
0x88: {  	[sflag:s19] =	ssyncset.done $0x0  }
0x89: {  	[sflag:s19] =	ssyncadd.s32 $0xFFFFE000  }
0x8a: {  	_ =	swait.ge [sflag:s30], $0x2000  }
0x8b: {  	s8 =	rddreg [dreg:$0x7];
	[sflag:s30] =	ssyncset.done $0x0  }
0x8c: {  	[sflag:s30] =	ssyncadd.s32 $0xFFFFE000;
	s2 =	sadd.s32 s15, s8  }
0x8d: {  	[hbm4b:s2+s7] =	stream.linear.scatter [tilespmem:s23], [sflag:$0x5], $0x2000, $0x38;
	[tilespmem:$0x1E700] =	vst v63  }
0x8e: {  	_ =	swait.ge [sflag:s19], $0x2000  }
0x8f: {  	[sflag:s19] =	ssyncset.done $0x0  }
0x90: {  	[sflag:s19] =	ssyncadd.s32 $0xFFFFE000  }
0x91: {  	_ =	swait.ge [sflag:s31], $0x2000  }
0x92: {  	s8 =	rddreg [dreg:$0x8];
	[sflag:s31] =	ssyncset.done $0x0  }
0x93: {  	[sflag:s31] =	ssyncadd.s32 $0xFFFFE000;
	s8 =	sadd.s32 s15, s8  }
0x94: {  	[hbm4b:s8+s7] =	stream.linear.scatter [tilespmem:s24], [sflag:$0x5], $0x2000, $0x38;
	[tilespmem:$0x1E700] =	vst v63  }
0x95: {  	_ =	swait.ge [sflag:s19], $0x2000  }
0x96: {  	[sflag:s19] =	ssyncset.done $0x0  }
0x97: {  	[sflag:s19] =	ssyncadd.s32 $0xFFFFE000  }
0x98: {  	_ =	swait.ge [sflag:s0], $0x2000  }
0x99: {  	[sflag:s0] =	ssyncset.done $0x0  }
0x9a: {  	s2 =	sadd.s32 $0x400, s2;
	[sflag:s0] =	ssyncadd.s32 $0xFFFFE000  }
0x9b: {  	[hbm4b:s2+s7] =	stream.linear.scatter [tilespmem:s28], [sflag:$0x5], $0x2000, $0x38;
	[tilespmem:$0x1E700] =	vst v63  }
0x9c: {  	_ =	swait.ge [sflag:s19], $0x2000  }
0x9d: {  	[sflag:s19] =	ssyncset.done $0x0  }
0x9e: {  	[sflag:s19] =	ssyncadd.s32 $0xFFFFE000  }
0x9f: {  	p0 =	sne.s32 s11, $0x13000;
	_ =	swait.ge [sflag:s6], $0x2000  }
.Ltmp0:
0xa0: {  	s12 =	smov.u32 s11;
	[sflag:s6] =	ssyncset.done $0x0;
	(pc) =	sbr.rel @p0 .LBB2_2-.Ltmp0, $4  }
0xa1: {  	s15 =	smov.u32 s12;
	s12 =	sadd.s32 $0x400, s8;
	[sflag:s6] =	ssyncadd.s32 $0xFFFFE000  }
0xa2: {  	[hbm4b:s12+s7] =	stream.linear.scatter [tilespmem:s29], [sflag:$0x5], $0x2000, $0x38;
	[tilespmem:$0x1E700] =	vst v63  }
0xa3: {  	_ =	swait.ge [sflag:s19], $0x2000  }
0xa4: {  	s11 =	sadd.s32 $0x800, s11;
	s16 =	sadd.s32 $0x10, s16;
	[sflag:s19] =	ssyncset.done $0x0  }
0xa5: {  	s2 =	sadd.s32 s16, s17;
	[sflag:s19] =	ssyncadd.s32 $0xFFFFE000  }
0xa6: {  	[tilespmem:s7], [sflag:$0x5] =	stream.linear.gather [hbm4b:s2+s7], $0x40, $0x38;
	[tilespmem:$0x1E700] =	vst v63  }
0xa7: {  	_ =	swait.ge [sflag:s19], $0x40  }
0xa8: {  	s12 =	sadd.s32 $0x10, s3;
	[sflag:s19] =	ssyncset.done $0x0  }
0xa9: {  	s3 =	sadd.s32 s12, s17;
	[sflag:s19] =	ssyncadd.s32 $0xFFFFFFC0  }
0xaa: {  	[tilespmem:s21], [sflag:$0x5] =	stream.linear.gather [hbm4b:s3+s7], $0x40, $0x38;
	[tilespmem:$0x1E700] =	vst v63  }
0xab: {  	_ =	swait.ge [sflag:s19], $0x40  }
0xac: {  	[sflag:s19] =	ssyncset.done $0x0  }
0xad: {  	[sflag:s19] =	ssyncadd.s32 $0xFFFFFFC0  }
0xae: {  	[tilespmem:s23], [sflag:$0x1] =	stream.indirect.gather [hbm4b:s1+s22], $0x80, s7, s22, $0xb8;
	[tilespmem:$0x1E700] =	vst v63  }
0xaf: {  	_ = 	snop  }
0xb0: {  	[tilespmem:s24], [sflag:$0x2] =	stream.indirect.gather [hbm4b:s1+s22], $0x80, s21, s22, $0xb8;
	[tilespmem:$0x1E700] =	vst v63  }
0xb1: {  	_ = 	snop  }
0xb2: {  	[spmem:s5] =	stream.indirect.scatter.add.f32 [tilespmem:s20], [sflag:$0x5], $0x80, s7, s22, $0xb8;
	[tilespmem:$0x1E700] =	vst v63  }
0xb3: {  	_ =	swait.ge [sflag:s19], $0x2000  }
0xb4: {  	[sflag:s19] =	ssyncset.done $0x0  }
0xb5: {  	s16 =	sadd.s32 s16, s18;
	[sflag:s19] =	ssyncadd.s32 $0xFFFFE000  }
0xb6: {  	[tilespmem:s25], [sflag:$0x5] =	stream.linear.gather [hbm4b:s16+s7], $0x40, $0x38;
	[tilespmem:$0x1E700] =	vst v63  }
0xb7: {  	_ =	swait.ge [sflag:s19], $0x40  }
0xb8: {  	[sflag:s19] =	ssyncset.done $0x0  }
0xb9: {  	s2 =	sadd.s32 s12, s18;
	[sflag:s19] =	ssyncadd.s32 $0xFFFFFFC0  }
0xba: {  	[tilespmem:s26], [sflag:$0x5] =	stream.linear.gather [hbm4b:s2+s7], $0x40, $0x38;
	[tilespmem:$0x1E700] =	vst v63  }
0xbb: {  	_ =	swait.ge [sflag:s19], $0x40  }
0xbc: {  	[sflag:s19] =	ssyncset.done $0x0  }
0xbd: {  	[sflag:s19] =	ssyncadd.s32 $0xFFFFFFC0  }
0xbe: {  	[tilespmem:s28], [sflag:$0x3] =	stream.indirect.gather [hbm4b:s1+s22], $0x80, s25, s22, $0xb8;
	[tilespmem:$0x1E700] =	vst v63  }
0xbf: {  	_ = 	snop  }
0xc0: {  	[tilespmem:s29], [sflag:$0x4] =	stream.indirect.gather [hbm4b:s1+s22], $0x80, s26, s22, $0xb8;
	[tilespmem:$0x1E700] =	vst v63  }
0xc1: {  	_ = 	snop  }
0xc2: {  	[spmem:s5] =	stream.indirect.scatter.add.f32 [tilespmem:s20], [sflag:$0x5], $0x80, s25, s22, $0xb8;
	[tilespmem:$0x1E700] =	vst v63  }
0xc3: {  	_ =	swait.ge [sflag:s19], $0x2000  }
0xc4: {  	[sflag:s19] =	ssyncset.done $0x0  }
0xc5: {  	[sflag:s19] =	ssyncadd.s32 $0xFFFFE000  }
0xc6: {  	_ =	swait.ge [sflag:s30], $0x2000  }
0xc7: {  	s3 =	rddreg [dreg:$0x7];
	[sflag:s30] =	ssyncset.done $0x0  }
0xc8: {  	[sflag:s30] =	ssyncadd.s32 $0xFFFFE000;
	s2 =	sadd.s32 s15, s3  }
0xc9: {  	[hbm4b:s2+s7] =	stream.linear.scatter [tilespmem:s23], [sflag:$0x5], $0x2000, $0x38;
	[tilespmem:$0x1E700] =	vst v63  }
0xca: {  	_ =	swait.ge [sflag:s19], $0x2000  }
0xcb: {  	[sflag:s19] =	ssyncset.done $0x0  }
0xcc: {  	[sflag:s19] =	ssyncadd.s32 $0xFFFFE000  }
0xcd: {  	_ =	swait.ge [sflag:s31], $0x2000  }
0xce: {  	s8 =	rddreg [dreg:$0x8];
	[sflag:s31] =	ssyncset.done $0x0  }
0xcf: {  	s3 =	sadd.s32 s15, s8;
	[sflag:s31] =	ssyncadd.s32 $0xFFFFE000  }
0xd0: {  	[hbm4b:s3+s7] =	stream.linear.scatter [tilespmem:s24], [sflag:$0x5], $0x2000, $0x38;
	[tilespmem:$0x1E700] =	vst v63  }
0xd1: {  	_ =	swait.ge [sflag:s19], $0x2000  }
0xd2: {  	[sflag:s19] =	ssyncset.done $0x0  }
0xd3: {  	[sflag:s19] =	ssyncadd.s32 $0xFFFFE000  }
0xd4: {  	_ =	swait.ge [sflag:s0], $0x2000  }
0xd5: {  	[sflag:s0] =	ssyncset.done $0x0  }
0xd6: {  	s2 =	sadd.s32 $0x400, s2;
	[sflag:s0] =	ssyncadd.s32 $0xFFFFE000  }
0xd7: {  	[hbm4b:s2+s7] =	stream.linear.scatter [tilespmem:s28], [sflag:$0x5], $0x2000, $0x38;
	[tilespmem:$0x1E700] =	vst v63  }
0xd8: {  	_ =	swait.ge [sflag:s19], $0x2000  }
0xd9: {  	[sflag:s19] =	ssyncset.done $0x0  }
0xda: {  	[sflag:s19] =	ssyncadd.s32 $0xFFFFE000  }
0xdb: {  	_ =	swait.ge [sflag:s6], $0x2000  }
0xdc: {  	[sflag:s6] =	ssyncset.done $0x0  }
0xdd: {  	s11 =	sadd.s32 $0x400, s3;
	[sflag:s6] =	ssyncadd.s32 $0xFFFFE000  }
0xde: {  	[hbm4b:s11+s7] =	stream.linear.scatter [tilespmem:s29], [sflag:$0x5], $0x2000, $0x38;
	[tilespmem:$0x1E700] =	vst v63  }
0xdf: {  	_ =	swait.ge [sflag:s19], $0x2000  }
0xe0: {  	[sflag:s19] =	ssyncset.done $0x0  }
0xe1: {  	s12 =	rddreg [dreg:$0xb];
	[sflag:s19] =	ssyncadd.s32 $0xFFFFE000  }
0xe2: {  	[tilespmem:s4], [sflag:$0x5] =	stream.linear.gather [hbm4b:s12+s7], $0x8, $0x38;
	[tilespmem:$0x1E700] =	vst v63  }
0xe3: {  	_ =	swait.ge [sflag:s19], $0x8  }
0xe4: {  	[sflag:s19] =	ssyncset.done $0x0  }
0xe5: {  	s16 =	simm.s32 $0x1DE80;
	s15 =	rddreg [dreg:$0xc];
	[sflag:s19] =	ssyncadd.s32 $0xFFFFFFF8  }
0xe6: {  	[tilespmem:s16], [sflag:$0x5] =	stream.linear.gather [hbm4b:s15+s7], $0x8, $0x38;
	[tilespmem:$0x1E700] =	vst v63  }
0xe7: {  	_ =	swait.ge [sflag:s19], $0x8  }
0xe8: {  	[sflag:s19] =	ssyncset.done $0x0  }
0xe9: {  	s8 =	simm.s32 $0x1DF00;
	[sflag:s19] =	ssyncadd.s32 $0xFFFFFFF8  }
0xea: {  	[tilespmem:s8], [sflag:$0x1] =	stream.indirect.gather [hbm4b:s1+s9], $0x80, s4, s9, $0xb8;
	[tilespmem:$0x1E700] =	vst v63  }
0xeb: {  	s11 =	simm.s32 $0x1E300  }
0xec: {  	[tilespmem:s11], [sflag:$0x2] =	stream.indirect.gather [hbm4b:s1+s9], $0x80, s16, s9, $0xb8;
	[tilespmem:$0x1E700] =	vst v63  }
0xed: {  	_ = 	snop  }
0xee: {  	[spmem:s5] =	stream.indirect.scatter.add.f32 [tilespmem:s20], [sflag:$0x5], $0x80, s4, s9, $0xb8;
	[tilespmem:$0x1E700] =	vst v63  }
0xef: {  	_ =	swait.ge [sflag:s19], $0x400  }
0xf0: {  	[sflag:s19] =	ssyncset.done $0x0  }
0xf1: {  	[sflag:s19] =	ssyncadd.s32 $0xFFFFFC00  }
0xf2: {  	_ =	swait.ge [sflag:s30], $0x400  }
0xf3: {  	[sflag:s30] =	ssyncset.done $0x0  }
0xf4: {  	s3 =	rddreg [dreg:$0xd];
	[sflag:s30] =	ssyncadd.s32 $0xFFFFFC00  }
0xf5: {  	[hbm4b:s3+s7] =	stream.linear.scatter [tilespmem:s8], [sflag:$0x5], $0x400, $0x38;
	[tilespmem:$0x1E700] =	vst v63  }
0xf6: {  	_ =	swait.ge [sflag:s19], $0x400  }
0xf7: {  	[sflag:s19] =	ssyncset.done $0x0  }
0xf8: {  	[sflag:s19] =	ssyncadd.s32 $0xFFFFFC00  }
0xf9: {  	_ =	swait.ge [sflag:s31], $0x400  }
0xfa: {  	[sflag:s31] =	ssyncset.done $0x0  }
0xfb: {  	s12 =	rddreg [dreg:$0xe];
	[sflag:s31] =	ssyncadd.s32 $0xFFFFFC00  }
0xfc: {  	[hbm4b:s12+s7] =	stream.linear.scatter [tilespmem:s11], [sflag:$0x5], $0x400, $0x38;
	[tilespmem:$0x1E700] =	vst v63  }
0xfd: {  	_ =	swait.ge [sflag:s19], $0x400  }
0xfe: {  	[sflag:s19] =	ssyncset.done $0x0  }
0xff: {  	[sflag:s19] =	ssyncadd.s32 $0xFFFFFC00  }
0x100: {  	[bflag:$0x0] =	sbarrier.arrive $0xFFFF  }
0x101: {  	s15 =	rddreg [dreg:$0xf]  }
0x102: {  	[hbm:s15], [sflag:s10] =	dma.local [spmem:s14], $0x2780  }
0x103: {  	_ =	swait.ge [sflag:s19], $0x2780  }
0x104: {  	s13 =	sadd.s32 $0x1, s13;
	s16 =	rddreg [dreg:$0x10]  }
0x105: {  	p0 =	sne.s32 s13, s16  }
.Ltmp1:
0x106: {  	_ = 	snop;
	(pc) =	sbr.rel @p0 .LBB2_1-.Ltmp1, $3  }
0x107: {  	_ =	sdelay $0x1  }
0x108: {  	[sflag:s19] =	ssyncset.done $0x0  }
0x109: {  	[sflag:s19] =	ssyncadd.s32 $0xFFFFD880  }
0x10a: {  	_ =	sfence.sel $0x180000  }
0x10b: {  	[bflag:$0x0] =	sbarrier.arrive $0xFFFF  }
0x10c: {  	_ =	strace $0x90000047  }
0x10d: {  	s0 =	stileid.u32;
	[bflag:$0x2] =	sbarrier.arrive $0xFFFF  }
0x10e: {  	p0 =	sne.s32 s0, $0x0;
	s0 =	rddreg [dreg:$0x6]  }
0x10f: {  	s0 =	sadd.s32 @!p0 $0x100000, s0  }
0x110: {  	[sflag:s0] =	ssyncadd.tile.s32 @!p0 $0x1;
	_ =	shalt  }
.Lfunc_end2:
_tile_overlayer_lowered:
.L_overlay_start_2:
0x111: {  	(tag) =	ssettag $0x2  }
0x112: {  	s0 =	rddreg [dreg:$0x0];
	s2 =	stileid.u32  }
0x113: {  	s1 =	rddreg [dreg:$0x1];
	p0 =	sne.s32 s2, $0x0  }
0x114: {  	s3 =	rddreg [dreg:$0x2];
	[bflag:$0x3] =	sbarrier.arrive $0xFFFF;
	s2 =	simm.s32 @!p0 $0x1C05  }
0x115: {  	[timem:s3], [sflag:s2] =	dma.local @!p0 [hbm:s0], s1  }
0x116: {  	s0 =	simm.s32 @!p0 $0x5  }
0x117: {  	_ =	swait.ge @!p0 [sflag:s0], s1  }
0x118: {  	s1 =	ssub.s32 @!p0 $0x0, s1;
	[sflag:s0] =	ssyncset.done @!p0 $0x0  }
0x119: {  	[sflag:s0] =	ssyncadd.s32 @!p0 s1  }
0x11a: {  	[bflag:$0x3] =	sbarrier.arrive $0xFFFF  }
0x11b: {  	_ =	shalt  }

// kernel: kernel.14.cloned.1.call-start
scs
__scs_entry_jumppad:
0x0: {  	(pc) =	sbr.rel $0x88, $3  }
0x1: {  	(tag) =	ssettag $0x0;
	lr =	simm.s32 $0x1  }
0x2: {  	[smem:$0x3F97] =	sst lr;
	_ =	strace $0xD0000000  }
0x3: {  	_ = 	snop  }
0x4: {  	_ = 	snop  }
0x5: {  	_ = 	snop  }
0x6: {  	_ = 	snop  }
0x7: {  	_ = 	snop  }
__scs_overlays_trampoline_lowered:
0x8: {  	[smem:$0x3FA6] =	sst s0  }
0x9: {  	[smem:$0x3FA7] =	sst s1  }
0xa: {  	[smem:$0x3FA8] =	sst s2  }
0xb: {  	[smem:$0x3FA9] =	sst s3  }
0xc: {  	[smem:$0x3FAA] =	sst s4  }
0xd: {  	[smem:$0x3FAB] =	sst s5  }
0xe: {  	[smem:$0x3FAC] =	sst s6  }
0xf: {  	[smem:$0x3FAD] =	sst s7  }
0x10: {  	[smem:$0x3FAE] =	sst s8  }
0x11: {  	[smem:$0x3FAF] =	sst s9;
	s0 =	simm.s32 @!p0 $0x0  }
0x12: {  	s1 =	sld [smem:$0x3F95];
	s0 =	simm.s32 @p0 $0x1  }
0x13: {  	[smem:$0x3FB0] =	sst s0;
	s0 =	simm.s32 @!p1 $0x0  }
0x14: {  	s2 =	sld [smem:$0x3F94];
	s0 =	simm.s32 @p1 $0x1  }
0x15: {  	[smem:$0x3FB1] =	sst s0;
	s0 =	simm.s32 @!p2 $0x0  }
0x16: {  	s3 =	sld [smem:$0x3FDB];
	s0 =	simm.s32 @p2 $0x1  }
0x17: {  	s4 =	simm.s32 $0x1BF5;
	[smem:$0x3FB3] =	sst s0  }
0x18: {  	s0 =	sld [smem:$0x3F96];
	_ =	swait.ge [sflag:s4], $0x0  }
0x19: {  	s7 =	sld [smem:$0x3F97]  }
0x1a: {  	s8 =	sadd.s32 $0xFFFFE003, lr  }
0x1b: {  	s9 =	sadd.s32 $0xFFFFFEF7, lr;
	s5 =	simm.s32 $0xFFFFFFFF;
	p2 =	slt.u32 s8, $0xFFFFF086  }
0x1c: {  	p1 =	slt.u32 s9, $0xF7A;
	s5 =	simm.s32 @!p2 $0x0  }
0x1d: {  	s5 =	simm.s32 @p1 $0x1;
	p0 =	seq.s32 s7, s2  }
0x1e: {  	s7 =	smul.u32 @!p0 $0xF7A, s2;
	p2 =	seq.s32 @!p0 s5, $0x0  }
0x1f: {  	s9 =	smul.u32 $0xF7A, s1;
	s8 =	simm.s32 @!p0 $0x1BF5;
	p2 =	por !p2, p0  }
0x20: {  	[sflag:s8] =	ssyncset.s32 @!p0 $0xFFFFF086;
	s6 =	sadd.s32 @!p0 s3, s7;
	s7 =	simm.s32 @!p0 $0x108  }
0x21: {  	s3 =	sadd.s32 s3, s9;
	s6 =	sadd.s32 @!p0 $0x88, s6;
	s7 =	simm.s32 @p2 $0x1082  }
0x22: {  	[simem:s7], [sflag:s8] =	dma.local @!p0 [hbm:s6], $0xF7A  }
0x23: {  	s9 =	sor.u32 $0xD0000000, s2;
	s6 =	simm.s32 $0x108;
	_ =	swait.ge @!p0 [sflag:s8], $0x0  }
0x24: {  	s3 =	sadd.s32 $0x88, s3;
	s6 =	simm.s32 @!p1 $0x1082;
	[sflag:s4] =	ssyncset.s32 $0xFFFFF086  }
0x25: {  	[simem:s6], [sflag:s4] =	dma.local [hbm:s3], $0xF7A  }
0x26: {  	[smem:$0x3F97] =	sst s1;
	(tag) =	ssettag s2;
	_ =	strace s9  }
0x27: {  	s1 =	sld [smem:$0x3FA7]  }
0x28: {  	s2 =	sld [smem:$0x3FA8]  }
0x29: {  	s4 =	sld [smem:$0x3FAA]  }
0x2a: {  	p0 =	seq.s32 s5, $0x0;
	s5 =	sld [smem:$0x3FAB]  }
0x2b: {  	s6 =	sld [smem:$0x3FAC]  }
0x2c: {  	s7 =	sld [smem:$0x3FAD]  }
0x2d: {  	s3 =	simm.s32 $0x108;
	s8 =	sld [smem:$0x3FAE]  }
0x2e: {  	s3 =	simm.s32 @!p0 $0x1082;
	s9 =	sld [smem:$0x3FAF]  }
0x2f: {  	lr =	sadd.s32 s0, s3;
	s0 =	sld [smem:$0x3FA6]  }
0x30: {  	s3 =	sld [smem:$0x3FA9]  }
0x31: {  	[smem:$0x3FB2] =	sst s10  }
0x32: {  	s10 =	sld [smem:$0x3FB0];
	_ =	sdelay $0x3  }
0x33: {  	p0 =	seq.s32 s10, $0x1;
	s10 =	sld [smem:$0x3FB2];
	_ =	sdelay $0x3  }
0x34: {  	[smem:$0x3FB2] =	sst s10  }
0x35: {  	s10 =	sld [smem:$0x3FB1];
	_ =	sdelay $0x3  }
0x36: {  	p1 =	seq.s32 s10, $0x1;
	s10 =	sld [smem:$0x3FB2];
	_ =	sdelay $0x3  }
0x37: {  	[smem:$0x3FB2] =	sst s10  }
0x38: {  	s10 =	sld [smem:$0x3FB3]  }
0x39: {  	_ = 	snop;
	(pc) =	sbr.ind lr, $3  }
0x3a: {  	_ = 	snop  }
0x3b: {  	_ = 	snop  }
0x3c: {  	p2 =	seq.s32 s10, $0x1;
	s10 =	sld [smem:$0x3FB2]  }
0x3d: {  	_ =	shalt  }
0x3e: {  	_ =	shalt  }
0x3f: {  	_ =	shalt  }
0x40: {  	_ =	shalt  }
0x41: {  	_ =	shalt  }
0x42: {  	_ =	shalt  }
0x43: {  	_ =	shalt  }
0x44: {  	_ =	shalt  }
0x45: {  	_ =	shalt  }
0x46: {  	_ =	shalt  }
0x47: {  	_ =	shalt  }
0x48: {  	_ =	shalt  }
0x49: {  	_ =	shalt  }
0x4a: {  	_ =	shalt  }
0x4b: {  	_ =	shalt  }
0x4c: {  	_ =	shalt  }
0x4d: {  	_ =	shalt  }
0x4e: {  	_ =	shalt  }
0x4f: {  	_ =	shalt  }
0x50: {  	_ =	shalt  }
0x51: {  	_ =	shalt  }
0x52: {  	_ =	shalt  }
0x53: {  	_ =	shalt  }
0x54: {  	_ =	shalt  }
0x55: {  	_ =	shalt  }
0x56: {  	_ =	shalt  }
0x57: {  	_ =	shalt  }
0x58: {  	_ =	shalt  }
0x59: {  	_ =	shalt  }
0x5a: {  	_ =	shalt  }
0x5b: {  	_ =	shalt  }
0x5c: {  	_ =	shalt  }
0x5d: {  	_ =	shalt  }
0x5e: {  	_ =	shalt  }
0x5f: {  	_ =	shalt  }
0x60: {  	_ =	shalt  }
0x61: {  	_ =	shalt  }
0x62: {  	_ =	shalt  }
0x63: {  	_ =	shalt  }
0x64: {  	_ =	shalt  }
0x65: {  	_ =	shalt  }
0x66: {  	_ =	shalt  }
0x67: {  	_ =	shalt  }
0x68: {  	_ =	shalt  }
0x69: {  	_ =	shalt  }
0x6a: {  	_ =	shalt  }
0x6b: {  	_ =	shalt  }
0x6c: {  	_ =	shalt  }
0x6d: {  	_ =	shalt  }
0x6e: {  	_ =	shalt  }
0x6f: {  	_ =	shalt  }
0x70: {  	_ =	shalt  }
0x71: {  	_ =	shalt  }
0x72: {  	_ =	shalt  }
0x73: {  	_ =	shalt  }
0x74: {  	_ =	shalt  }
0x75: {  	_ =	shalt  }
0x76: {  	_ =	shalt  }
0x77: {  	_ =	shalt  }
0x78: {  	_ =	shalt  }
0x79: {  	_ =	shalt  }
0x7a: {  	_ =	shalt  }
0x7b: {  	_ =	shalt  }
0x7c: {  	_ =	shalt  }
0x7d: {  	_ =	shalt  }
0x7e: {  	_ =	shalt  }
0x7f: {  	_ =	shalt  }
0x80: {  	_ =	shalt  }
0x81: {  	_ =	shalt  }
0x82: {  	_ =	shalt  }
0x83: {  	_ =	shalt  }
0x84: {  	_ =	shalt  }
0x85: {  	_ =	shalt  }
0x86: {  	_ =	shalt  }
0x87: {  	_ =	shalt  }
.Lfunc_end0:
.L_simem_size_0:
called_computation.1_lowered:
.L_overlay_start_0:
0x88: {  	s2 =	sld [smem:$0x3FD9]  }
0x89: {  	s3 =	sld [smem:$0x3FFE];
	_ =	sdelay $0x1  }
0x8a: {  	s1 =	srdreg.scid  }
0x8b: {  	s0 =	sand.u32 $0x1, s1  }
0x8c: {  	s17 =	sshll.u32 s0, $0xA;
	s2 =	sadd.s32 s3, s2  }
0x8d: {  	s2 =	sadd.s32 s2, s17  }
0x8e: {  	[smem:$0x3FBE] =	sst s2  }
0x8f: {  	_ = 	snop  }
0x90: {  	s2 =	sld [smem:$0x3FC9]  }
0x91: {  	s18 =	sld [smem:$0x3FC8]  }
0x92: {  	s4 =	sld [smem:$0x3FC7]  }
0x93: {  	s5 =	sld [smem:$0x3FD0];
	(tm) =	ssettm $0x1  }
0x94: {  	s6 =	sld [smem:$0x3FFB];
	_ =	sdelay $0x3  }
0x95: {  	_ =	strace s6  }
0x96: {  	s6 =	sld [smem:$0x3FFC];
	_ =	sdelay $0x3  }
0x97: {  	_ =	strace s6  }
0x98: {  	s6 =	sld [smem:$0x3FFD];
	_ =	sdelay $0x3  }
0x99: {  	_ =	strace s6  }
0x9a: {  	_ =	strace $0x8FFFFFFF  }
0x9b: {  	s19 =	sld [smem:$0x3FDB];
	_ =	sdelay $0x1  }
0x9c: {  	s7 =	simm.s32 $_scs_section_size  }
0x9d: {  	s8 =	simm.s32 $_size__tile_overlayer_lowered;
	s9 =	simm.s32 $_tile_overlayer_lowered  }
0x9e: {  	s22 =	simm.s32 $0x1BFF;
	s21 =	sshll.u32 s9, $0x1;
	s6 =	sadd.s32 s7, s19  }
0x9f: {  	s10 =	simm.s32 $0x0;
	s20 =	sshll.u32 s8, $0x1;
	s8 =	sadd.s32 s21, s6  }
0xa0: {  	[timem:s10], [sflag:s22] =	dma.local [hbm:s8], s20  }
0xa1: {  	_ =	swait.ge [sflag:s22], s20  }
0xa2: {  	s7 =	ssub.s32 $0x0, s20;
	[sflag:s22] =	ssyncset.done $0x0  }
0xa3: {  	[sflag:s22] =	ssyncadd.s32 s7;
	_ =	sdelay $0x1  }
0xa4: {  	s23 =	simm.s32 $0x1B8B  }
0xa5: {  	_ =	swait.ge [sflag:s23], $0x1  }
0xa6: {  	[sflag:s23] =	ssyncset.done $0x0  }
0xa7: {  	s25 =	simm.s32 $0x1B8E;
	s24 =	sld [smem:$0x3FFE];
	[sflag:s23] =	ssyncadd.s32 $0xFFFFFFFF  }
0xa8: {  	s26 =	simm.s32 $execute0_lowered;
	[smem:$0x3FD2] =	sst s25  }
0xa9: {  	s8 =	sshll.u32 s26, $0x1;
	_ =	strace $0x80000049;
	[dreg:$0x1] =	wrdreg $0xFFFFFFFF  }
0xaa: {  	s28 =	simm.s32 $_size_execute0_lowered;
	s6 =	sadd.s32 s6, s8;
	[dreg:$0x0] =	wrdreg $0x0  }
0xab: {  	s8 =	sshll.u32 s28, $0x1;
	[dreg:$0x2] =	wrdreg s6  }
0xac: {  	[dreg:$0x3] =	wrdreg s8  }
0xad: {  	[dreg:$0x4] =	wrdreg $0xC0  }
0xae: {  	_ =	task [dreg:s10], $0x5FFFF  }
0xaf: {  	[dreg:$0x1] =	wrdreg $0xFFFFFFFF  }
0xb0: {  	[dreg:$0x0] =	wrdreg $0x60  }
0xb1: {  	[dreg:$0x2] =	wrdreg s2  }
0xb2: {  	[dreg:$0x3] =	wrdreg s18  }
0xb3: {  	[dreg:$0x4] =	wrdreg s4  }
0xb4: {  	[dreg:$0x5] =	wrdreg s24  }
0xb5: {  	[dreg:$0x6] =	wrdreg s5  }
0xb6: {  	[dreg:$0x7] =	wrdreg $0xA2000  }
0xb7: {  	[dreg:$0x8] =	wrdreg $0x9  }
0xb8: {  	_ =	task.clear_ibuf [dreg:s10], $0x9FFFF;
	_ =	strace $0x90000049  }
0xb9: {  	s29 =	simm.s32 $0x9;
	_ =	strace $0x8000004B  }
0xba: {  	_ =	swait.ge [sflag:s29], $0x1  }
0xbb: {  	[sflag:s29] =	ssyncadd.s32 $0xFFFFFFFF  }
0xbc: {  	_ =	strace $0x9000004B  }
0xbd: {  	_ =	sfence  }
0xbe: {  	s30 =	sld [smem:$0x0];
	_ =	sdelay $0x2  }
0xbf: {  	s31 =	sshll.u32 s1, $0xD;
	s1 =	sshrl.u32 s1, $0x2  }
0xc0: {  	s3 =	sand.u32 $0x4000, s31;
	s1 =	sadd.s32 s1, s30  }
0xc1: {  	s0 =	sor.u32 s3, s0;
	s1 =	sshll.u32 s1, $0x11  }
0xc2: {  	s0 =	sor.u32 s1, s0  }
0xc3: {  	s0 =	sadd.s32 $0x8F2B, s0  }
0xc4: {  	[sflag:s0] =	ssyncadd.remote.s32 $0x1  }
0xc5: {  	_ =	sfence.sel $0xFFFF  }
0xc6: {  	[dreg:$0x0] =	wrdreg $0xFFFFFFFF;
	(pc) =	sbr.abs _section_cstart, $3  }
0xc7: {  	[dreg:$0x1] =	wrdreg $0xFFFFFFFF  }
0xc8: {  	_ =	task.clear_ibuf [dreg:s10], $0x2FFFF;
	_ =	strace $0x9FFFFFFF  }
0xc9: {  	(tm) =	ssettm $0x7FFFFFFF  }
tec
execute0_lowered:
.L_overlay_start_1:
0x0: {  	(tag) =	ssettag $0x1  }
0x1: {  	s0 =	rddreg [dreg:$0x0]  }
0x2: {  	s2 =	rddreg [dreg:$0x1]  }
0x3: {  	s8 =	rddreg [dreg:$0x2]  }
0x4: {  	s1 =	rddreg [dreg:$0x3]  }
0x5: {  	s5 =	rddreg [dreg:$0x5];
	s3 =	srdreg.scid  }
0x6: {  	s7 =	simm.s32 $0x0;
	s15 =	stileid.u32;
	s28 =	simm.s32 $0x4200  }
0x7: {  	s29 =	simm.s32 $0x6200;
	s30 =	simm.s32 $0x1;
	s6 =	smul.u32 $0x13C00, s15  }
0x8: {  	s31 =	simm.s32 $0x2;
	s3 =	sand.u32 $0x1, s3;
	s10 =	smul.u32 $0x4F000, s15  }
0x9: {  	[smem:$0x7FF] =	sst s7;
	s9 =	sadd.s32 $0x584C00, s1;
	s16 =	smul.u32 $0x27100, s15  }
0xa: {  	s11 =	sadd.s32 $0x7F5C00, s1;
	s24 =	sshll.u32 s15, $0x1;
	s18 =	smul.u32 $0x2710, s15  }
0xb: {  	s4 =	smul.u32 $0x13C000, s3;
	_ =	strace $0x8000004A;
	s25 =	ssub.s32 $0x2, s3  }
0xc: {  	s12 =	sshrl.u32 s25, $0x1;
	s10 =	sshrl.u32 s10, $0x2;
	s22 =	sadd.s32 s16, s9  }
0xd: {  	s23 =	sadd.s32 s16, s11;
	s4 =	sadd.s32 s6, s4;
	s6 =	sor.u32 s3, s24  }
0xe: {  	s10 =	sadd.s32 s10, s5;
	s4 =	sshrl.u32 s4, $0x3;
	s13 =	smul.u32 $0x1388, s6  }
0xf: {  	[dreg:$0x9] =	wrdreg s10;
	s6 =	smul.u32 $0x9C400, s6;
	s1 =	sadd.s32 s4, s1  }
0x10: {  	s4 =	ssub.s32 s25, s12;
	s12 =	sshll.u32 s15, $0x6;
	s26 =	sadd.s32 $0x535C00, s1  }
0x11: {  	s14 =	sshrl.u32 s13, $0x3;
	s10 =	sor.u32 $0x1C05, s12;
	s6 =	sshrl.u32 s6, $0x3  }
0x12: {  	s1 =	sadd.s32 $0xA66C00, s1;
	s21 =	smax.u32 s4, $0x1;
	s4 =	simm.s32 $0x1DE00  }
0x13: {  	s13 =	simm.s32 $0x0;
	[dreg:$0xa] =	wrdreg s26;
	s12 =	sadd.s32 $0x5090, s14  }
0x14: {  	s14 =	smul.u32 $0x13880, s3;
	s6 =	sadd.s32 $0x13800, s6;
	[dreg:$0xf] =	wrdreg s1  }
0x15: {  	s3 =	smul.u32 $0x1388, s3;
	[dreg:$0x10] =	wrdreg s21;
	s2 =	sadd.s32 s2, s12  }
0x16: {  	s21 =	simm.s32 $0x80;
	s17 =	sadd.s32 s8, s12;
	[dreg:$0xb] =	wrdreg s2  }
0x17: {  	s19 =	sadd.s32 s9, s6;
	s20 =	sadd.s32 s11, s6;
	[dreg:$0xc] =	wrdreg s17  }
0x18: {  	s6 =	simm.s32 $0x4;
	s9 =	simm.s32 $0x8;
	[dreg:$0xd] =	wrdreg s19  }
0x19: {  	[dreg:$0xe] =	wrdreg s20;
	s1 =	sadd.s32 s14, s22;
	s3 =	sadd.s32 s3, s18  }
0x1a: {  	s24 =	sadd.s32 s14, s23;
	s19 =	simm.s32 $0x5;
	s20 =	simm.s32 $0x8200  }
0x1b: {  	s22 =	simm.s32 $0x40;
	s23 =	simm.s32 $0x100;
	[dreg:$0x7] =	wrdreg s1  }
0x1c: {  	s25 =	sadd.s32 $0x27140, s3;
	[dreg:$0x8] =	wrdreg s24;
	s26 =	sadd.s32 $0x27100, s3  }
0x1d: {  	s24 =	simm.s32 $0x2100;
	s1 =	simm.s32 $0x3;
	s17 =	sshrl.u32 s25, $0x3  }
0x1e: {  	s18 =	sshrl.u32 s26, $0x3;
	s25 =	simm.s32 $0x4100;
	s26 =	simm.s32 $0x4180  }
.LBB2_1:
0x1f: {  	s2 =	rddreg [dreg:$0x9]  }
0x20: {  	s12 =	rddreg [dreg:$0xa];
	s14 =	sshrl.u32 s2, $0x3  }
0x21: {  	[spmem:s14], [sflag:s10] =	dma.local [hbm:s12], $0x2780  }
0x22: {  	_ =	swait.ge [sflag:s19], $0x2780  }
0x23: {  	[sflag:s19] =	ssyncset.done $0x0  }
0x24: {  	[sflag:s19] =	ssyncadd.s32 $0xFFFFD880  }
0x25: {  	s15 =	rddreg [dreg:$0x4]  }
0x26: {  	[tilespmem:s20], [sflag:$0x5] =	stream.linear.gather [hbm4b:s15+s7], $0x2000, $0x38;
	[tilespmem:$0x1E700] =	vst v63  }
0x27: {  	_ =	swait.ge [sflag:s19], $0x2000  }
0x28: {  	[sflag:s19] =	ssyncset.done $0x0  }
0x29: {  	[sflag:s19] =	ssyncadd.s32 $0xFFFFE000  }
0x2a: {  	[bflag:$0x0] =	sbarrier.arrive $0xFFFF  }
0x2b: {  	s2 =	rddreg [dreg:$0x1]  }
0x2c: {  	s3 =	sadd.s32 s2, s18  }
0x2d: {  	[tilespmem:s7], [sflag:$0x5] =	stream.linear.gather [hbm4b:s3+s7], $0x40, $0x38;
	[tilespmem:$0x1E700] =	vst v63  }
0x2e: {  	_ =	swait.ge [sflag:s19], $0x40  }
0x2f: {  	[sflag:s19] =	ssyncset.done $0x0  }
0x30: {  	[sflag:s19] =	ssyncadd.s32 $0xFFFFFFC0  }
0x31: {  	s8 =	rddreg [dreg:$0x2]  }
0x32: {  	s16 =	sadd.s32 s8, s18  }
0x33: {  	[tilespmem:s21], [sflag:$0x5] =	stream.linear.gather [hbm4b:s16+s7], $0x40, $0x38;
	[tilespmem:$0x1E700] =	vst v63  }
0x34: {  	_ =	swait.ge [sflag:s19], $0x40  }
0x35: {  	[sflag:s19] =	ssyncset.done $0x0  }
0x36: {  	[sflag:s19] =	ssyncadd.s32 $0xFFFFFFC0  }
0x37: {  	[tilespmem:s23], [sflag:$0x1] =	stream.indirect.gather [hbm4b:s0+s22], $0x80, s7, s22, $0xb8;
	[tilespmem:$0x1E700] =	vst v63  }
0x38: {  	_ = 	snop  }
0x39: {  	[tilespmem:s24], [sflag:$0x2] =	stream.indirect.gather [hbm4b:s0+s22], $0x80, s21, s22, $0xb8;
	[tilespmem:$0x1E700] =	vst v63  }
0x3a: {  	_ = 	snop  }
0x3b: {  	[spmem:s5] =	stream.indirect.scatter.add.f32 [tilespmem:s20], [sflag:$0x5], $0x80, s7, s22, $0xb8;
	[tilespmem:$0x1E700] =	vst v63  }
0x3c: {  	_ =	swait.ge [sflag:s19], $0x2000  }
0x3d: {  	[sflag:s19] =	ssyncset.done $0x0  }
0x3e: {  	s11 =	sadd.s32 s2, s17;
	[sflag:s19] =	ssyncadd.s32 $0xFFFFE000  }
0x3f: {  	[tilespmem:s25], [sflag:$0x5] =	stream.linear.gather [hbm4b:s11+s7], $0x40, $0x38;
	[tilespmem:$0x1E700] =	vst v63  }
0x40: {  	_ =	swait.ge [sflag:s19], $0x40  }
0x41: {  	[sflag:s19] =	ssyncset.done $0x0  }
0x42: {  	s12 =	sadd.s32 s8, s17;
	[sflag:s19] =	ssyncadd.s32 $0xFFFFFFC0  }
0x43: {  	[tilespmem:s26], [sflag:$0x5] =	stream.linear.gather [hbm4b:s12+s7], $0x40, $0x38;
	[tilespmem:$0x1E700] =	vst v63  }
0x44: {  	_ =	swait.ge [sflag:s19], $0x40  }
0x45: {  	[sflag:s19] =	ssyncset.done $0x0  }
0x46: {  	[sflag:s19] =	ssyncadd.s32 $0xFFFFFFC0  }
0x47: {  	[tilespmem:s28], [sflag:$0x3] =	stream.indirect.gather [hbm4b:s0+s22], $0x80, s25, s22, $0xb8;
	[tilespmem:$0x1E700] =	vst v63  }
0x48: {  	_ = 	snop  }
0x49: {  	[tilespmem:s29], [sflag:$0x4] =	stream.indirect.gather [hbm4b:s0+s22], $0x80, s26, s22, $0xb8;
	[tilespmem:$0x1E700] =	vst v63  }
0x4a: {  	_ = 	snop  }
0x4b: {  	[spmem:s5] =	stream.indirect.scatter.add.f32 [tilespmem:s20], [sflag:$0x5], $0x80, s25, s22, $0xb8;
	[tilespmem:$0x1E700] =	vst v63  }
0x4c: {  	_ =	swait.ge [sflag:s19], $0x2000  }
0x4d: {  	[sflag:s19] =	ssyncset.done $0x0  }
0x4e: {  	[sflag:s19] =	ssyncadd.s32 $0xFFFFE000  }
0x4f: {  	_ =	swait.ge [sflag:s30], $0x2000  }
0x50: {  	s15 =	rddreg [dreg:$0x7];
	[sflag:s30] =	ssyncset.done $0x0  }
0x51: {  	[sflag:s30] =	ssyncadd.s32 $0xFFFFE000;
	s3 =	sadd.s32 $0x0, s15  }
0x52: {  	[hbm4b:s3+s7] =	stream.linear.scatter [tilespmem:s23], [sflag:$0x5], $0x2000, $0x38;
	[tilespmem:$0x1E700] =	vst v63  }
0x53: {  	_ =	swait.ge [sflag:s19], $0x2000  }
0x54: {  	[sflag:s19] =	ssyncset.done $0x0  }
0x55: {  	[sflag:s19] =	ssyncadd.s32 $0xFFFFE000  }
0x56: {  	_ =	swait.ge [sflag:s31], $0x2000  }
0x57: {  	s11 =	rddreg [dreg:$0x8];
	[sflag:s31] =	ssyncset.done $0x0  }
0x58: {  	[sflag:s31] =	ssyncadd.s32 $0xFFFFE000;
	s11 =	sadd.s32 $0x0, s11  }
0x59: {  	[hbm4b:s11+s7] =	stream.linear.scatter [tilespmem:s24], [sflag:$0x5], $0x2000, $0x38;
	[tilespmem:$0x1E700] =	vst v63  }
0x5a: {  	_ =	swait.ge [sflag:s19], $0x2000  }
0x5b: {  	[sflag:s19] =	ssyncset.done $0x0  }
0x5c: {  	[sflag:s19] =	ssyncadd.s32 $0xFFFFE000  }
0x5d: {  	_ =	swait.ge [sflag:s1], $0x2000  }
0x5e: {  	[sflag:s1] =	ssyncset.done $0x0  }
0x5f: {  	s3 =	sadd.s32 $0x400, s3;
	[sflag:s1] =	ssyncadd.s32 $0xFFFFE000  }
0x60: {  	[hbm4b:s3+s7] =	stream.linear.scatter [tilespmem:s28], [sflag:$0x5], $0x2000, $0x38;
	[tilespmem:$0x1E700] =	vst v63  }
0x61: {  	_ =	swait.ge [sflag:s19], $0x2000  }
0x62: {  	[sflag:s19] =	ssyncset.done $0x0  }
0x63: {  	[sflag:s19] =	ssyncadd.s32 $0xFFFFE000  }
0x64: {  	_ =	swait.ge [sflag:s6], $0x2000  }
0x65: {  	[sflag:s6] =	ssyncset.done $0x0  }
0x66: {  	s16 =	sadd.s32 $0x400, s11;
	[sflag:s6] =	ssyncadd.s32 $0xFFFFE000  }
0x67: {  	[hbm4b:s16+s7] =	stream.linear.scatter [tilespmem:s29], [sflag:$0x5], $0x2000, $0x38;
	[tilespmem:$0x1E700] =	vst v63  }
0x68: {  	s15 =	simm.s32 $0x800;
	s11 =	simm.s32 $0x1000;
	_ =	swait.ge [sflag:s19], $0x2000  }
0x69: {  	s3 =	smov.u32 s8;
	s16 =	sadd.s32 $0x10, s2;
	[sflag:s19] =	ssyncset.done $0x0  }
.LBB2_2:
0x6a: {  	s2 =	sadd.s32 s16, s18;
	[sflag:s19] =	ssyncadd.s32 $0xFFFFE000  }
0x6b: {  	[tilespmem:s7], [sflag:$0x5] =	stream.linear.gather [hbm4b:s2+s7], $0x40, $0x38;
	[tilespmem:$0x1E700] =	vst v63  }
0x6c: {  	_ =	swait.ge [sflag:s19], $0x40  }
0x6d: {  	s3 =	sadd.s32 $0x10, s3;
	[sflag:s19] =	ssyncset.done $0x0  }
0x6e: {  	s8 =	sadd.s32 s3, s18;
	[sflag:s19] =	ssyncadd.s32 $0xFFFFFFC0  }
0x6f: {  	[tilespmem:s21], [sflag:$0x5] =	stream.linear.gather [hbm4b:s8+s7], $0x40, $0x38;
	[tilespmem:$0x1E700] =	vst v63  }
0x70: {  	_ =	swait.ge [sflag:s19], $0x40  }
0x71: {  	[sflag:s19] =	ssyncset.done $0x0  }
0x72: {  	[sflag:s19] =	ssyncadd.s32 $0xFFFFFFC0  }
0x73: {  	[tilespmem:s23], [sflag:$0x1] =	stream.indirect.gather [hbm4b:s0+s22], $0x80, s7, s22, $0xb8;
	[tilespmem:$0x1E700] =	vst v63  }
0x74: {  	_ = 	snop  }
0x75: {  	[tilespmem:s24], [sflag:$0x2] =	stream.indirect.gather [hbm4b:s0+s22], $0x80, s21, s22, $0xb8;
	[tilespmem:$0x1E700] =	vst v63  }
0x76: {  	_ = 	snop  }
0x77: {  	[spmem:s5] =	stream.indirect.scatter.add.f32 [tilespmem:s20], [sflag:$0x5], $0x80, s7, s22, $0xb8;
	[tilespmem:$0x1E700] =	vst v63  }
0x78: {  	_ =	swait.ge [sflag:s19], $0x2000  }
0x79: {  	[sflag:s19] =	ssyncset.done $0x0  }
0x7a: {  	s8 =	sadd.s32 s16, s17;
	[sflag:s19] =	ssyncadd.s32 $0xFFFFE000  }
0x7b: {  	[tilespmem:s25], [sflag:$0x5] =	stream.linear.gather [hbm4b:s8+s7], $0x40, $0x38;
	[tilespmem:$0x1E700] =	vst v63  }
0x7c: {  	_ =	swait.ge [sflag:s19], $0x40  }
0x7d: {  	[sflag:s19] =	ssyncset.done $0x0  }
0x7e: {  	s8 =	sadd.s32 s3, s17;
	[sflag:s19] =	ssyncadd.s32 $0xFFFFFFC0  }
0x7f: {  	[tilespmem:s26], [sflag:$0x5] =	stream.linear.gather [hbm4b:s8+s7], $0x40, $0x38;
	[tilespmem:$0x1E700] =	vst v63  }
0x80: {  	_ =	swait.ge [sflag:s19], $0x40  }
0x81: {  	[sflag:s19] =	ssyncset.done $0x0  }
0x82: {  	[sflag:s19] =	ssyncadd.s32 $0xFFFFFFC0  }
0x83: {  	[tilespmem:s28], [sflag:$0x3] =	stream.indirect.gather [hbm4b:s0+s22], $0x80, s25, s22, $0xb8;
	[tilespmem:$0x1E700] =	vst v63  }
0x84: {  	_ = 	snop  }
0x85: {  	[tilespmem:s29], [sflag:$0x4] =	stream.indirect.gather [hbm4b:s0+s22], $0x80, s26, s22, $0xb8;
	[tilespmem:$0x1E700] =	vst v63  }
0x86: {  	_ = 	snop  }
0x87: {  	[spmem:s5] =	stream.indirect.scatter.add.f32 [tilespmem:s20], [sflag:$0x5], $0x80, s25, s22, $0xb8;
	[tilespmem:$0x1E700] =	vst v63  }
0x88: {  	_ =	swait.ge [sflag:s19], $0x2000  }
0x89: {  	[sflag:s19] =	ssyncset.done $0x0  }
0x8a: {  	[sflag:s19] =	ssyncadd.s32 $0xFFFFE000  }
0x8b: {  	_ =	swait.ge [sflag:s30], $0x2000  }
0x8c: {  	s8 =	rddreg [dreg:$0x7];
	[sflag:s30] =	ssyncset.done $0x0  }
0x8d: {  	[sflag:s30] =	ssyncadd.s32 $0xFFFFE000;
	s2 =	sadd.s32 s15, s8  }
0x8e: {  	[hbm4b:s2+s7] =	stream.linear.scatter [tilespmem:s23], [sflag:$0x5], $0x2000, $0x38;
	[tilespmem:$0x1E700] =	vst v63  }
0x8f: {  	_ =	swait.ge [sflag:s19], $0x2000  }
0x90: {  	[sflag:s19] =	ssyncset.done $0x0  }
0x91: {  	[sflag:s19] =	ssyncadd.s32 $0xFFFFE000  }
0x92: {  	_ =	swait.ge [sflag:s31], $0x2000  }
0x93: {  	s8 =	rddreg [dreg:$0x8];
	[sflag:s31] =	ssyncset.done $0x0  }
0x94: {  	[sflag:s31] =	ssyncadd.s32 $0xFFFFE000;
	s8 =	sadd.s32 s15, s8  }
0x95: {  	[hbm4b:s8+s7] =	stream.linear.scatter [tilespmem:s24], [sflag:$0x5], $0x2000, $0x38;
	[tilespmem:$0x1E700] =	vst v63  }
0x96: {  	_ =	swait.ge [sflag:s19], $0x2000  }
0x97: {  	[sflag:s19] =	ssyncset.done $0x0  }
0x98: {  	[sflag:s19] =	ssyncadd.s32 $0xFFFFE000  }
0x99: {  	_ =	swait.ge [sflag:s1], $0x2000  }
0x9a: {  	[sflag:s1] =	ssyncset.done $0x0  }
0x9b: {  	s2 =	sadd.s32 $0x400, s2;
	[sflag:s1] =	ssyncadd.s32 $0xFFFFE000  }
0x9c: {  	[hbm4b:s2+s7] =	stream.linear.scatter [tilespmem:s28], [sflag:$0x5], $0x2000, $0x38;
	[tilespmem:$0x1E700] =	vst v63  }
0x9d: {  	_ =	swait.ge [sflag:s19], $0x2000  }
0x9e: {  	[sflag:s19] =	ssyncset.done $0x0  }
0x9f: {  	[sflag:s19] =	ssyncadd.s32 $0xFFFFE000  }
0xa0: {  	p0 =	sne.s32 s11, $0x13000;
	_ =	swait.ge [sflag:s6], $0x2000  }
.Ltmp0:
0xa1: {  	s12 =	smov.u32 s11;
	[sflag:s6] =	ssyncset.done $0x0;
	(pc) =	sbr.rel @p0 .LBB2_2-.Ltmp0, $4  }
0xa2: {  	s15 =	smov.u32 s12;
	s12 =	sadd.s32 $0x400, s8;
	[sflag:s6] =	ssyncadd.s32 $0xFFFFE000  }
0xa3: {  	[hbm4b:s12+s7] =	stream.linear.scatter [tilespmem:s29], [sflag:$0x5], $0x2000, $0x38;
	[tilespmem:$0x1E700] =	vst v63  }
0xa4: {  	_ =	swait.ge [sflag:s19], $0x2000  }
0xa5: {  	s11 =	sadd.s32 $0x800, s11;
	s16 =	sadd.s32 $0x10, s16;
	[sflag:s19] =	ssyncset.done $0x0  }
0xa6: {  	s2 =	sadd.s32 s16, s18;
	[sflag:s19] =	ssyncadd.s32 $0xFFFFE000  }
0xa7: {  	[tilespmem:s7], [sflag:$0x5] =	stream.linear.gather [hbm4b:s2+s7], $0x40, $0x38;
	[tilespmem:$0x1E700] =	vst v63  }
0xa8: {  	_ =	swait.ge [sflag:s19], $0x40  }
0xa9: {  	s12 =	sadd.s32 $0x10, s3;
	[sflag:s19] =	ssyncset.done $0x0  }
0xaa: {  	s3 =	sadd.s32 s12, s18;
	[sflag:s19] =	ssyncadd.s32 $0xFFFFFFC0  }
0xab: {  	[tilespmem:s21], [sflag:$0x5] =	stream.linear.gather [hbm4b:s3+s7], $0x40, $0x38;
	[tilespmem:$0x1E700] =	vst v63  }
0xac: {  	_ =	swait.ge [sflag:s19], $0x40  }
0xad: {  	[sflag:s19] =	ssyncset.done $0x0  }
0xae: {  	[sflag:s19] =	ssyncadd.s32 $0xFFFFFFC0  }
0xaf: {  	[tilespmem:s23], [sflag:$0x1] =	stream.indirect.gather [hbm4b:s0+s22], $0x80, s7, s22, $0xb8;
	[tilespmem:$0x1E700] =	vst v63  }
0xb0: {  	_ = 	snop  }
0xb1: {  	[tilespmem:s24], [sflag:$0x2] =	stream.indirect.gather [hbm4b:s0+s22], $0x80, s21, s22, $0xb8;
	[tilespmem:$0x1E700] =	vst v63  }
0xb2: {  	_ = 	snop  }
0xb3: {  	[spmem:s5] =	stream.indirect.scatter.add.f32 [tilespmem:s20], [sflag:$0x5], $0x80, s7, s22, $0xb8;
	[tilespmem:$0x1E700] =	vst v63  }
0xb4: {  	_ =	swait.ge [sflag:s19], $0x2000  }
0xb5: {  	[sflag:s19] =	ssyncset.done $0x0  }
0xb6: {  	s16 =	sadd.s32 s16, s17;
	[sflag:s19] =	ssyncadd.s32 $0xFFFFE000  }
0xb7: {  	[tilespmem:s25], [sflag:$0x5] =	stream.linear.gather [hbm4b:s16+s7], $0x40, $0x38;
	[tilespmem:$0x1E700] =	vst v63  }
0xb8: {  	_ =	swait.ge [sflag:s19], $0x40  }
0xb9: {  	[sflag:s19] =	ssyncset.done $0x0  }
0xba: {  	s2 =	sadd.s32 s12, s17;
	[sflag:s19] =	ssyncadd.s32 $0xFFFFFFC0  }
0xbb: {  	[tilespmem:s26], [sflag:$0x5] =	stream.linear.gather [hbm4b:s2+s7], $0x40, $0x38;
	[tilespmem:$0x1E700] =	vst v63  }
0xbc: {  	_ =	swait.ge [sflag:s19], $0x40  }
0xbd: {  	[sflag:s19] =	ssyncset.done $0x0  }
0xbe: {  	[sflag:s19] =	ssyncadd.s32 $0xFFFFFFC0  }
0xbf: {  	[tilespmem:s28], [sflag:$0x3] =	stream.indirect.gather [hbm4b:s0+s22], $0x80, s25, s22, $0xb8;
	[tilespmem:$0x1E700] =	vst v63  }
0xc0: {  	_ = 	snop  }
0xc1: {  	[tilespmem:s29], [sflag:$0x4] =	stream.indirect.gather [hbm4b:s0+s22], $0x80, s26, s22, $0xb8;
	[tilespmem:$0x1E700] =	vst v63  }
0xc2: {  	_ = 	snop  }
0xc3: {  	[spmem:s5] =	stream.indirect.scatter.add.f32 [tilespmem:s20], [sflag:$0x5], $0x80, s25, s22, $0xb8;
	[tilespmem:$0x1E700] =	vst v63  }
0xc4: {  	_ =	swait.ge [sflag:s19], $0x2000  }
0xc5: {  	[sflag:s19] =	ssyncset.done $0x0  }
0xc6: {  	[sflag:s19] =	ssyncadd.s32 $0xFFFFE000  }
0xc7: {  	_ =	swait.ge [sflag:s30], $0x2000  }
0xc8: {  	s3 =	rddreg [dreg:$0x7];
	[sflag:s30] =	ssyncset.done $0x0  }
0xc9: {  	[sflag:s30] =	ssyncadd.s32 $0xFFFFE000;
	s2 =	sadd.s32 s15, s3  }
0xca: {  	[hbm4b:s2+s7] =	stream.linear.scatter [tilespmem:s23], [sflag:$0x5], $0x2000, $0x38;
	[tilespmem:$0x1E700] =	vst v63  }
0xcb: {  	_ =	swait.ge [sflag:s19], $0x2000  }
0xcc: {  	[sflag:s19] =	ssyncset.done $0x0  }
0xcd: {  	[sflag:s19] =	ssyncadd.s32 $0xFFFFE000  }
0xce: {  	_ =	swait.ge [sflag:s31], $0x2000  }
0xcf: {  	s8 =	rddreg [dreg:$0x8];
	[sflag:s31] =	ssyncset.done $0x0  }
0xd0: {  	s3 =	sadd.s32 s15, s8;
	[sflag:s31] =	ssyncadd.s32 $0xFFFFE000  }
0xd1: {  	[hbm4b:s3+s7] =	stream.linear.scatter [tilespmem:s24], [sflag:$0x5], $0x2000, $0x38;
	[tilespmem:$0x1E700] =	vst v63  }
0xd2: {  	_ =	swait.ge [sflag:s19], $0x2000  }
0xd3: {  	[sflag:s19] =	ssyncset.done $0x0  }
0xd4: {  	[sflag:s19] =	ssyncadd.s32 $0xFFFFE000  }
0xd5: {  	_ =	swait.ge [sflag:s1], $0x2000  }
0xd6: {  	[sflag:s1] =	ssyncset.done $0x0  }
0xd7: {  	s2 =	sadd.s32 $0x400, s2;
	[sflag:s1] =	ssyncadd.s32 $0xFFFFE000  }
0xd8: {  	[hbm4b:s2+s7] =	stream.linear.scatter [tilespmem:s28], [sflag:$0x5], $0x2000, $0x38;
	[tilespmem:$0x1E700] =	vst v63  }
0xd9: {  	_ =	swait.ge [sflag:s19], $0x2000  }
0xda: {  	[sflag:s19] =	ssyncset.done $0x0  }
0xdb: {  	[sflag:s19] =	ssyncadd.s32 $0xFFFFE000  }
0xdc: {  	_ =	swait.ge [sflag:s6], $0x2000  }
0xdd: {  	[sflag:s6] =	ssyncset.done $0x0  }
0xde: {  	s11 =	sadd.s32 $0x400, s3;
	[sflag:s6] =	ssyncadd.s32 $0xFFFFE000  }
0xdf: {  	[hbm4b:s11+s7] =	stream.linear.scatter [tilespmem:s29], [sflag:$0x5], $0x2000, $0x38;
	[tilespmem:$0x1E700] =	vst v63  }
0xe0: {  	_ =	swait.ge [sflag:s19], $0x2000  }
0xe1: {  	[sflag:s19] =	ssyncset.done $0x0  }
0xe2: {  	s12 =	rddreg [dreg:$0xb];
	[sflag:s19] =	ssyncadd.s32 $0xFFFFE000  }
0xe3: {  	[tilespmem:s4], [sflag:$0x5] =	stream.linear.gather [hbm4b:s12+s7], $0x8, $0x38;
	[tilespmem:$0x1E700] =	vst v63  }
0xe4: {  	_ =	swait.ge [sflag:s19], $0x8  }
0xe5: {  	[sflag:s19] =	ssyncset.done $0x0  }
0xe6: {  	s16 =	simm.s32 $0x1DE80;
	s15 =	rddreg [dreg:$0xc];
	[sflag:s19] =	ssyncadd.s32 $0xFFFFFFF8  }
0xe7: {  	[tilespmem:s16], [sflag:$0x5] =	stream.linear.gather [hbm4b:s15+s7], $0x8, $0x38;
	[tilespmem:$0x1E700] =	vst v63  }
0xe8: {  	_ =	swait.ge [sflag:s19], $0x8  }
0xe9: {  	[sflag:s19] =	ssyncset.done $0x0  }
0xea: {  	s8 =	simm.s32 $0x1DF00;
	[sflag:s19] =	ssyncadd.s32 $0xFFFFFFF8  }
0xeb: {  	[tilespmem:s8], [sflag:$0x1] =	stream.indirect.gather [hbm4b:s0+s9], $0x80, s4, s9, $0xb8;
	[tilespmem:$0x1E700] =	vst v63  }
0xec: {  	s11 =	simm.s32 $0x1E300  }
0xed: {  	[tilespmem:s11], [sflag:$0x2] =	stream.indirect.gather [hbm4b:s0+s9], $0x80, s16, s9, $0xb8;
	[tilespmem:$0x1E700] =	vst v63  }
0xee: {  	_ = 	snop  }
0xef: {  	[spmem:s5] =	stream.indirect.scatter.add.f32 [tilespmem:s20], [sflag:$0x5], $0x80, s4, s9, $0xb8;
	[tilespmem:$0x1E700] =	vst v63  }
0xf0: {  	_ =	swait.ge [sflag:s19], $0x400  }
0xf1: {  	[sflag:s19] =	ssyncset.done $0x0  }
0xf2: {  	[sflag:s19] =	ssyncadd.s32 $0xFFFFFC00  }
0xf3: {  	_ =	swait.ge [sflag:s30], $0x400  }
0xf4: {  	[sflag:s30] =	ssyncset.done $0x0  }
0xf5: {  	s3 =	rddreg [dreg:$0xd];
	[sflag:s30] =	ssyncadd.s32 $0xFFFFFC00  }
0xf6: {  	[hbm4b:s3+s7] =	stream.linear.scatter [tilespmem:s8], [sflag:$0x5], $0x400, $0x38;
	[tilespmem:$0x1E700] =	vst v63  }
0xf7: {  	_ =	swait.ge [sflag:s19], $0x400  }
0xf8: {  	[sflag:s19] =	ssyncset.done $0x0  }
0xf9: {  	[sflag:s19] =	ssyncadd.s32 $0xFFFFFC00  }
0xfa: {  	_ =	swait.ge [sflag:s31], $0x400  }
0xfb: {  	[sflag:s31] =	ssyncset.done $0x0  }
0xfc: {  	s12 =	rddreg [dreg:$0xe];
	[sflag:s31] =	ssyncadd.s32 $0xFFFFFC00  }
0xfd: {  	[hbm4b:s12+s7] =	stream.linear.scatter [tilespmem:s11], [sflag:$0x5], $0x400, $0x38;
	[tilespmem:$0x1E700] =	vst v63  }
0xfe: {  	_ =	swait.ge [sflag:s19], $0x400  }
0xff: {  	[sflag:s19] =	ssyncset.done $0x0  }
0x100: {  	[sflag:s19] =	ssyncadd.s32 $0xFFFFFC00  }
0x101: {  	[bflag:$0x0] =	sbarrier.arrive $0xFFFF  }
0x102: {  	s15 =	rddreg [dreg:$0xf]  }
0x103: {  	[hbm:s15], [sflag:s10] =	dma.local [spmem:s14], $0x2780  }
0x104: {  	_ =	swait.ge [sflag:s19], $0x2780  }
0x105: {  	s13 =	sadd.s32 $0x1, s13;
	s16 =	rddreg [dreg:$0x10]  }
0x106: {  	p0 =	sne.s32 s13, s16  }
.Ltmp1:
0x107: {  	_ = 	snop;
	(pc) =	sbr.rel @p0 .LBB2_1-.Ltmp1, $3  }
0x108: {  	_ =	sdelay $0x1  }
0x109: {  	[sflag:s19] =	ssyncset.done $0x0  }
0x10a: {  	[sflag:s19] =	ssyncadd.s32 $0xFFFFD880  }
0x10b: {  	_ =	sfence.sel $0x180000  }
0x10c: {  	[bflag:$0x0] =	sbarrier.arrive $0xFFFF  }
0x10d: {  	_ =	strace $0x9000004A  }
0x10e: {  	s0 =	stileid.u32;
	[bflag:$0x2] =	sbarrier.arrive $0xFFFF  }
0x10f: {  	p0 =	sne.s32 s0, $0x0;
	s0 =	rddreg [dreg:$0x6]  }
0x110: {  	s0 =	sadd.s32 @!p0 $0x100000, s0  }
0x111: {  	[sflag:s0] =	ssyncadd.tile.s32 @!p0 $0x1;
	_ =	shalt  }
.Lfunc_end2:
_tile_overlayer_lowered:
.L_overlay_start_2:
0x112: {  	(tag) =	ssettag $0x2  }
0x113: {  	s0 =	rddreg [dreg:$0x0];
	s2 =	stileid.u32  }
0x114: {  	s1 =	rddreg [dreg:$0x1];
	p0 =	sne.s32 s2, $0x0  }
0x115: {  	s3 =	rddreg [dreg:$0x2];
	[bflag:$0x3] =	sbarrier.arrive $0xFFFF;
	s2 =	simm.s32 @!p0 $0x1C05  }
0x116: {  	[timem:s3], [sflag:s2] =	dma.local @!p0 [hbm:s0], s1  }
0x117: {  	s0 =	simm.s32 @!p0 $0x5  }
0x118: {  	_ =	swait.ge @!p0 [sflag:s0], s1  }
0x119: {  	s1 =	ssub.s32 @!p0 $0x0, s1;
	[sflag:s0] =	ssyncset.done @!p0 $0x0  }
0x11a: {  	[sflag:s0] =	ssyncadd.s32 @!p0 s1  }
0x11b: {  	[bflag:$0x3] =	sbarrier.arrive $0xFFFF  }
0x11c: {  	_ =	shalt  }

// kernel: kernel.17.cloned.1.call-start
scs
__scs_entry_jumppad:
0x0: {  	(pc) =	sbr.rel $0x88, $3  }
0x1: {  	(tag) =	ssettag $0x0;
	lr =	simm.s32 $0x1  }
0x2: {  	[smem:$0x3F97] =	sst lr;
	_ =	strace $0xD0000000  }
0x3: {  	_ = 	snop  }
0x4: {  	_ = 	snop  }
0x5: {  	_ = 	snop  }
0x6: {  	_ = 	snop  }
0x7: {  	_ = 	snop  }
__scs_overlays_trampoline_lowered:
0x8: {  	[smem:$0x3FA6] =	sst s0  }
0x9: {  	[smem:$0x3FA7] =	sst s1  }
0xa: {  	[smem:$0x3FA8] =	sst s2  }
0xb: {  	[smem:$0x3FA9] =	sst s3  }
0xc: {  	[smem:$0x3FAA] =	sst s4  }
0xd: {  	[smem:$0x3FAB] =	sst s5  }
0xe: {  	[smem:$0x3FAC] =	sst s6  }
0xf: {  	[smem:$0x3FAD] =	sst s7  }
0x10: {  	[smem:$0x3FAE] =	sst s8  }
0x11: {  	[smem:$0x3FAF] =	sst s9;
	s0 =	simm.s32 @!p0 $0x0  }
0x12: {  	s1 =	sld [smem:$0x3F95];
	s0 =	simm.s32 @p0 $0x1  }
0x13: {  	[smem:$0x3FB0] =	sst s0;
	s0 =	simm.s32 @!p1 $0x0  }
0x14: {  	s2 =	sld [smem:$0x3F94];
	s0 =	simm.s32 @p1 $0x1  }
0x15: {  	[smem:$0x3FB1] =	sst s0;
	s0 =	simm.s32 @!p2 $0x0  }
0x16: {  	s3 =	sld [smem:$0x3FDB];
	s0 =	simm.s32 @p2 $0x1  }
0x17: {  	s4 =	simm.s32 $0x1BF5;
	[smem:$0x3FB3] =	sst s0  }
0x18: {  	s0 =	sld [smem:$0x3F96];
	_ =	swait.ge [sflag:s4], $0x0  }
0x19: {  	s7 =	sld [smem:$0x3F97]  }
0x1a: {  	s8 =	sadd.s32 $0xFFFFE003, lr  }
0x1b: {  	s9 =	sadd.s32 $0xFFFFFEF7, lr;
	s5 =	simm.s32 $0xFFFFFFFF;
	p2 =	slt.u32 s8, $0xFFFFF086  }
0x1c: {  	p1 =	slt.u32 s9, $0xF7A;
	s5 =	simm.s32 @!p2 $0x0  }
0x1d: {  	s5 =	simm.s32 @p1 $0x1;
	p0 =	seq.s32 s7, s2  }
0x1e: {  	s7 =	smul.u32 @!p0 $0xF7A, s2;
	p2 =	seq.s32 @!p0 s5, $0x0  }
0x1f: {  	s9 =	smul.u32 $0xF7A, s1;
	s8 =	simm.s32 @!p0 $0x1BF5;
	p2 =	por !p2, p0  }
0x20: {  	[sflag:s8] =	ssyncset.s32 @!p0 $0xFFFFF086;
	s6 =	sadd.s32 @!p0 s3, s7;
	s7 =	simm.s32 @!p0 $0x108  }
0x21: {  	s3 =	sadd.s32 s3, s9;
	s6 =	sadd.s32 @!p0 $0x88, s6;
	s7 =	simm.s32 @p2 $0x1082  }
0x22: {  	[simem:s7], [sflag:s8] =	dma.local @!p0 [hbm:s6], $0xF7A  }
0x23: {  	s9 =	sor.u32 $0xD0000000, s2;
	s6 =	simm.s32 $0x108;
	_ =	swait.ge @!p0 [sflag:s8], $0x0  }
0x24: {  	s3 =	sadd.s32 $0x88, s3;
	s6 =	simm.s32 @!p1 $0x1082;
	[sflag:s4] =	ssyncset.s32 $0xFFFFF086  }
0x25: {  	[simem:s6], [sflag:s4] =	dma.local [hbm:s3], $0xF7A  }
0x26: {  	[smem:$0x3F97] =	sst s1;
	(tag) =	ssettag s2;
	_ =	strace s9  }
0x27: {  	s1 =	sld [smem:$0x3FA7]  }
0x28: {  	s2 =	sld [smem:$0x3FA8]  }
0x29: {  	s4 =	sld [smem:$0x3FAA]  }
0x2a: {  	p0 =	seq.s32 s5, $0x0;
	s5 =	sld [smem:$0x3FAB]  }
0x2b: {  	s6 =	sld [smem:$0x3FAC]  }
0x2c: {  	s7 =	sld [smem:$0x3FAD]  }
0x2d: {  	s3 =	simm.s32 $0x108;
	s8 =	sld [smem:$0x3FAE]  }
0x2e: {  	s3 =	simm.s32 @!p0 $0x1082;
	s9 =	sld [smem:$0x3FAF]  }
0x2f: {  	lr =	sadd.s32 s0, s3;
	s0 =	sld [smem:$0x3FA6]  }
0x30: {  	s3 =	sld [smem:$0x3FA9]  }
0x31: {  	[smem:$0x3FB2] =	sst s10  }
0x32: {  	s10 =	sld [smem:$0x3FB0];
	_ =	sdelay $0x3  }
0x33: {  	p0 =	seq.s32 s10, $0x1;
	s10 =	sld [smem:$0x3FB2];
	_ =	sdelay $0x3  }
0x34: {  	[smem:$0x3FB2] =	sst s10  }
0x35: {  	s10 =	sld [smem:$0x3FB1];
	_ =	sdelay $0x3  }
0x36: {  	p1 =	seq.s32 s10, $0x1;
	s10 =	sld [smem:$0x3FB2];
	_ =	sdelay $0x3  }
0x37: {  	[smem:$0x3FB2] =	sst s10  }
0x38: {  	s10 =	sld [smem:$0x3FB3]  }
0x39: {  	_ = 	snop;
	(pc) =	sbr.ind lr, $3  }
0x3a: {  	_ = 	snop  }
0x3b: {  	_ = 	snop  }
0x3c: {  	p2 =	seq.s32 s10, $0x1;
	s10 =	sld [smem:$0x3FB2]  }
0x3d: {  	_ =	shalt  }
0x3e: {  	_ =	shalt  }
0x3f: {  	_ =	shalt  }
0x40: {  	_ =	shalt  }
0x41: {  	_ =	shalt  }
0x42: {  	_ =	shalt  }
0x43: {  	_ =	shalt  }
0x44: {  	_ =	shalt  }
0x45: {  	_ =	shalt  }
0x46: {  	_ =	shalt  }
0x47: {  	_ =	shalt  }
0x48: {  	_ =	shalt  }
0x49: {  	_ =	shalt  }
0x4a: {  	_ =	shalt  }
0x4b: {  	_ =	shalt  }
0x4c: {  	_ =	shalt  }
0x4d: {  	_ =	shalt  }
0x4e: {  	_ =	shalt  }
0x4f: {  	_ =	shalt  }
0x50: {  	_ =	shalt  }
0x51: {  	_ =	shalt  }
0x52: {  	_ =	shalt  }
0x53: {  	_ =	shalt  }
0x54: {  	_ =	shalt  }
0x55: {  	_ =	shalt  }
0x56: {  	_ =	shalt  }
0x57: {  	_ =	shalt  }
0x58: {  	_ =	shalt  }
0x59: {  	_ =	shalt  }
0x5a: {  	_ =	shalt  }
0x5b: {  	_ =	shalt  }
0x5c: {  	_ =	shalt  }
0x5d: {  	_ =	shalt  }
0x5e: {  	_ =	shalt  }
0x5f: {  	_ =	shalt  }
0x60: {  	_ =	shalt  }
0x61: {  	_ =	shalt  }
0x62: {  	_ =	shalt  }
0x63: {  	_ =	shalt  }
0x64: {  	_ =	shalt  }
0x65: {  	_ =	shalt  }
0x66: {  	_ =	shalt  }
0x67: {  	_ =	shalt  }
0x68: {  	_ =	shalt  }
0x69: {  	_ =	shalt  }
0x6a: {  	_ =	shalt  }
0x6b: {  	_ =	shalt  }
0x6c: {  	_ =	shalt  }
0x6d: {  	_ =	shalt  }
0x6e: {  	_ =	shalt  }
0x6f: {  	_ =	shalt  }
0x70: {  	_ =	shalt  }
0x71: {  	_ =	shalt  }
0x72: {  	_ =	shalt  }
0x73: {  	_ =	shalt  }
0x74: {  	_ =	shalt  }
0x75: {  	_ =	shalt  }
0x76: {  	_ =	shalt  }
0x77: {  	_ =	shalt  }
0x78: {  	_ =	shalt  }
0x79: {  	_ =	shalt  }
0x7a: {  	_ =	shalt  }
0x7b: {  	_ =	shalt  }
0x7c: {  	_ =	shalt  }
0x7d: {  	_ =	shalt  }
0x7e: {  	_ =	shalt  }
0x7f: {  	_ =	shalt  }
0x80: {  	_ =	shalt  }
0x81: {  	_ =	shalt  }
0x82: {  	_ =	shalt  }
0x83: {  	_ =	shalt  }
0x84: {  	_ =	shalt  }
0x85: {  	_ =	shalt  }
0x86: {  	_ =	shalt  }
0x87: {  	_ =	shalt  }
.Lfunc_end0:
.L_simem_size_0:
called_computation.2_lowered:
.L_overlay_start_0:
0x88: {  	s2 =	sld [smem:$0x3FD9]  }
0x89: {  	s3 =	sld [smem:$0x3FFE];
	_ =	sdelay $0x1  }
0x8a: {  	s1 =	srdreg.scid  }
0x8b: {  	s0 =	sand.u32 $0x1, s1  }
0x8c: {  	s17 =	sshll.u32 s0, $0xA;
	s2 =	sadd.s32 s3, s2  }
0x8d: {  	s2 =	sadd.s32 s2, s17  }
0x8e: {  	[smem:$0x3FBE] =	sst s2  }
0x8f: {  	_ = 	snop  }
0x90: {  	s2 =	sld [smem:$0x3FC8];
	(tm) =	ssettm $0x1  }
0x91: {  	s18 =	sld [smem:$0x3FFB];
	_ =	sdelay $0x3  }
0x92: {  	_ =	strace s18  }
0x93: {  	s3 =	sld [smem:$0x3FFC];
	_ =	sdelay $0x3  }
0x94: {  	_ =	strace s3  }
0x95: {  	s3 =	sld [smem:$0x3FFD];
	_ =	sdelay $0x3  }
0x96: {  	_ =	strace s3  }
0x97: {  	_ =	strace $0x8FFFFFFF  }
0x98: {  	s19 =	sld [smem:$0x3FDB];
	_ =	sdelay $0x1  }
0x99: {  	s4 =	simm.s32 $_scs_section_size  }
0x9a: {  	s5 =	simm.s32 $_size__tile_overlayer_lowered;
	s6 =	simm.s32 $_tile_overlayer_lowered  }
0x9b: {  	s22 =	simm.s32 $0x1BFF;
	s21 =	sshll.u32 s6, $0x1;
	s3 =	sadd.s32 s4, s19  }
0x9c: {  	s7 =	simm.s32 $0x0;
	s20 =	sshll.u32 s5, $0x1;
	s5 =	sadd.s32 s21, s3  }
0x9d: {  	[timem:s7], [sflag:s22] =	dma.local [hbm:s5], s20  }
0x9e: {  	_ =	swait.ge [sflag:s22], s20  }
0x9f: {  	s4 =	ssub.s32 $0x0, s20;
	[sflag:s22] =	ssyncset.done $0x0  }
0xa0: {  	[sflag:s22] =	ssyncadd.s32 s4;
	_ =	sdelay $0x1  }
0xa1: {  	s23 =	simm.s32 $0x1B8B  }
0xa2: {  	_ =	swait.ge [sflag:s23], $0x1  }
0xa3: {  	[sflag:s23] =	ssyncset.done $0x0  }
0xa4: {  	s25 =	simm.s32 $0x1B8E;
	s24 =	sld [smem:$0x3FFE];
	[sflag:s23] =	ssyncadd.s32 $0xFFFFFFFF  }
0xa5: {  	s26 =	simm.s32 $execute0_lowered;
	[smem:$0x3FD2] =	sst s25  }
0xa6: {  	s5 =	sshll.u32 s26, $0x1;
	_ =	strace $0x8000004C;
	[dreg:$0x1] =	wrdreg $0xFFFFFFFF  }
0xa7: {  	s28 =	simm.s32 $_size_execute0_lowered;
	s3 =	sadd.s32 s3, s5;
	[dreg:$0x0] =	wrdreg $0x0  }
0xa8: {  	s5 =	sshll.u32 s28, $0x1;
	[dreg:$0x2] =	wrdreg s3  }
0xa9: {  	[dreg:$0x3] =	wrdreg s5  }
0xaa: {  	[dreg:$0x4] =	wrdreg $0xC0  }
0xab: {  	_ =	task [dreg:s7], $0x5FFFF  }
0xac: {  	[dreg:$0x1] =	wrdreg $0xFFFFFFFF  }
0xad: {  	[dreg:$0x0] =	wrdreg $0x60  }
0xae: {  	[dreg:$0x2] =	wrdreg s24  }
0xaf: {  	[dreg:$0x3] =	wrdreg s2  }
0xb0: {  	[dreg:$0x4] =	wrdreg $0x81000  }
0xb1: {  	[dreg:$0x5] =	wrdreg $0x9  }
0xb2: {  	_ =	task.clear_ibuf [dreg:s7], $0x6FFFF;
	_ =	strace $0x9000004C  }
0xb3: {  	s29 =	simm.s32 $0x9;
	_ =	strace $0x8000004E  }
0xb4: {  	_ =	swait.ge [sflag:s29], $0x1  }
0xb5: {  	[sflag:s29] =	ssyncadd.s32 $0xFFFFFFFF  }
0xb6: {  	_ =	strace $0x9000004E  }
0xb7: {  	_ =	sfence  }
0xb8: {  	s30 =	sld [smem:$0x0];
	_ =	sdelay $0x2  }
0xb9: {  	s31 =	sshll.u32 s1, $0xD;
	s1 =	sshrl.u32 s1, $0x2  }
0xba: {  	s3 =	sand.u32 $0x4000, s31;
	s1 =	sadd.s32 s1, s30  }
0xbb: {  	s0 =	sor.u32 s3, s0;
	s1 =	sshll.u32 s1, $0x11  }
0xbc: {  	s0 =	sor.u32 s1, s0  }
0xbd: {  	s0 =	sadd.s32 $0x8F2B, s0  }
0xbe: {  	[sflag:s0] =	ssyncadd.remote.s32 $0x1  }
0xbf: {  	_ =	sfence.sel $0xFFFF  }
0xc0: {  	[dreg:$0x0] =	wrdreg $0xFFFFFFFF;
	(pc) =	sbr.abs _section_cstart, $3  }
0xc1: {  	[dreg:$0x1] =	wrdreg $0xFFFFFFFF  }
0xc2: {  	_ =	task.clear_ibuf [dreg:s7], $0x2FFFF;
	_ =	strace $0x9FFFFFFF  }
0xc3: {  	(tm) =	ssettm $0x7FFFFFFF  }
tec
execute0_lowered:
.L_overlay_start_1:
0x0: {  	(tag) =	ssettag $0x1  }
0x1: {  	s4 =	rddreg [dreg:$0x0]  }
0x2: {  	s14 =	rddreg [dreg:$0x1];
	s2 =	srdreg.scid  }
0x3: {  	s1 =	rddreg [dreg:$0x2];
	s12 =	sand.u32 $0x1, s2  }
0x4: {  	s3 =	simm.s32 $0x0;
	s2 =	stileid.u32;
	s5 =	smul.u32 $0x13C000, s12  }
0x5: {  	s20 =	simm.s32 $0x1;
	s21 =	simm.s32 $0x2;
	s6 =	smul.u32 $0x13C00, s2  }
0x6: {  	[smem:$0x7FF] =	sst s3;
	s13 =	sadd.s32 $0x2C4C00, s4;
	s8 =	smul.u32 $0x4F000, s2  }
0x7: {  	s22 =	simm.s32 $0x1BD00;
	_ =	strace $0x8000004D;
	s17 =	smul.u32 $0x2710, s2  }
0x8: {  	s23 =	sshll.u32 s2, $0x1;
	s7 =	ssub.s32 $0x2, s12;
	s18 =	smul.u32 $0x1388, s12  }
0x9: {  	s25 =	sshll.u32 s2, $0x6;
	s19 =	smul.u32 $0x27100, s2;
	s9 =	sshrl.u32 s7, $0x1  }
0xa: {  	s5 =	sadd.s32 s6, s5;
	s6 =	sor.u32 s12, s23;
	s15 =	ssub.s32 s7, s9  }
0xb: {  	s24 =	sshrl.u32 s8, $0x2;
	s12 =	smul.u32 $0x13880, s12;
	s31 =	sadd.s32 s18, s17  }
0xc: {  	s18 =	simm.s32 $0x4080;
	s23 =	simm.s32 $0x1BD80;
	s5 =	sshrl.u32 s5, $0x3  }
0xd: {  	s10 =	smul.u32 $0x1388, s6;
	s16 =	sadd.s32 s24, s1;
	s17 =	sshrl.u32 s31, $0x3  }
0xe: {  	s24 =	simm.s32 $0x8;
	s11 =	sadd.s32 s5, s4;
	s5 =	sor.u32 $0x1C03, s25  }
0xf: {  	s25 =	simm.s32 $0x0;
	s26 =	sadd.s32 $0x1300, s10;
	s4 =	sadd.s32 $0x4C00, s11  }
0x10: {  	s29 =	sadd.s32 $0x1380, s10;
	s10 =	sadd.s32 $0x535C00, s11;
	s11 =	smax.u32 s15, $0x1  }
0x11: {  	s15 =	sadd.s32 $0x80, s31;
	s28 =	sshrl.u32 s26, $0x3;
	s7 =	sshll.u32 s26, $0x4  }
0x12: {  	s30 =	sshrl.u32 s29, $0x3;
	s9 =	sshll.u32 s29, $0x4;
	s15 =	sshrl.u32 s15, $0x3  }
0x13: {  	s6 =	sadd.s32 s14, s28;
	s7 =	sadd.s32 s13, s7;
	s8 =	sadd.s32 s14, s30  }
0x14: {  	s9 =	sadd.s32 s13, s9;
	s13 =	sadd.s32 s19, s13;
	s19 =	simm.s32 $0x4100  }
0x15: {  	s12 =	sadd.s32 s12, s13;
	s13 =	sadd.s32 s17, s14;
	s14 =	sadd.s32 s15, s14  }
0x16: {  	s15 =	sshrl.u32 s16, $0x3;
	s16 =	simm.s32 $0x3;
	s17 =	simm.s32 $0x80  }
.LBB2_1:
0x17: {  	[spmem:s15], [sflag:s5] =	dma.local [hbm:s4], $0x2780  }
0x18: {  	_ =	swait.ge [sflag:s16], $0x2780  }
0x19: {  	[sflag:s16] =	ssyncset.done $0x0  }
0x1a: {  	[sflag:s16] =	ssyncadd.s32 $0xFFFFD880  }
0x1b: {  	s26 =	sadd.s32 $0x0, s13;
	[bflag:$0x0] =	sbarrier.arrive $0xFFFF  }
0x1c: {  	[tilespmem:s3], [sflag:$0x3] =	stream.linear.gather [hbm4b:s26+s3], $0x80, $0x38;
	[tilespmem:$0x1C180] =	vst v63  }
0x1d: {  	_ =	swait.ge [sflag:s16], $0x80  }
0x1e: {  	[sflag:s16] =	ssyncset.done $0x0  }
0x1f: {  	[sflag:s16] =	ssyncadd.s32 $0xFFFFFF80  }
0x20: {  	[tilespmem:s17], [sflag:$0x1] =	stream.linear.gather [hbm4b:s12+s3], $0x4000, $0x38;
	[tilespmem:$0x1C180] =	vst v63  }
0x21: {  	s30 =	sadd.s32 $0x0, s14  }
0x22: {  	[tilespmem:s18], [sflag:$0x3] =	stream.linear.gather [hbm4b:s30+s3], $0x80, $0x38;
	[tilespmem:$0x1C180] =	vst v63  }
0x23: {  	_ =	swait.ge [sflag:s16], $0x80  }
0x24: {  	[sflag:s16] =	ssyncset.done $0x0  }
0x25: {  	s31 =	sadd.s32 $0x800, s12;
	[sflag:s16] =	ssyncadd.s32 $0xFFFFFF80  }
0x26: {  	[tilespmem:s19], [sflag:$0x2] =	stream.linear.gather [hbm4b:s31+s3], $0x4000, $0x38;
	[tilespmem:$0x1C180] =	vst v63  }
0x27: {  	_ =	swait.ge [sflag:s20], $0x4000  }
0x28: {  	[sflag:s20] =	ssyncset.done $0x0  }
0x29: {  	[sflag:s20] =	ssyncadd.s32 $0xFFFFC000  }
0x2a: {  	[spmem:s1] =	stream.indirect.scatter.add.f32 [tilespmem:s17], [sflag:$0x3], $0x80, s3, s17, $0xb8;
	[tilespmem:$0x1C180] =	vst v63  }
0x2b: {  	_ =	swait.ge [sflag:s16], $0x4000  }
0x2c: {  	[sflag:s16] =	ssyncset.done $0x0  }
0x2d: {  	[sflag:s16] =	ssyncadd.s32 $0xFFFFC000  }
0x2e: {  	_ =	swait.ge [sflag:s21], $0x4000  }
0x2f: {  	[sflag:s21] =	ssyncset.done $0x0  }
0x30: {  	[sflag:s21] =	ssyncadd.s32 $0xFFFFC000  }
0x31: {  	[spmem:s1] =	stream.indirect.scatter.add.f32 [tilespmem:s19], [sflag:$0x3], $0x80, s18, s17, $0xb8;
	[tilespmem:$0x1C180] =	vst v63  }
0x32: {  	s28 =	simm.s32 $0x20;
	_ =	swait.ge [sflag:s16], $0x4000  }
0x33: {  	s29 =	simm.s32 $0x40;
	s26 =	sadd.s32 $0x1000, s12;
	[sflag:s16] =	ssyncset.done $0x0  }
.LBB2_2:
0x34: {  	s30 =	sadd.s32 s28, s13  }
0x35: {  	[sflag:s16] =	ssyncadd.s32 $0xFFFFC000;
	s31 =	smov.u32 s29;
	s0 =	sadd.s32 $0x20, s29  }
0x36: {  	[tilespmem:s3], [sflag:$0x3] =	stream.linear.gather [hbm4b:s30+s3], $0x80, $0x38;
	[tilespmem:$0x1C180] =	vst v63  }
0x37: {  	p0 =	sne.s32 s29, $0x240;
	_ =	swait.ge [sflag:s16], $0x80  }
0x38: {  	[sflag:s16] =	ssyncset.done $0x0  }
0x39: {  	[sflag:s16] =	ssyncadd.s32 $0xFFFFFF80  }
0x3a: {  	[tilespmem:s17], [sflag:$0x1] =	stream.linear.gather [hbm4b:s26+s3], $0x4000, $0x38;
	[tilespmem:$0x1C180] =	vst v63  }
0x3b: {  	s29 =	sadd.s32 s28, s14;
	s28 =	smov.u32 s31  }
0x3c: {  	[tilespmem:s18], [sflag:$0x3] =	stream.linear.gather [hbm4b:s29+s3], $0x80, $0x38;
	[tilespmem:$0x1C180] =	vst v63  }
0x3d: {  	_ =	swait.ge [sflag:s16], $0x80  }
0x3e: {  	[sflag:s16] =	ssyncset.done $0x0  }
0x3f: {  	s29 =	sadd.s32 $0x800, s26;
	[sflag:s16] =	ssyncadd.s32 $0xFFFFFF80  }
0x40: {  	[tilespmem:s19], [sflag:$0x2] =	stream.linear.gather [hbm4b:s29+s3], $0x4000, $0x38;
	[tilespmem:$0x1C180] =	vst v63  }
0x41: {  	_ =	swait.ge [sflag:s20], $0x4000  }
0x42: {  	[sflag:s20] =	ssyncset.done $0x0  }
0x43: {  	[sflag:s20] =	ssyncadd.s32 $0xFFFFC000  }
0x44: {  	[spmem:s1] =	stream.indirect.scatter.add.f32 [tilespmem:s17], [sflag:$0x3], $0x80, s3, s17, $0xb8;
	[tilespmem:$0x1C180] =	vst v63  }
0x45: {  	_ =	swait.ge [sflag:s16], $0x4000  }
0x46: {  	[sflag:s16] =	ssyncset.done $0x0  }
0x47: {  	[sflag:s16] =	ssyncadd.s32 $0xFFFFC000  }
0x48: {  	_ =	swait.ge [sflag:s21], $0x4000  }
.Ltmp0:
0x49: {  	[sflag:s21] =	ssyncset.done $0x0;
	(pc) =	sbr.rel @p0 .LBB2_2-.Ltmp0, $4  }
0x4a: {  	[sflag:s21] =	ssyncadd.s32 $0xFFFFC000  }
0x4b: {  	[spmem:s1] =	stream.indirect.scatter.add.f32 [tilespmem:s19], [sflag:$0x3], $0x80, s18, s17, $0xb8;
	[tilespmem:$0x1C180] =	vst v63  }
0x4c: {  	_ =	swait.ge [sflag:s16], $0x4000  }
0x4d: {  	s26 =	sadd.s32 $0x1000, s26;
	s29 =	smov.u32 s0;
	[sflag:s16] =	ssyncset.done $0x0  }
0x4e: {  	s0 =	sadd.s32 s28, s13;
	[sflag:s16] =	ssyncadd.s32 $0xFFFFC000  }
0x4f: {  	[tilespmem:s3], [sflag:$0x3] =	stream.linear.gather [hbm4b:s0+s3], $0x80, $0x38;
	[tilespmem:$0x1C180] =	vst v63  }
0x50: {  	_ =	swait.ge [sflag:s16], $0x80  }
0x51: {  	[sflag:s16] =	ssyncset.done $0x0  }
0x52: {  	[sflag:s16] =	ssyncadd.s32 $0xFFFFFF80  }
0x53: {  	[tilespmem:s17], [sflag:$0x1] =	stream.linear.gather [hbm4b:s26+s3], $0x4000, $0x38;
	[tilespmem:$0x1C180] =	vst v63  }
0x54: {  	s30 =	sadd.s32 s28, s14  }
0x55: {  	[tilespmem:s18], [sflag:$0x3] =	stream.linear.gather [hbm4b:s30+s3], $0x80, $0x38;
	[tilespmem:$0x1C180] =	vst v63  }
0x56: {  	_ =	swait.ge [sflag:s16], $0x80  }
0x57: {  	[sflag:s16] =	ssyncset.done $0x0  }
0x58: {  	s31 =	sadd.s32 $0x800, s26;
	[sflag:s16] =	ssyncadd.s32 $0xFFFFFF80  }
0x59: {  	[tilespmem:s19], [sflag:$0x2] =	stream.linear.gather [hbm4b:s31+s3], $0x4000, $0x38;
	[tilespmem:$0x1C180] =	vst v63  }
0x5a: {  	_ =	swait.ge [sflag:s20], $0x4000  }
0x5b: {  	[sflag:s20] =	ssyncset.done $0x0  }
0x5c: {  	[sflag:s20] =	ssyncadd.s32 $0xFFFFC000  }
0x5d: {  	[spmem:s1] =	stream.indirect.scatter.add.f32 [tilespmem:s17], [sflag:$0x3], $0x80, s3, s17, $0xb8;
	[tilespmem:$0x1C180] =	vst v63  }
0x5e: {  	_ =	swait.ge [sflag:s16], $0x4000  }
0x5f: {  	[sflag:s16] =	ssyncset.done $0x0  }
0x60: {  	[sflag:s16] =	ssyncadd.s32 $0xFFFFC000  }
0x61: {  	_ =	swait.ge [sflag:s21], $0x4000  }
0x62: {  	[sflag:s21] =	ssyncset.done $0x0  }
0x63: {  	[sflag:s21] =	ssyncadd.s32 $0xFFFFC000  }
0x64: {  	[spmem:s1] =	stream.indirect.scatter.add.f32 [tilespmem:s19], [sflag:$0x3], $0x80, s18, s17, $0xb8;
	[tilespmem:$0x1C180] =	vst v63  }
0x65: {  	_ =	swait.ge [sflag:s16], $0x4000  }
0x66: {  	[sflag:s16] =	ssyncset.done $0x0  }
0x67: {  	[sflag:s16] =	ssyncadd.s32 $0xFFFFC000  }
0x68: {  	[tilespmem:s3], [sflag:$0x3] =	stream.linear.gather [hbm4b:s6+s3], $0x80, $0x38;
	[tilespmem:$0x1C180] =	vst v63  }
0x69: {  	_ =	swait.ge [sflag:s16], $0x80  }
0x6a: {  	[sflag:s16] =	ssyncset.done $0x0  }
0x6b: {  	[sflag:s16] =	ssyncadd.s32 $0xFFFFFF80  }
0x6c: {  	[tilespmem:s17], [sflag:$0x1] =	stream.linear.gather [hbm4b:s7+s3], $0x4000, $0x38;
	[tilespmem:$0x1C180] =	vst v63  }
0x6d: {  	_ =	swait.ge [sflag:s20], $0x4000  }
0x6e: {  	[sflag:s20] =	ssyncset.done $0x0  }
0x6f: {  	[sflag:s20] =	ssyncadd.s32 $0xFFFFC000  }
0x70: {  	[spmem:s1] =	stream.indirect.scatter.add.f32 [tilespmem:s17], [sflag:$0x3], $0x80, s3, s17, $0xb8;
	[tilespmem:$0x1C180] =	vst v63  }
0x71: {  	_ =	swait.ge [sflag:s16], $0x4000  }
0x72: {  	[sflag:s16] =	ssyncset.done $0x0  }
0x73: {  	[sflag:s16] =	ssyncadd.s32 $0xFFFFC000  }
0x74: {  	[tilespmem:s22], [sflag:$0x3] =	stream.linear.gather [hbm4b:s8+s3], $0x8, $0x38;
	[tilespmem:$0x1C180] =	vst v63  }
0x75: {  	_ =	swait.ge [sflag:s16], $0x8  }
0x76: {  	[sflag:s16] =	ssyncset.done $0x0  }
0x77: {  	[sflag:s16] =	ssyncadd.s32 $0xFFFFFFF8  }
0x78: {  	[tilespmem:s23], [sflag:$0x1] =	stream.linear.gather [hbm4b:s9+s3], $0x400, $0x38;
	[tilespmem:$0x1C180] =	vst v63  }
0x79: {  	_ =	swait.ge [sflag:s20], $0x400  }
0x7a: {  	[sflag:s20] =	ssyncset.done $0x0  }
0x7b: {  	[sflag:s20] =	ssyncadd.s32 $0xFFFFFC00  }
0x7c: {  	[spmem:s1] =	stream.indirect.scatter.add.f32 [tilespmem:s23], [sflag:$0x3], $0x80, s22, s24, $0xb8;
	[tilespmem:$0x1C180] =	vst v63  }
0x7d: {  	_ =	swait.ge [sflag:s16], $0x400  }
0x7e: {  	s25 =	sadd.s32 $0x1, s25;
	[sflag:s16] =	ssyncset.done $0x0  }
0x7f: {  	p0 =	sne.s32 s25, s11;
	[sflag:s16] =	ssyncadd.s32 $0xFFFFFC00  }
.Ltmp1:
0x80: {  	[bflag:$0x0] =	sbarrier.arrive $0xFFFF;
	(pc) =	sbr.rel @p0 .LBB2_1-.Ltmp1, $4  }
0x81: {  	[hbm:s10], [sflag:s5] =	dma.local [spmem:s15], $0x2780  }
0x82: {  	_ =	swait.ge [sflag:s16], $0x2780  }
0x83: {  	[sflag:s16] =	ssyncset.done $0x0  }
0x84: {  	[sflag:s16] =	ssyncadd.s32 $0xFFFFD880  }
0x85: {  	_ =	sfence.sel $0x180000  }
0x86: {  	[bflag:$0x0] =	sbarrier.arrive $0xFFFF  }
0x87: {  	_ =	strace $0x9000004D  }
0x88: {  	[bflag:$0x2] =	sbarrier.arrive $0xFFFF  }
0x89: {  	p0 =	sne.s32 s2, $0x0;
	s0 =	rddreg [dreg:$0x3]  }
0x8a: {  	s0 =	sadd.s32 @!p0 $0x100000, s0  }
0x8b: {  	[sflag:s0] =	ssyncadd.tile.s32 @!p0 $0x1;
	_ =	shalt  }
.Lfunc_end2:
_tile_overlayer_lowered:
.L_overlay_start_2:
0x8c: {  	(tag) =	ssettag $0x2  }
0x8d: {  	s0 =	rddreg [dreg:$0x0];
	s2 =	stileid.u32  }
0x8e: {  	s1 =	rddreg [dreg:$0x1];
	p0 =	sne.s32 s2, $0x0  }
0x8f: {  	s3 =	rddreg [dreg:$0x2];
	[bflag:$0x3] =	sbarrier.arrive $0xFFFF;
	s2 =	simm.s32 @!p0 $0x1C03  }
0x90: {  	[timem:s3], [sflag:s2] =	dma.local @!p0 [hbm:s0], s1  }
0x91: {  	s0 =	simm.s32 @!p0 $0x3  }
0x92: {  	_ =	swait.ge @!p0 [sflag:s0], s1  }
0x93: {  	s1 =	ssub.s32 @!p0 $0x0, s1;
	[sflag:s0] =	ssyncset.done @!p0 $0x0  }
0x94: {  	[sflag:s0] =	ssyncadd.s32 @!p0 s1  }
0x95: {  	[bflag:$0x3] =	sbarrier.arrive $0xFFFF  }
0x96: {  	_ =	shalt  }

// kernel: kernel.20.cloned.1.call-start
scs
__scs_entry_jumppad:
0x0: {  	(pc) =	sbr.rel $0x88, $3  }
0x1: {  	(tag) =	ssettag $0x0;
	lr =	simm.s32 $0x1  }
0x2: {  	[smem:$0x3F97] =	sst lr;
	_ =	strace $0xD0000000  }
0x3: {  	_ = 	snop  }
0x4: {  	_ = 	snop  }
0x5: {  	_ = 	snop  }
0x6: {  	_ = 	snop  }
0x7: {  	_ = 	snop  }
__scs_overlays_trampoline_lowered:
0x8: {  	[smem:$0x3FA6] =	sst s0  }
0x9: {  	[smem:$0x3FA7] =	sst s1  }
0xa: {  	[smem:$0x3FA8] =	sst s2  }
0xb: {  	[smem:$0x3FA9] =	sst s3  }
0xc: {  	[smem:$0x3FAA] =	sst s4  }
0xd: {  	[smem:$0x3FAB] =	sst s5  }
0xe: {  	[smem:$0x3FAC] =	sst s6  }
0xf: {  	[smem:$0x3FAD] =	sst s7  }
0x10: {  	[smem:$0x3FAE] =	sst s8  }
0x11: {  	[smem:$0x3FAF] =	sst s9;
	s0 =	simm.s32 @!p0 $0x0  }
0x12: {  	s1 =	sld [smem:$0x3F95];
	s0 =	simm.s32 @p0 $0x1  }
0x13: {  	[smem:$0x3FB0] =	sst s0;
	s0 =	simm.s32 @!p1 $0x0  }
0x14: {  	s2 =	sld [smem:$0x3F94];
	s0 =	simm.s32 @p1 $0x1  }
0x15: {  	[smem:$0x3FB1] =	sst s0;
	s0 =	simm.s32 @!p2 $0x0  }
0x16: {  	s3 =	sld [smem:$0x3FDB];
	s0 =	simm.s32 @p2 $0x1  }
0x17: {  	s4 =	simm.s32 $0x1BF5;
	[smem:$0x3FB3] =	sst s0  }
0x18: {  	s0 =	sld [smem:$0x3F96];
	_ =	swait.ge [sflag:s4], $0x0  }
0x19: {  	s7 =	sld [smem:$0x3F97]  }
0x1a: {  	s8 =	sadd.s32 $0xFFFFE003, lr  }
0x1b: {  	s9 =	sadd.s32 $0xFFFFFEF7, lr;
	s5 =	simm.s32 $0xFFFFFFFF;
	p2 =	slt.u32 s8, $0xFFFFF086  }
0x1c: {  	p1 =	slt.u32 s9, $0xF7A;
	s5 =	simm.s32 @!p2 $0x0  }
0x1d: {  	s5 =	simm.s32 @p1 $0x1;
	p0 =	seq.s32 s7, s2  }
0x1e: {  	s7 =	smul.u32 @!p0 $0xF7A, s2;
	p2 =	seq.s32 @!p0 s5, $0x0  }
0x1f: {  	s9 =	smul.u32 $0xF7A, s1;
	s8 =	simm.s32 @!p0 $0x1BF5;
	p2 =	por !p2, p0  }
0x20: {  	[sflag:s8] =	ssyncset.s32 @!p0 $0xFFFFF086;
	s6 =	sadd.s32 @!p0 s3, s7;
	s7 =	simm.s32 @!p0 $0x108  }
0x21: {  	s3 =	sadd.s32 s3, s9;
	s6 =	sadd.s32 @!p0 $0x88, s6;
	s7 =	simm.s32 @p2 $0x1082  }
0x22: {  	[simem:s7], [sflag:s8] =	dma.local @!p0 [hbm:s6], $0xF7A  }
0x23: {  	s9 =	sor.u32 $0xD0000000, s2;
	s6 =	simm.s32 $0x108;
	_ =	swait.ge @!p0 [sflag:s8], $0x0  }
0x24: {  	s3 =	sadd.s32 $0x88, s3;
	s6 =	simm.s32 @!p1 $0x1082;
	[sflag:s4] =	ssyncset.s32 $0xFFFFF086  }
0x25: {  	[simem:s6], [sflag:s4] =	dma.local [hbm:s3], $0xF7A  }
0x26: {  	[smem:$0x3F97] =	sst s1;
	(tag) =	ssettag s2;
	_ =	strace s9  }
0x27: {  	s1 =	sld [smem:$0x3FA7]  }
0x28: {  	s2 =	sld [smem:$0x3FA8]  }
0x29: {  	s4 =	sld [smem:$0x3FAA]  }
0x2a: {  	p0 =	seq.s32 s5, $0x0;
	s5 =	sld [smem:$0x3FAB]  }
0x2b: {  	s6 =	sld [smem:$0x3FAC]  }
0x2c: {  	s7 =	sld [smem:$0x3FAD]  }
0x2d: {  	s3 =	simm.s32 $0x108;
	s8 =	sld [smem:$0x3FAE]  }
0x2e: {  	s3 =	simm.s32 @!p0 $0x1082;
	s9 =	sld [smem:$0x3FAF]  }
0x2f: {  	lr =	sadd.s32 s0, s3;
	s0 =	sld [smem:$0x3FA6]  }
0x30: {  	s3 =	sld [smem:$0x3FA9]  }
0x31: {  	[smem:$0x3FB2] =	sst s10  }
0x32: {  	s10 =	sld [smem:$0x3FB0];
	_ =	sdelay $0x3  }
0x33: {  	p0 =	seq.s32 s10, $0x1;
	s10 =	sld [smem:$0x3FB2];
	_ =	sdelay $0x3  }
0x34: {  	[smem:$0x3FB2] =	sst s10  }
0x35: {  	s10 =	sld [smem:$0x3FB1];
	_ =	sdelay $0x3  }
0x36: {  	p1 =	seq.s32 s10, $0x1;
	s10 =	sld [smem:$0x3FB2];
	_ =	sdelay $0x3  }
0x37: {  	[smem:$0x3FB2] =	sst s10  }
0x38: {  	s10 =	sld [smem:$0x3FB3]  }
0x39: {  	_ = 	snop;
	(pc) =	sbr.ind lr, $3  }
0x3a: {  	_ = 	snop  }
0x3b: {  	_ = 	snop  }
0x3c: {  	p2 =	seq.s32 s10, $0x1;
	s10 =	sld [smem:$0x3FB2]  }
0x3d: {  	_ =	shalt  }
0x3e: {  	_ =	shalt  }
0x3f: {  	_ =	shalt  }
0x40: {  	_ =	shalt  }
0x41: {  	_ =	shalt  }
0x42: {  	_ =	shalt  }
0x43: {  	_ =	shalt  }
0x44: {  	_ =	shalt  }
0x45: {  	_ =	shalt  }
0x46: {  	_ =	shalt  }
0x47: {  	_ =	shalt  }
0x48: {  	_ =	shalt  }
0x49: {  	_ =	shalt  }
0x4a: {  	_ =	shalt  }
0x4b: {  	_ =	shalt  }
0x4c: {  	_ =	shalt  }
0x4d: {  	_ =	shalt  }
0x4e: {  	_ =	shalt  }
0x4f: {  	_ =	shalt  }
0x50: {  	_ =	shalt  }
0x51: {  	_ =	shalt  }
0x52: {  	_ =	shalt  }
0x53: {  	_ =	shalt  }
0x54: {  	_ =	shalt  }
0x55: {  	_ =	shalt  }
0x56: {  	_ =	shalt  }
0x57: {  	_ =	shalt  }
0x58: {  	_ =	shalt  }
0x59: {  	_ =	shalt  }
0x5a: {  	_ =	shalt  }
0x5b: {  	_ =	shalt  }
0x5c: {  	_ =	shalt  }
0x5d: {  	_ =	shalt  }
0x5e: {  	_ =	shalt  }
0x5f: {  	_ =	shalt  }
0x60: {  	_ =	shalt  }
0x61: {  	_ =	shalt  }
0x62: {  	_ =	shalt  }
0x63: {  	_ =	shalt  }
0x64: {  	_ =	shalt  }
0x65: {  	_ =	shalt  }
0x66: {  	_ =	shalt  }
0x67: {  	_ =	shalt  }
0x68: {  	_ =	shalt  }
0x69: {  	_ =	shalt  }
0x6a: {  	_ =	shalt  }
0x6b: {  	_ =	shalt  }
0x6c: {  	_ =	shalt  }
0x6d: {  	_ =	shalt  }
0x6e: {  	_ =	shalt  }
0x6f: {  	_ =	shalt  }
0x70: {  	_ =	shalt  }
0x71: {  	_ =	shalt  }
0x72: {  	_ =	shalt  }
0x73: {  	_ =	shalt  }
0x74: {  	_ =	shalt  }
0x75: {  	_ =	shalt  }
0x76: {  	_ =	shalt  }
0x77: {  	_ =	shalt  }
0x78: {  	_ =	shalt  }
0x79: {  	_ =	shalt  }
0x7a: {  	_ =	shalt  }
0x7b: {  	_ =	shalt  }
0x7c: {  	_ =	shalt  }
0x7d: {  	_ =	shalt  }
0x7e: {  	_ =	shalt  }
0x7f: {  	_ =	shalt  }
0x80: {  	_ =	shalt  }
0x81: {  	_ =	shalt  }
0x82: {  	_ =	shalt  }
0x83: {  	_ =	shalt  }
0x84: {  	_ =	shalt  }
0x85: {  	_ =	shalt  }
0x86: {  	_ =	shalt  }
0x87: {  	_ =	shalt  }
.Lfunc_end0:
.L_simem_size_0:
called_computation.3_lowered:
.L_overlay_start_0:
0x88: {  	s2 =	sld [smem:$0x3FD9]  }
0x89: {  	s3 =	sld [smem:$0x3FFE];
	_ =	sdelay $0x1  }
0x8a: {  	s1 =	srdreg.scid  }
0x8b: {  	s0 =	sand.u32 $0x1, s1  }
0x8c: {  	s17 =	sshll.u32 s0, $0xA;
	s2 =	sadd.s32 s3, s2  }
0x8d: {  	s2 =	sadd.s32 s2, s17  }
0x8e: {  	[smem:$0x3FBE] =	sst s2  }
0x8f: {  	_ = 	snop  }
0x90: {  	s2 =	sld [smem:$0x3FC8];
	(tm) =	ssettm $0x1  }
0x91: {  	s18 =	sld [smem:$0x3FFB];
	_ =	sdelay $0x3  }
0x92: {  	_ =	strace s18  }
0x93: {  	s3 =	sld [smem:$0x3FFC];
	_ =	sdelay $0x3  }
0x94: {  	_ =	strace s3  }
0x95: {  	s3 =	sld [smem:$0x3FFD];
	_ =	sdelay $0x3  }
0x96: {  	_ =	strace s3  }
0x97: {  	_ =	strace $0x8FFFFFFF  }
0x98: {  	s19 =	sld [smem:$0x3FDB];
	_ =	sdelay $0x1  }
0x99: {  	s4 =	simm.s32 $_scs_section_size  }
0x9a: {  	s5 =	simm.s32 $_size__tile_overlayer_lowered;
	s6 =	simm.s32 $_tile_overlayer_lowered  }
0x9b: {  	s22 =	simm.s32 $0x1BFF;
	s21 =	sshll.u32 s6, $0x1;
	s3 =	sadd.s32 s4, s19  }
0x9c: {  	s7 =	simm.s32 $0x0;
	s20 =	sshll.u32 s5, $0x1;
	s5 =	sadd.s32 s21, s3  }
0x9d: {  	[timem:s7], [sflag:s22] =	dma.local [hbm:s5], s20  }
0x9e: {  	_ =	swait.ge [sflag:s22], s20  }
0x9f: {  	s4 =	ssub.s32 $0x0, s20;
	[sflag:s22] =	ssyncset.done $0x0  }
0xa0: {  	[sflag:s22] =	ssyncadd.s32 s4;
	_ =	sdelay $0x1  }
0xa1: {  	s23 =	simm.s32 $0x1B8B  }
0xa2: {  	_ =	swait.ge [sflag:s23], $0x1  }
0xa3: {  	[sflag:s23] =	ssyncset.done $0x0  }
0xa4: {  	s25 =	simm.s32 $0x1B8E;
	s24 =	sld [smem:$0x3FFE];
	[sflag:s23] =	ssyncadd.s32 $0xFFFFFFFF  }
0xa5: {  	s26 =	simm.s32 $execute0_lowered;
	[smem:$0x3FD2] =	sst s25  }
0xa6: {  	s5 =	sshll.u32 s26, $0x1;
	_ =	strace $0x8000004F;
	[dreg:$0x1] =	wrdreg $0xFFFFFFFF  }
0xa7: {  	s28 =	simm.s32 $_size_execute0_lowered;
	s3 =	sadd.s32 s3, s5;
	[dreg:$0x0] =	wrdreg $0x0  }
0xa8: {  	s5 =	sshll.u32 s28, $0x1;
	[dreg:$0x2] =	wrdreg s3  }
0xa9: {  	[dreg:$0x3] =	wrdreg s5  }
0xaa: {  	[dreg:$0x4] =	wrdreg $0xC0  }
0xab: {  	_ =	task [dreg:s7], $0x5FFFF  }
0xac: {  	[dreg:$0x1] =	wrdreg $0xFFFFFFFF  }
0xad: {  	[dreg:$0x0] =	wrdreg $0x60  }
0xae: {  	[dreg:$0x2] =	wrdreg s24  }
0xaf: {  	[dreg:$0x3] =	wrdreg s2  }
0xb0: {  	[dreg:$0x4] =	wrdreg $0x81000  }
0xb1: {  	[dreg:$0x5] =	wrdreg $0x9  }
0xb2: {  	_ =	task.clear_ibuf [dreg:s7], $0x6FFFF;
	_ =	strace $0x9000004F  }
0xb3: {  	s29 =	simm.s32 $0x9;
	_ =	strace $0x80000051  }
0xb4: {  	_ =	swait.ge [sflag:s29], $0x1  }
0xb5: {  	[sflag:s29] =	ssyncadd.s32 $0xFFFFFFFF  }
0xb6: {  	_ =	strace $0x90000051  }
0xb7: {  	_ =	sfence  }
0xb8: {  	s30 =	sld [smem:$0x0];
	_ =	sdelay $0x2  }
0xb9: {  	s31 =	sshll.u32 s1, $0xD;
	s1 =	sshrl.u32 s1, $0x2  }
0xba: {  	s3 =	sand.u32 $0x4000, s31;
	s1 =	sadd.s32 s1, s30  }
0xbb: {  	s0 =	sor.u32 s3, s0;
	s1 =	sshll.u32 s1, $0x11  }
0xbc: {  	s0 =	sor.u32 s1, s0  }
0xbd: {  	s0 =	sadd.s32 $0x8F2B, s0  }
0xbe: {  	[sflag:s0] =	ssyncadd.remote.s32 $0x1  }
0xbf: {  	_ =	sfence.sel $0xFFFF  }
0xc0: {  	[dreg:$0x0] =	wrdreg $0xFFFFFFFF;
	(pc) =	sbr.abs _section_cstart, $3  }
0xc1: {  	[dreg:$0x1] =	wrdreg $0xFFFFFFFF  }
0xc2: {  	_ =	task.clear_ibuf [dreg:s7], $0x2FFFF;
	_ =	strace $0x9FFFFFFF  }
0xc3: {  	(tm) =	ssettm $0x7FFFFFFF  }
tec
execute0_lowered:
.L_overlay_start_1:
0x0: {  	(tag) =	ssettag $0x1  }
0x1: {  	s4 =	rddreg [dreg:$0x0]  }
0x2: {  	s14 =	rddreg [dreg:$0x1]  }
0x3: {  	s0 =	srdreg.scid;
	s1 =	stileid.u32  }
0x4: {  	s2 =	rddreg [dreg:$0x2];
	s6 =	smul.u32 $0x13C00, s1  }
0x5: {  	s3 =	simm.s32 $0x0;
	s20 =	simm.s32 $0x1;
	s8 =	smul.u32 $0x4F000, s1  }
0x6: {  	s21 =	simm.s32 $0x2;
	s22 =	simm.s32 $0x1BD00;
	s16 =	smul.u32 $0x2710, s1  }
0x7: {  	s11 =	sand.u32 $0x1, s0;
	[smem:$0x7FF] =	sst s3;
	s18 =	smul.u32 $0x27100, s1  }
0x8: {  	s12 =	sadd.s32 $0x584C00, s4;
	s23 =	sshll.u32 s1, $0x1;
	s5 =	smul.u32 $0x13C000, s11  }
0x9: {  	s26 =	sshll.u32 s1, $0x6;
	s7 =	ssub.s32 $0x2, s11;
	s17 =	smul.u32 $0x1388, s11  }
0xa: {  	_ =	strace $0x80000050;
	s19 =	smul.u32 $0x13880, s11;
	s24 =	sshrl.u32 s7, $0x1  }
0xb: {  	s25 =	sshrl.u32 s8, $0x2;
	s5 =	sadd.s32 s6, s5;
	s6 =	sor.u32 s11, s23  }
0xc: {  	s13 =	ssub.s32 s7, s24;
	s15 =	sadd.s32 s25, s2;
	s16 =	sadd.s32 s17, s16  }
0xd: {  	s17 =	simm.s32 $0x80;
	s23 =	simm.s32 $0x1BD80;
	s24 =	simm.s32 $0x8  }
0xe: {  	s25 =	simm.s32 $0x0;
	s5 =	sshrl.u32 s5, $0x3;
	s9 =	smul.u32 $0x1388, s6  }
0xf: {  	s6 =	smul.u32 $0x9C400, s6;
	s11 =	smax.u32 s13, $0x1;
	s31 =	sadd.s32 $0x27180, s16  }
0x10: {  	s16 =	sadd.s32 $0x27100, s16;
	s15 =	sshrl.u32 s15, $0x3;
	s10 =	sadd.s32 s5, s4  }
0x11: {  	s5 =	sor.u32 $0x1C03, s26;
	s13 =	sshrl.u32 s31, $0x3;
	s16 =	sshrl.u32 s16, $0x3  }
0x12: {  	s4 =	sadd.s32 $0x535C00, s10;
	s28 =	sshrl.u32 s9, $0x3;
	s6 =	sshrl.u32 s6, $0x3  }
0x13: {  	s10 =	sadd.s32 $0x7F5C00, s10;
	s13 =	sadd.s32 s13, s14;
	s29 =	sadd.s32 s14, s28  }
0x14: {  	s30 =	sadd.s32 s12, s6;
	s12 =	sadd.s32 s18, s12;
	s14 =	sadd.s32 s16, s14  }
0x15: {  	s16 =	simm.s32 $0x3;
	s18 =	simm.s32 $0x4080;
	s6 =	sadd.s32 $0x5080, s29  }
0x16: {  	s7 =	sadd.s32 $0x13000, s30;
	s8 =	sadd.s32 $0x5090, s29;
	s12 =	sadd.s32 s19, s12  }
0x17: {  	s9 =	sadd.s32 $0x13800, s30;
	s19 =	simm.s32 $0x4100;
	s12 =	sadd.s32 $0x800, s12  }
.LBB2_1:
0x18: {  	[spmem:s15], [sflag:s5] =	dma.local [hbm:s4], $0x2780  }
0x19: {  	_ =	swait.ge [sflag:s16], $0x2780  }
0x1a: {  	[sflag:s16] =	ssyncset.done $0x0  }
0x1b: {  	[sflag:s16] =	ssyncadd.s32 $0xFFFFD880  }
0x1c: {  	s26 =	sadd.s32 $0x0, s14;
	[bflag:$0x0] =	sbarrier.arrive $0xFFFF  }
0x1d: {  	[tilespmem:s3], [sflag:$0x3] =	stream.linear.gather [hbm4b:s26+s3], $0x80, $0x38;
	[tilespmem:$0x1C180] =	vst v63  }
0x1e: {  	_ =	swait.ge [sflag:s16], $0x80  }
0x1f: {  	[sflag:s16] =	ssyncset.done $0x0  }
0x20: {  	s30 =	sadd.s32 $0xFFFFF800, s12;
	[sflag:s16] =	ssyncadd.s32 $0xFFFFFF80  }
0x21: {  	[tilespmem:s17], [sflag:$0x1] =	stream.linear.gather [hbm4b:s30+s3], $0x4000, $0x38;
	[tilespmem:$0x1C180] =	vst v63  }
0x22: {  	s31 =	sadd.s32 $0x0, s13  }
0x23: {  	[tilespmem:s18], [sflag:$0x3] =	stream.linear.gather [hbm4b:s31+s3], $0x80, $0x38;
	[tilespmem:$0x1C180] =	vst v63  }
0x24: {  	_ =	swait.ge [sflag:s16], $0x80  }
0x25: {  	[sflag:s16] =	ssyncset.done $0x0  }
0x26: {  	[sflag:s16] =	ssyncadd.s32 $0xFFFFFF80  }
0x27: {  	[tilespmem:s19], [sflag:$0x2] =	stream.linear.gather [hbm4b:s12+s3], $0x4000, $0x38;
	[tilespmem:$0x1C180] =	vst v63  }
0x28: {  	_ =	swait.ge [sflag:s20], $0x4000  }
0x29: {  	[sflag:s20] =	ssyncset.done $0x0  }
0x2a: {  	[sflag:s20] =	ssyncadd.s32 $0xFFFFC000  }
0x2b: {  	[spmem:s2] =	stream.indirect.scatter.add.f32 [tilespmem:s17], [sflag:$0x3], $0x80, s3, s17, $0xb8;
	[tilespmem:$0x1C180] =	vst v63  }
0x2c: {  	_ =	swait.ge [sflag:s16], $0x4000  }
0x2d: {  	[sflag:s16] =	ssyncset.done $0x0  }
0x2e: {  	[sflag:s16] =	ssyncadd.s32 $0xFFFFC000  }
0x2f: {  	_ =	swait.ge [sflag:s21], $0x4000  }
0x30: {  	[sflag:s21] =	ssyncset.done $0x0  }
0x31: {  	[sflag:s21] =	ssyncadd.s32 $0xFFFFC000  }
0x32: {  	[spmem:s2] =	stream.indirect.scatter.add.f32 [tilespmem:s19], [sflag:$0x3], $0x80, s18, s17, $0xb8;
	[tilespmem:$0x1C180] =	vst v63  }
0x33: {  	s28 =	simm.s32 $0x20;
	_ =	swait.ge [sflag:s16], $0x4000  }
0x34: {  	s29 =	simm.s32 $0x40;
	s26 =	sadd.s32 $0x1000, s12;
	[sflag:s16] =	ssyncset.done $0x0  }
.LBB2_2:
0x35: {  	s30 =	sadd.s32 s28, s14  }
0x36: {  	[sflag:s16] =	ssyncadd.s32 $0xFFFFC000;
	s31 =	smov.u32 s29;
	s0 =	sadd.s32 $0x20, s29  }
0x37: {  	[tilespmem:s3], [sflag:$0x3] =	stream.linear.gather [hbm4b:s30+s3], $0x80, $0x38;
	[tilespmem:$0x1C180] =	vst v63  }
0x38: {  	p0 =	sne.s32 s29, $0x240;
	_ =	swait.ge [sflag:s16], $0x80  }
0x39: {  	[sflag:s16] =	ssyncset.done $0x0  }
0x3a: {  	s29 =	sadd.s32 $0xFFFFF800, s26;
	[sflag:s16] =	ssyncadd.s32 $0xFFFFFF80  }
0x3b: {  	[tilespmem:s17], [sflag:$0x1] =	stream.linear.gather [hbm4b:s29+s3], $0x4000, $0x38;
	[tilespmem:$0x1C180] =	vst v63  }
0x3c: {  	s29 =	sadd.s32 s28, s13;
	s28 =	smov.u32 s31  }
0x3d: {  	[tilespmem:s18], [sflag:$0x3] =	stream.linear.gather [hbm4b:s29+s3], $0x80, $0x38;
	[tilespmem:$0x1C180] =	vst v63  }
0x3e: {  	_ =	swait.ge [sflag:s16], $0x80  }
0x3f: {  	[sflag:s16] =	ssyncset.done $0x0  }
0x40: {  	[sflag:s16] =	ssyncadd.s32 $0xFFFFFF80  }
0x41: {  	[tilespmem:s19], [sflag:$0x2] =	stream.linear.gather [hbm4b:s26+s3], $0x4000, $0x38;
	[tilespmem:$0x1C180] =	vst v63  }
0x42: {  	_ =	swait.ge [sflag:s20], $0x4000  }
0x43: {  	[sflag:s20] =	ssyncset.done $0x0  }
0x44: {  	[sflag:s20] =	ssyncadd.s32 $0xFFFFC000  }
0x45: {  	[spmem:s2] =	stream.indirect.scatter.add.f32 [tilespmem:s17], [sflag:$0x3], $0x80, s3, s17, $0xb8;
	[tilespmem:$0x1C180] =	vst v63  }
0x46: {  	_ =	swait.ge [sflag:s16], $0x4000  }
0x47: {  	[sflag:s16] =	ssyncset.done $0x0  }
0x48: {  	[sflag:s16] =	ssyncadd.s32 $0xFFFFC000  }
0x49: {  	_ =	swait.ge [sflag:s21], $0x4000  }
.Ltmp0:
0x4a: {  	[sflag:s21] =	ssyncset.done $0x0;
	(pc) =	sbr.rel @p0 .LBB2_2-.Ltmp0, $4  }
0x4b: {  	[sflag:s21] =	ssyncadd.s32 $0xFFFFC000  }
0x4c: {  	[spmem:s2] =	stream.indirect.scatter.add.f32 [tilespmem:s19], [sflag:$0x3], $0x80, s18, s17, $0xb8;
	[tilespmem:$0x1C180] =	vst v63  }
0x4d: {  	_ =	swait.ge [sflag:s16], $0x4000  }
0x4e: {  	s29 =	smov.u32 s0;
	s26 =	sadd.s32 $0x1000, s26;
	[sflag:s16] =	ssyncset.done $0x0  }
0x4f: {  	s0 =	sadd.s32 s28, s14;
	[sflag:s16] =	ssyncadd.s32 $0xFFFFC000  }
0x50: {  	[tilespmem:s3], [sflag:$0x3] =	stream.linear.gather [hbm4b:s0+s3], $0x80, $0x38;
	[tilespmem:$0x1C180] =	vst v63  }
0x51: {  	_ =	swait.ge [sflag:s16], $0x80  }
0x52: {  	[sflag:s16] =	ssyncset.done $0x0  }
0x53: {  	s30 =	sadd.s32 $0xFFFFF800, s26;
	[sflag:s16] =	ssyncadd.s32 $0xFFFFFF80  }
0x54: {  	[tilespmem:s17], [sflag:$0x1] =	stream.linear.gather [hbm4b:s30+s3], $0x4000, $0x38;
	[tilespmem:$0x1C180] =	vst v63  }
0x55: {  	s31 =	sadd.s32 s28, s13  }
0x56: {  	[tilespmem:s18], [sflag:$0x3] =	stream.linear.gather [hbm4b:s31+s3], $0x80, $0x38;
	[tilespmem:$0x1C180] =	vst v63  }
0x57: {  	_ =	swait.ge [sflag:s16], $0x80  }
0x58: {  	[sflag:s16] =	ssyncset.done $0x0  }
0x59: {  	[sflag:s16] =	ssyncadd.s32 $0xFFFFFF80  }
0x5a: {  	[tilespmem:s19], [sflag:$0x2] =	stream.linear.gather [hbm4b:s26+s3], $0x4000, $0x38;
	[tilespmem:$0x1C180] =	vst v63  }
0x5b: {  	_ =	swait.ge [sflag:s20], $0x4000  }
0x5c: {  	[sflag:s20] =	ssyncset.done $0x0  }
0x5d: {  	[sflag:s20] =	ssyncadd.s32 $0xFFFFC000  }
0x5e: {  	[spmem:s2] =	stream.indirect.scatter.add.f32 [tilespmem:s17], [sflag:$0x3], $0x80, s3, s17, $0xb8;
	[tilespmem:$0x1C180] =	vst v63  }
0x5f: {  	_ =	swait.ge [sflag:s16], $0x4000  }
0x60: {  	[sflag:s16] =	ssyncset.done $0x0  }
0x61: {  	[sflag:s16] =	ssyncadd.s32 $0xFFFFC000  }
0x62: {  	_ =	swait.ge [sflag:s21], $0x4000  }
0x63: {  	[sflag:s21] =	ssyncset.done $0x0  }
0x64: {  	[sflag:s21] =	ssyncadd.s32 $0xFFFFC000  }
0x65: {  	[spmem:s2] =	stream.indirect.scatter.add.f32 [tilespmem:s19], [sflag:$0x3], $0x80, s18, s17, $0xb8;
	[tilespmem:$0x1C180] =	vst v63  }
0x66: {  	_ =	swait.ge [sflag:s16], $0x4000  }
0x67: {  	[sflag:s16] =	ssyncset.done $0x0  }
0x68: {  	[sflag:s16] =	ssyncadd.s32 $0xFFFFC000  }
0x69: {  	[tilespmem:s3], [sflag:$0x3] =	stream.linear.gather [hbm4b:s6+s3], $0x80, $0x38;
	[tilespmem:$0x1C180] =	vst v63  }
0x6a: {  	_ =	swait.ge [sflag:s16], $0x80  }
0x6b: {  	[sflag:s16] =	ssyncset.done $0x0  }
0x6c: {  	[sflag:s16] =	ssyncadd.s32 $0xFFFFFF80  }
0x6d: {  	[tilespmem:s17], [sflag:$0x1] =	stream.linear.gather [hbm4b:s7+s3], $0x4000, $0x38;
	[tilespmem:$0x1C180] =	vst v63  }
0x6e: {  	_ =	swait.ge [sflag:s20], $0x4000  }
0x6f: {  	[sflag:s20] =	ssyncset.done $0x0  }
0x70: {  	[sflag:s20] =	ssyncadd.s32 $0xFFFFC000  }
0x71: {  	[spmem:s2] =	stream.indirect.scatter.add.f32 [tilespmem:s17], [sflag:$0x3], $0x80, s3, s17, $0xb8;
	[tilespmem:$0x1C180] =	vst v63  }
0x72: {  	_ =	swait.ge [sflag:s16], $0x4000  }
0x73: {  	[sflag:s16] =	ssyncset.done $0x0  }
0x74: {  	[sflag:s16] =	ssyncadd.s32 $0xFFFFC000  }
0x75: {  	[tilespmem:s22], [sflag:$0x3] =	stream.linear.gather [hbm4b:s8+s3], $0x8, $0x38;
	[tilespmem:$0x1C180] =	vst v63  }
0x76: {  	_ =	swait.ge [sflag:s16], $0x8  }
0x77: {  	[sflag:s16] =	ssyncset.done $0x0  }
0x78: {  	[sflag:s16] =	ssyncadd.s32 $0xFFFFFFF8  }
0x79: {  	[tilespmem:s23], [sflag:$0x1] =	stream.linear.gather [hbm4b:s9+s3], $0x400, $0x38;
	[tilespmem:$0x1C180] =	vst v63  }
0x7a: {  	_ =	swait.ge [sflag:s20], $0x400  }
0x7b: {  	[sflag:s20] =	ssyncset.done $0x0  }
0x7c: {  	[sflag:s20] =	ssyncadd.s32 $0xFFFFFC00  }
0x7d: {  	[spmem:s2] =	stream.indirect.scatter.add.f32 [tilespmem:s23], [sflag:$0x3], $0x80, s22, s24, $0xb8;
	[tilespmem:$0x1C180] =	vst v63  }
0x7e: {  	_ =	swait.ge [sflag:s16], $0x400  }
0x7f: {  	s25 =	sadd.s32 $0x1, s25;
	[sflag:s16] =	ssyncset.done $0x0  }
0x80: {  	p0 =	sne.s32 s25, s11;
	[sflag:s16] =	ssyncadd.s32 $0xFFFFFC00  }
.Ltmp1:
0x81: {  	[bflag:$0x0] =	sbarrier.arrive $0xFFFF;
	(pc) =	sbr.rel @p0 .LBB2_1-.Ltmp1, $4  }
0x82: {  	[hbm:s10], [sflag:s5] =	dma.local [spmem:s15], $0x2780  }
0x83: {  	_ =	swait.ge [sflag:s16], $0x2780  }
0x84: {  	[sflag:s16] =	ssyncset.done $0x0  }
0x85: {  	[sflag:s16] =	ssyncadd.s32 $0xFFFFD880  }
0x86: {  	_ =	sfence.sel $0x180000  }
0x87: {  	[bflag:$0x0] =	sbarrier.arrive $0xFFFF  }
0x88: {  	_ =	strace $0x90000050  }
0x89: {  	[bflag:$0x2] =	sbarrier.arrive $0xFFFF  }
0x8a: {  	p0 =	sne.s32 s1, $0x0;
	s0 =	rddreg [dreg:$0x3]  }
0x8b: {  	s0 =	sadd.s32 @!p0 $0x100000, s0  }
0x8c: {  	[sflag:s0] =	ssyncadd.tile.s32 @!p0 $0x1;
	_ =	shalt  }
.Lfunc_end2:
_tile_overlayer_lowered:
.L_overlay_start_2:
0x8d: {  	(tag) =	ssettag $0x2  }
0x8e: {  	s0 =	rddreg [dreg:$0x0];
	s2 =	stileid.u32  }
0x8f: {  	s1 =	rddreg [dreg:$0x1];
	p0 =	sne.s32 s2, $0x0  }
0x90: {  	s3 =	rddreg [dreg:$0x2];
	[bflag:$0x3] =	sbarrier.arrive $0xFFFF;
	s2 =	simm.s32 @!p0 $0x1C03  }
0x91: {  	[timem:s3], [sflag:s2] =	dma.local @!p0 [hbm:s0], s1  }
0x92: {  	s0 =	simm.s32 @!p0 $0x3  }
0x93: {  	_ =	swait.ge @!p0 [sflag:s0], s1  }
0x94: {  	s1 =	ssub.s32 @!p0 $0x0, s1;
	[sflag:s0] =	ssyncset.done @!p0 $0x0  }
0x95: {  	[sflag:s0] =	ssyncadd.s32 @!p0 s1  }
0x96: {  	[bflag:$0x3] =	sbarrier.arrive $0xFFFF  }
0x97: {  	_ =	shalt  }

</sc_bundles>
